<compile_context>
chip_gen: v7x
topology: tpu7x:2x2x1
jax: 0.10.2.dev20260603
libtpu: 0.0.44.dev20260713+nightly
codegen_flags: <defaults>
</compile_context>

<pallas_src>
import functools

import jax
import jax.numpy as jnp
from jax import lax
from jax.experimental import pallas as pl
from jax.experimental.pallas import tpu as pltpu
from jax.experimental.pallas import tpu_sc as plsc

N = 10000
E = 320000
D = 128
NP = 10240
DCHUNK = 128
CHUNK = 64
BLK = 1280


def _sc_dims():
    try:
        info = plsc.get_sparse_core_info()
        return info.num_cores, info.num_subcores
    except Exception:
        return 2, 16



def _make_deg_kernel(cpt, nc, ns):
    mesh = plsc.VectorSubcoreMesh(
        core_axis_name="c", subcore_axis_name="s",
        num_cores=nc, num_subcores=ns)
    rpt = NP // ns
    zi = rpt // DCHUNK

    @functools.partial(
        pl.kernel,
        out_type=jax.ShapeDtypeStruct((nc * NP,), jnp.float32),
        mesh=mesh,
        compiler_params=pltpu.CompilerParams(use_tc_tiling_on_sc=False),
        scratch_types=[
            pltpu.VMEM((cpt, DCHUNK), jnp.int32),
            pltpu.VMEM((DCHUNK,), jnp.float32),
            pltpu.VMEM((DCHUNK,), jnp.float32),
            pltpu.VMEM_SHARED((NP,), jnp.float32),
        ],
    )
    def deg_kernel(dst_hbm, out_hbm, dst_idx, ones_v, zero_v, acc):
        c = lax.axis_index("c")
        s = lax.axis_index("s")
        wid = c * ns + s

        def setbody(i, _):
            ones_v[pl.ds(i * 16, 16)] = jnp.ones((16,), jnp.float32)
            zero_v[pl.ds(i * 16, 16)] = jnp.zeros((16,), jnp.float32)
            return 0
        lax.fori_loop(0, DCHUNK // 16, setbody, 0)

        for k in range(zi):
            pltpu.sync_copy(zero_v, acc.at[pl.ds((s * zi + k) * DCHUNK, DCHUNK)])
        plsc.subcore_barrier()

        pltpu.sync_copy(dst_hbm.at[pl.ds(wid * cpt, cpt)], dst_idx)

        def body(j, _):
            pltpu.sync_copy(ones_v, acc.at[dst_idx.at[j]], add=True)
            return 0
        lax.fori_loop(0, cpt, body, 0)

        plsc.subcore_barrier()
        pltpu.sync_copy(acc.at[pl.ds(s * rpt, rpt)],
                        out_hbm.at[pl.ds(c * NP + s * rpt, rpt)])

    return deg_kernel


def _make_agg_kernel(cpt, nc, ns):
    mesh = plsc.VectorSubcoreMesh(
        core_axis_name="c", subcore_axis_name="s",
        num_cores=nc, num_subcores=ns)
    rpt = NP // ns
    zi = rpt // CHUNK

    @functools.partial(
        pl.kernel,
        out_type=jax.ShapeDtypeStruct((nc, NP, D), jnp.float32),
        mesh=mesh,
        compiler_params=pltpu.CompilerParams(use_tc_tiling_on_sc=False),
        scratch_types=[
            pltpu.VMEM((cpt, CHUNK), jnp.int32),
            pltpu.VMEM((cpt, CHUNK), jnp.int32),
            [pltpu.VMEM((CHUNK, D), jnp.float32)] * 3,
            pltpu.VMEM_SHARED((NP, D), jnp.float32),
            [pltpu.SemaphoreType.DMA] * 3,
            [pltpu.SemaphoreType.DMA] * 3,
        ],
    )
    def agg_kernel(g_hbm, src_hbm, dst_hbm, out_hbm,
                   src_idx, dst_idx, bufs, acc, gsem, ssem):
        c = lax.axis_index("c")
        s = lax.axis_index("s")
        wid = c * ns + s
        base = wid * cpt

        def start_g(j, u):
            pltpu.async_copy(g_hbm.at[src_idx.at[j]], bufs[u], gsem[u])

        def wait_g(j, u):
            pltpu.make_async_copy(g_hbm.at[src_idx.at[j]], bufs[u], gsem[u]).wait()

        def start_s(j, u):
            pltpu.async_copy(bufs[u], acc.at[dst_idx.at[j]], ssem[u], add=True)

        def wait_s(j, u):
            pltpu.make_async_copy(bufs[u], acc.at[dst_idx.at[j]], ssem[u]).wait()

        def zb(i, _):
            bufs[0][i // (D // 16), pl.ds((i % (D // 16)) * 16, 16)] = (
                jnp.zeros((16,), jnp.float32))
            return 0
        lax.fori_loop(0, CHUNK * (D // 16), zb, 0)
        for k in range(zi):
            pltpu.sync_copy(bufs[0], acc.at[pl.ds((s * zi + k) * CHUNK, CHUNK)])
        plsc.subcore_barrier()

        pltpu.sync_copy(src_hbm.at[pl.ds(base, cpt)], src_idx)
        pltpu.sync_copy(dst_hbm.at[pl.ds(base, cpt)], dst_idx)

        start_g(0, 0)
        start_g(1, 1)
        start_g(2, 2)
        wait_g(0, 0)
        start_s(0, 0)
        for j in range(1, 3):
            wait_s(j - 1, (j + 2) % 3)
            start_g(j + 2, (j + 2) % 3)
            wait_g(j, j % 3)
            start_s(j, j % 3)

        def trip(kk, _):
            j0 = 3 * kk
            for u in range(3):
                j = j0 + u
                u2 = (u + 2) % 3
                wait_s(j - 1, u2)

                @pl.when(j + 2 < cpt)
                def _():
                    start_g(j + 2, u2)

                wait_g(j, u)
                start_s(j, u)
            return 0
        lax.fori_loop(1, cpt // 3, trip, 0)
        for j in range(3 * (cpt // 3), cpt):
            u = j % 3
            wait_s(j - 1, (u + 2) % 3)
            wait_g(j, u)
            start_s(j, u)
        wait_s(cpt - 1, (cpt - 1) % 3)

        plsc.subcore_barrier()
        pltpu.sync_copy(acc.at[pl.ds(s * rpt, rpt)],
                        out_hbm.at[c, pl.ds(s * rpt, rpt)])

    return agg_kernel



def _mm1_body(x_ref, w_ref, o_ref):
    o_ref[...] = jnp.dot(x_ref[...], w_ref[...],
                         preferred_element_type=jnp.float32)


def _scale_body(deg_ref, h_ref, o_ref):
    dinv = lax.rsqrt(1.0 + deg_ref[0, :] + deg_ref[1, :])
    o_ref[...] = h_ref[...] * dinv[:, None]


def _mm2_body(deg_ref, p_ref, g1_ref, b1_ref, w_ref, o_ref):
    dinv = lax.rsqrt(1.0 + deg_ref[0, :] + deg_ref[1, :])
    agg = p_ref[0] + p_ref[1] + g1_ref[...]
    t = jnp.maximum(agg * dinv[:, None] + b1_ref[...], 0.0)
    o_ref[...] = jnp.dot(t * dinv[:, None], w_ref[...],
                         preferred_element_type=jnp.float32)


def _fin_body(deg_ref, q_ref, g2_ref, b2_ref, o_ref):
    dinv = lax.rsqrt(1.0 + deg_ref[0, :] + deg_ref[1, :])
    agg = q_ref[0] + q_ref[1] + g2_ref[...]
    o_ref[...] = agg * dinv[:, None] + b2_ref[...]


def _mm1_call(xp, w):
    return pl.pallas_call(
        _mm1_body,
        grid=(NP // BLK,),
        in_specs=[
            pl.BlockSpec((BLK, D), lambda i: (i, 0)),
            pl.BlockSpec((D, D), lambda i: (0, 0)),
        ],
        out_specs=pl.BlockSpec((BLK, D), lambda i: (i, 0)),
        out_shape=jax.ShapeDtypeStruct((NP, D), jnp.float32),
    )(xp, w)


def _scale_call(degp, h):
    return pl.pallas_call(
        _scale_body,
        grid=(NP // BLK,),
        in_specs=[
            pl.BlockSpec((2, BLK), lambda i: (0, i)),
            pl.BlockSpec((BLK, D), lambda i: (i, 0)),
        ],
        out_specs=pl.BlockSpec((BLK, D), lambda i: (i, 0)),
        out_shape=jax.ShapeDtypeStruct((NP, D), jnp.float32),
    )(degp, h)


def _mm2_call(degp, p, g1, b1, w):
    return pl.pallas_call(
        _mm2_body,
        grid=(NP // BLK,),
        in_specs=[
            pl.BlockSpec((2, BLK), lambda i: (0, i)),
            pl.BlockSpec((2, BLK, D), lambda i: (0, i, 0)),
            pl.BlockSpec((BLK, D), lambda i: (i, 0)),
            pl.BlockSpec((D,), lambda i: (0,)),
            pl.BlockSpec((D, D), lambda i: (0, 0)),
        ],
        out_specs=pl.BlockSpec((BLK, D), lambda i: (i, 0)),
        out_shape=jax.ShapeDtypeStruct((NP, D), jnp.float32),
    )(degp, p, g1, b1, w)


def _fin_call(degp, q, g2, b2):
    return pl.pallas_call(
        _fin_body,
        grid=(NP // BLK,),
        in_specs=[
            pl.BlockSpec((2, BLK), lambda i: (0, i)),
            pl.BlockSpec((2, BLK, D), lambda i: (0, i, 0)),
            pl.BlockSpec((BLK, D), lambda i: (i, 0)),
            pl.BlockSpec((D,), lambda i: (0,)),
        ],
        out_specs=pl.BlockSpec((BLK, D), lambda i: (i, 0)),
        out_shape=jax.ShapeDtypeStruct((NP, D), jnp.float32),
    )(degp, q, g2, b2)



def kernel(x, edge_index, W1, b1, W2, b2):
    nc, ns = _sc_dims()
    ntiles = nc * ns
    cpt_deg = -(-E // (ntiles * DCHUNK * 8)) * 8
    epad_deg = cpt_deg * ntiles * DCHUNK
    cpt_agg = -(-E // (ntiles * CHUNK * 8)) * 8
    epad_agg = cpt_agg * ntiles * CHUNK

    src = edge_index[0].astype(jnp.int32)
    dst = edge_index[1].astype(jnp.int32)
    pad_src = jnp.arange(epad_agg - E, dtype=jnp.int32) % N
    pad_dst = jnp.arange(epad_agg - E, dtype=jnp.int32) % (NP - N) + N
    pad_dstd = jnp.arange(epad_deg - E, dtype=jnp.int32) % (NP - N) + N
    srcp = jnp.concatenate([src, pad_src]).reshape(-1, CHUNK)
    dstp = jnp.concatenate([dst, pad_dst]).reshape(-1, CHUNK)
    dstd = jnp.concatenate([dst, pad_dstd]).reshape(-1, DCHUNK)
    xp = jnp.pad(x, ((0, NP - N), (0, 0)))

    deg_k = _make_deg_kernel(cpt_deg, nc, ns)
    agg_k = _make_agg_kernel(cpt_agg, nc, ns)

    degp = deg_k(dstd).reshape(nc, NP)
    h1 = _mm1_call(xp, W1)
    g1 = _scale_call(degp, h1)
    p = agg_k(g1, srcp, dstp)
    g2 = _mm2_call(degp, p, g1, b1, W2)
    q = agg_k(g2, srcp, dstp)
    out = _fin_call(degp, q, g2, b2)
    return out[:N]

# --- scband reference (transcript-rebuilt; emitter-appended) ---
"""Pipeline reference for scband-gnnmodel-3332894622673 (READ-ONLY COPY).

The authoritative reference and input builder live on the scoring server;
editing this copy changes nothing except your own understanding.
"""

import jax, jax.numpy as jnp
import numpy as np

N = 10000
E = 320000
D_IN = 128
D_HID = 128
D_OUT = 128


def gcn_conv(x, src, dst, W, b):
    # PyG GCNConv: add self loops, symmetric normalization, linear transform, scatter-add aggregation
    n = x.shape[0]
    loop = jnp.arange(n, dtype=src.dtype)
    s = jnp.concatenate([src, loop])
    d = jnp.concatenate([dst, loop])
    deg = jnp.zeros((n,), dtype=x.dtype).at[d].add(1.0)
    dinv = jnp.where(deg > 0, 1.0 / jnp.sqrt(deg), 0.0)
    norm = dinv[s] * dinv[d]
    h = x @ W
    msg = h[s] * norm[:, None]
    out = jnp.zeros((n, h.shape[1]), dtype=x.dtype).at[d].add(msg)
    return out + b


def setup_inputs(seed: int = 0) -> dict:
    key = jax.random.key(seed)
    ks = jax.random.split(key, 6)
    x = jax.random.normal(ks[0], (N, D_IN), dtype=jnp.float32)
    edge_index = jax.random.randint(ks[1], (2, E), 0, N)
    W1 = jax.random.normal(ks[2], (D_IN, D_HID), dtype=jnp.float32) * (1.0 / np.sqrt(D_IN))
    b1 = jnp.zeros((D_HID,), dtype=jnp.float32)
    W2 = jax.random.normal(ks[3], (D_HID, D_OUT), dtype=jnp.float32) * (1.0 / np.sqrt(D_HID))
    b2 = jnp.zeros((D_OUT,), dtype=jnp.float32)
    return {"x": x, "edge_index": edge_index, "W1": W1, "b1": b1, "W2": W2, "b2": b2}


def reference(x, edge_index, W1, b1, W2, b2):
    # GNNModel forward (eval mode: dropout = identity):
    # GCNConv -> ReLU -> (Dropout) -> GCNConv
    src = edge_index[0]
    dst = edge_index[1]
    h = gcn_conv(x, src, dst, W1, b1)
    h = jax.nn.relu(h)
    out = gcn_conv(h, src, dst, W2, b2)
    return out

if __name__ == "__main__":
    import jax
    _d = setup_inputs()
    print(jax.jit(kernel)(*tuple(_d.values())))

</pallas_src>

<mosaic_0001>
#map = affine_map<(d0, d1) -> (0, 0)>
#map1 = affine_map<(d0, d1) -> (0, 0, 0)>
module attributes {stable_mosaic.version = 14 : i64} {
  func.func @agg_kernel(%arg0: i32, %arg1: i32, %arg2: memref<10240x128xf32, #tpu.memory_space<hbm>>, %arg3: memref<5120x64xi32, #tpu.memory_space<hbm>>, %arg4: memref<5120x64xi32, #tpu.memory_space<hbm>>, %arg5: memref<2x10240x128xf32, #tpu.memory_space<hbm>>, %arg6: memref<160x64xi32, #tpu.memory_space<vmem>>, %arg7: memref<160x64xi32, #tpu.memory_space<vmem>>, %arg8: memref<64x128xf32, #tpu.memory_space<vmem>>, %arg9: memref<64x128xf32, #tpu.memory_space<vmem>>, %arg10: memref<64x128xf32, #tpu.memory_space<vmem>>, %arg11: memref<10240x128xf32, #tpu.memory_space<vmem_shared>>, %arg12: memref<!tpu.dma_semaphore, #tpu.memory_space<semaphore_mem>>, %arg13: memref<!tpu.dma_semaphore, #tpu.memory_space<semaphore_mem>>, %arg14: memref<!tpu.dma_semaphore, #tpu.memory_space<semaphore_mem>>, %arg15: memref<!tpu.dma_semaphore, #tpu.memory_space<semaphore_mem>>, %arg16: memref<!tpu.dma_semaphore, #tpu.memory_space<semaphore_mem>>, %arg17: memref<!tpu.dma_semaphore, #tpu.memory_space<semaphore_mem>>) attributes {dimension_semantics = [#tpu.dimension_semantics<core_parallel>, #tpu.dimension_semantics<subcore_parallel>], iteration_bounds = array<i64: 2, 16>, scalar_prefetch = 0 : i64, scratch_operands = 12 : i64, tpu.core_type = #tpu.core_type<sc_vector_subcore>, window_params = [{transform_indices = #map}, {transform_indices = #map}, {transform_indices = #map}, {transform_indices = #map1}]} {
    %mul3A = arith.constant 16 : i32
    %mul3A_0 = arith.muli %arg0, %mul3A : i32
    %add3A = arith.addi %mul3A_0, %arg1 : i32
    %mul3A_1 = arith.constant 160 : i32
    %mul3A_2 = arith.muli %add3A, %mul3A_1 : i32
    %scan3A = arith.constant 0 : i32
    %scan3A_3 = arith.constant 0 : i32
    %scan3A_4 = arith.constant 512 : i32
    %scan3A_5 = arith.addi %scan3A_3, %scan3A_4 : i32
    %scan3A_6 = arith.constant 1 : i32
    %scan3A_7 = scf.for %scan3A_198 = %scan3A_3 to %scan3A_5 step %scan3A_6 iter_args(%scan3A_199 = %scan3A) -> (i32)  : i32 {
      %broadcast_in_dim3A = arith.constant 0.000000e+00 : f32
      %broadcast_in_dim3A_200 = vector.broadcast %broadcast_in_dim3A : f32 to vector<16xf32>
      %jit3A = arith.constant 8 : i32
      %div3A = arith.divsi %scan3A_198, %jit3A : i32
      %sign3A = arith.constant 0 : i32
      %sign3A_201 = arith.cmpi sgt, %scan3A_198, %sign3A : i32
      %sign3A_202 = arith.extui %sign3A_201 : i1 to i32
      %sign3A_203 = arith.constant 0 : i32
      %sign3A_204 = arith.cmpi slt, %scan3A_198, %sign3A_203 : i32
      %sign3A_205 = arith.extui %sign3A_204 : i1 to i32
      %sign3A_206 = arith.subi %sign3A_202, %sign3A_205 : i32
      %sign3A_207 = arith.constant 0 : i32
      %sign3A_208 = arith.cmpi sgt, %jit3A, %sign3A_207 : i32
      %sign3A_209 = arith.extui %sign3A_208 : i1 to i32
      %sign3A_210 = arith.constant 0 : i32
      %sign3A_211 = arith.cmpi slt, %jit3A, %sign3A_210 : i32
      %sign3A_212 = arith.extui %sign3A_211 : i1 to i32
      %sign3A_213 = arith.subi %sign3A_209, %sign3A_212 : i32
      %ne3A = arith.cmpi ne, %sign3A_206, %sign3A_213 : i32
      %rem3A = arith.remsi %scan3A_198, %jit3A : i32
      %ne3A_214 = arith.constant 0 : i32
      %ne3A_215 = arith.cmpi ne, %rem3A, %ne3A_214 : i32
      %and3A = arith.andi %ne3A, %ne3A_215 : i1
      %sub3A = arith.constant 1 : i32
      %sub3A_216 = arith.subi %div3A, %sub3A : i32
      %select_n3A = arith.select %and3A, %sub3A_216, %div3A : i32
      %jit3A_217 = arith.constant 8 : i32
      %eq3A = arith.constant 0 : i32
      %eq3A_218 = arith.cmpi eq, %jit3A_217, %eq3A : i32
      %jit3A_219 = arith.constant 1 : i32
      %select_n3A_220 = arith.select %eq3A_218, %jit3A_219, %jit3A_217 : i32
      %rem3A_221 = arith.remsi %scan3A_198, %select_n3A_220 : i32
      %ne3A_222 = arith.constant 0 : i32
      %ne3A_223 = arith.cmpi ne, %rem3A_221, %ne3A_222 : i32
      %lt3A = arith.constant 0 : i32
      %lt3A_224 = arith.cmpi slt, %rem3A_221, %lt3A : i32
      %lt3A_225 = arith.constant 0 : i32
      %lt3A_226 = arith.cmpi slt, %select_n3A_220, %lt3A_225 : i32
      %ne3A_227 = arith.xori %lt3A_224, %lt3A_226 : i1
      %and3A_228 = arith.andi %ne3A_227, %ne3A_223 : i1
      %add3A_229 = arith.addi %rem3A_221, %select_n3A_220 : i32
      %select_n3A_230 = arith.select %and3A_228, %add3A_229, %rem3A_221 : i32
      %mul3A_231 = arith.constant 16 : i32
      %mul3A_232 = arith.muli %select_n3A_230, %mul3A_231 : i32
      %swap3A = arith.index_cast %select_n3A : i32 to index
      %swap3A_233 = arith.index_cast %mul3A_232 : i32 to index
      %swap3A_234 = tpu.vector_load %arg8[%swap3A, %swap3A_233] {strides = array<i32>} : memref<64x128xf32, #tpu.memory_space<vmem>>, vector<1x16xf32>,
      %swap3A_235 = vector.shape_cast %swap3A_234 : vector<1x16xf32> to vector<16xf32>
      %swap3A_236 = vector.shape_cast %broadcast_in_dim3A_200 : vector<16xf32> to vector<1x16xf32>
      tpu.vector_store %arg8[%swap3A, %swap3A_233], %swap3A_236 {strides = array<i32>} : memref<64x128xf32, #tpu.memory_space<vmem>>, vector<1x16xf32>,
      %scan3A_237 = arith.constant 0 : i32
      scf.yield %scan3A_237 : i32
    }
    %scan3A_8 = arith.constant 512 : i32
    %mul3A_9 = arith.constant 10 : i32
    %mul3A_10 = arith.muli %arg1, %mul3A_9 : i32
    %add3A_11 = arith.constant 0 : i32
    %add3A_12 = arith.addi %mul3A_10, %add3A_11 : i32
    %mul3A_13 = arith.constant 64 : i32
    %mul3A_14 = arith.muli %add3A_12, %mul3A_13 : i32
    "tpu.region"() ({
      %run_scoped3A = tpu.sem_alloc : memref<!tpu.dma_semaphore, #tpu.memory_space<semaphore_mem>>
      %dma_start3A_198 = arith.constant 0 : i32
      %dma_start3A_199 = tpu.memref_slice %arg11[%mul3A_14, %dma_start3A_198] : memref<10240x128xf32, #tpu.memory_space<vmem_shared>> -> memref<64x128xf32, #tpu.memory_space<vmem_shared>>
      %dma_start3A_200 = arith.constant 0 : i32
      %dma_start3A_201 = tpu.memref_slice %arg11[%mul3A_14, %dma_start3A_200] : memref<10240x128xf32, #tpu.memory_space<vmem_shared>> -> memref<64x128xf32, #tpu.memory_space<vmem_shared>>
      tpu.enqueue_dma source(%arg8 : memref<64x128xf32, #tpu.memory_space<vmem>>) target(%dma_start3A_201 : memref<64x128xf32, #tpu.memory_space<vmem_shared>>) target_semaphore(%run_scoped3A : memref<!tpu.dma_semaphore, #tpu.memory_space<semaphore_mem>>)
      %dma_wait3A_202 = arith.constant 0 : i32
      %dma_wait3A_203 = tpu.memref_slice %arg11[%mul3A_14, %dma_wait3A_202] : memref<10240x128xf32, #tpu.memory_space<vmem_shared>> -> memref<64x128xf32, #tpu.memory_space<vmem_shared>>
      %dma_wait3A_204 = arith.constant 0 : i32
      %dma_wait3A_205 = tpu.memref_slice %arg11[%mul3A_14, %dma_wait3A_204] : memref<10240x128xf32, #tpu.memory_space<vmem_shared>> -> memref<64x128xf32, #tpu.memory_space<vmem_shared>>
      tpu.wait_dma2 semaphore(%run_scoped3A : memref<!tpu.dma_semaphore, #tpu.memory_space<semaphore_mem>>) src(%arg8 : memref<64x128xf32, #tpu.memory_space<vmem>>) dst(%dma_wait3A_205 : memref<64x128xf32, #tpu.memory_space<vmem_shared>>)
      tpu.yield
    }) : () -> ()
    %mul3A_15 = arith.constant 10 : i32
    %mul3A_16 = arith.muli %arg1, %mul3A_15 : i32
    %add3A_17 = arith.constant 1 : i32
    %add3A_18 = arith.addi %mul3A_16, %add3A_17 : i32
    %mul3A_19 = arith.constant 64 : i32
    %mul3A_20 = arith.muli %add3A_18, %mul3A_19 : i32
    "tpu.region"() ({
      %run_scoped3A = tpu.sem_alloc : memref<!tpu.dma_semaphore, #tpu.memory_space<semaphore_mem>>
      %dma_start3A_198 = arith.constant 0 : i32
      %dma_start3A_199 = tpu.memref_slice %arg11[%mul3A_20, %dma_start3A_198] : memref<10240x128xf32, #tpu.memory_space<vmem_shared>> -> memref<64x128xf32, #tpu.memory_space<vmem_shared>>
      %dma_start3A_200 = arith.constant 0 : i32
      %dma_start3A_201 = tpu.memref_slice %arg11[%mul3A_20, %dma_start3A_200] : memref<10240x128xf32, #tpu.memory_space<vmem_shared>> -> memref<64x128xf32, #tpu.memory_space<vmem_shared>>
      tpu.enqueue_dma source(%arg8 : memref<64x128xf32, #tpu.memory_space<vmem>>) target(%dma_start3A_201 : memref<64x128xf32, #tpu.memory_space<vmem_shared>>) target_semaphore(%run_scoped3A : memref<!tpu.dma_semaphore, #tpu.memory_space<semaphore_mem>>)
      %dma_wait3A_202 = arith.constant 0 : i32
      %dma_wait3A_203 = tpu.memref_slice %arg11[%mul3A_20, %dma_wait3A_202] : memref<10240x128xf32, #tpu.memory_space<vmem_shared>> -> memref<64x128xf32, #tpu.memory_space<vmem_shared>>
      %dma_wait3A_204 = arith.constant 0 : i32
      %dma_wait3A_205 = tpu.memref_slice %arg11[%mul3A_20, %dma_wait3A_204] : memref<10240x128xf32, #tpu.memory_space<vmem_shared>> -> memref<64x128xf32, #tpu.memory_space<vmem_shared>>
      tpu.wait_dma2 semaphore(%run_scoped3A : memref<!tpu.dma_semaphore, #tpu.memory_space<semaphore_mem>>) src(%arg8 : memref<64x128xf32, #tpu.memory_space<vmem>>) dst(%dma_wait3A_205 : memref<64x128xf32, #tpu.memory_space<vmem_shared>>)
      tpu.yield
    }) : () -> ()
    %mul3A_21 = arith.constant 10 : i32
    %mul3A_22 = arith.muli %arg1, %mul3A_21 : i32
    %add3A_23 = arith.constant 2 : i32
    %add3A_24 = arith.addi %mul3A_22, %add3A_23 : i32
    %mul3A_25 = arith.constant 64 : i32
    %mul3A_26 = arith.muli %add3A_24, %mul3A_25 : i32
    "tpu.region"() ({
      %run_scoped3A = tpu.sem_alloc : memref<!tpu.dma_semaphore, #tpu.memory_space<semaphore_mem>>
      %dma_start3A_198 = arith.constant 0 : i32
      %dma_start3A_199 = tpu.memref_slice %arg11[%mul3A_26, %dma_start3A_198] : memref<10240x128xf32, #tpu.memory_space<vmem_shared>> -> memref<64x128xf32, #tpu.memory_space<vmem_shared>>
      %dma_start3A_200 = arith.constant 0 : i32
      %dma_start3A_201 = tpu.memref_slice %arg11[%mul3A_26, %dma_start3A_200] : memref<10240x128xf32, #tpu.memory_space<vmem_shared>> -> memref<64x128xf32, #tpu.memory_space<vmem_shared>>
      tpu.enqueue_dma source(%arg8 : memref<64x128xf32, #tpu.memory_space<vmem>>) target(%dma_start3A_201 : memref<64x128xf32, #tpu.memory_space<vmem_shared>>) target_semaphore(%run_scoped3A : memref<!tpu.dma_semaphore, #tpu.memory_space<semaphore_mem>>)
      %dma_wait3A_202 = arith.constant 0 : i32
      %dma_wait3A_203 = tpu.memref_slice %arg11[%mul3A_26, %dma_wait3A_202] : memref<10240x128xf32, #tpu.memory_space<vmem_shared>> -> memref<64x128xf32, #tpu.memory_space<vmem_shared>>
      %dma_wait3A_204 = arith.constant 0 : i32
      %dma_wait3A_205 = tpu.memref_slice %arg11[%mul3A_26, %dma_wait3A_204] : memref<10240x128xf32, #tpu.memory_space<vmem_shared>> -> memref<64x128xf32, #tpu.memory_space<vmem_shared>>
      tpu.wait_dma2 semaphore(%run_scoped3A : memref<!tpu.dma_semaphore, #tpu.memory_space<semaphore_mem>>) src(%arg8 : memref<64x128xf32, #tpu.memory_space<vmem>>) dst(%dma_wait3A_205 : memref<64x128xf32, #tpu.memory_space<vmem_shared>>)
      tpu.yield
    }) : () -> ()
    %mul3A_27 = arith.constant 10 : i32
    %mul3A_28 = arith.muli %arg1, %mul3A_27 : i32
    %add3A_29 = arith.constant 3 : i32
    %add3A_30 = arith.addi %mul3A_28, %add3A_29 : i32
    %mul3A_31 = arith.constant 64 : i32
    %mul3A_32 = arith.muli %add3A_30, %mul3A_31 : i32
    "tpu.region"() ({
      %run_scoped3A = tpu.sem_alloc : memref<!tpu.dma_semaphore, #tpu.memory_space<semaphore_mem>>
      %dma_start3A_198 = arith.constant 0 : i32
      %dma_start3A_199 = tpu.memref_slice %arg11[%mul3A_32, %dma_start3A_198] : memref<10240x128xf32, #tpu.memory_space<vmem_shared>> -> memref<64x128xf32, #tpu.memory_space<vmem_shared>>
      %dma_start3A_200 = arith.constant 0 : i32
      %dma_start3A_201 = tpu.memref_slice %arg11[%mul3A_32, %dma_start3A_200] : memref<10240x128xf32, #tpu.memory_space<vmem_shared>> -> memref<64x128xf32, #tpu.memory_space<vmem_shared>>
      tpu.enqueue_dma source(%arg8 : memref<64x128xf32, #tpu.memory_space<vmem>>) target(%dma_start3A_201 : memref<64x128xf32, #tpu.memory_space<vmem_shared>>) target_semaphore(%run_scoped3A : memref<!tpu.dma_semaphore, #tpu.memory_space<semaphore_mem>>)
      %dma_wait3A_202 = arith.constant 0 : i32
      %dma_wait3A_203 = tpu.memref_slice %arg11[%mul3A_32, %dma_wait3A_202] : memref<10240x128xf32, #tpu.memory_space<vmem_shared>> -> memref<64x128xf32, #tpu.memory_space<vmem_shared>>
      %dma_wait3A_204 = arith.constant 0 : i32
      %dma_wait3A_205 = tpu.memref_slice %arg11[%mul3A_32, %dma_wait3A_204] : memref<10240x128xf32, #tpu.memory_space<vmem_shared>> -> memref<64x128xf32, #tpu.memory_space<vmem_shared>>
      tpu.wait_dma2 semaphore(%run_scoped3A : memref<!tpu.dma_semaphore, #tpu.memory_space<semaphore_mem>>) src(%arg8 : memref<64x128xf32, #tpu.memory_space<vmem>>) dst(%dma_wait3A_205 : memref<64x128xf32, #tpu.memory_space<vmem_shared>>)
      tpu.yield
    }) : () -> ()
    %mul3A_33 = arith.constant 10 : i32
    %mul3A_34 = arith.muli %arg1, %mul3A_33 : i32
    %add3A_35 = arith.constant 4 : i32
    %add3A_36 = arith.addi %mul3A_34, %add3A_35 : i32
    %mul3A_37 = arith.constant 64 : i32
    %mul3A_38 = arith.muli %add3A_36, %mul3A_37 : i32
    "tpu.region"() ({
      %run_scoped3A = tpu.sem_alloc : memref<!tpu.dma_semaphore, #tpu.memory_space<semaphore_mem>>
      %dma_start3A_198 = arith.constant 0 : i32
      %dma_start3A_199 = tpu.memref_slice %arg11[%mul3A_38, %dma_start3A_198] : memref<10240x128xf32, #tpu.memory_space<vmem_shared>> -> memref<64x128xf32, #tpu.memory_space<vmem_shared>>
      %dma_start3A_200 = arith.constant 0 : i32
      %dma_start3A_201 = tpu.memref_slice %arg11[%mul3A_38, %dma_start3A_200] : memref<10240x128xf32, #tpu.memory_space<vmem_shared>> -> memref<64x128xf32, #tpu.memory_space<vmem_shared>>
      tpu.enqueue_dma source(%arg8 : memref<64x128xf32, #tpu.memory_space<vmem>>) target(%dma_start3A_201 : memref<64x128xf32, #tpu.memory_space<vmem_shared>>) target_semaphore(%run_scoped3A : memref<!tpu.dma_semaphore, #tpu.memory_space<semaphore_mem>>)
      %dma_wait3A_202 = arith.constant 0 : i32
      %dma_wait3A_203 = tpu.memref_slice %arg11[%mul3A_38, %dma_wait3A_202] : memref<10240x128xf32, #tpu.memory_space<vmem_shared>> -> memref<64x128xf32, #tpu.memory_space<vmem_shared>>
      %dma_wait3A_204 = arith.constant 0 : i32
      %dma_wait3A_205 = tpu.memref_slice %arg11[%mul3A_38, %dma_wait3A_204] : memref<10240x128xf32, #tpu.memory_space<vmem_shared>> -> memref<64x128xf32, #tpu.memory_space<vmem_shared>>
      tpu.wait_dma2 semaphore(%run_scoped3A : memref<!tpu.dma_semaphore, #tpu.memory_space<semaphore_mem>>) src(%arg8 : memref<64x128xf32, #tpu.memory_space<vmem>>) dst(%dma_wait3A_205 : memref<64x128xf32, #tpu.memory_space<vmem_shared>>)
      tpu.yield
    }) : () -> ()
    %mul3A_39 = arith.constant 10 : i32
    %mul3A_40 = arith.muli %arg1, %mul3A_39 : i32
    %add3A_41 = arith.constant 5 : i32
    %add3A_42 = arith.addi %mul3A_40, %add3A_41 : i32
    %mul3A_43 = arith.constant 64 : i32
    %mul3A_44 = arith.muli %add3A_42, %mul3A_43 : i32
    "tpu.region"() ({
      %run_scoped3A = tpu.sem_alloc : memref<!tpu.dma_semaphore, #tpu.memory_space<semaphore_mem>>
      %dma_start3A_198 = arith.constant 0 : i32
      %dma_start3A_199 = tpu.memref_slice %arg11[%mul3A_44, %dma_start3A_198] : memref<10240x128xf32, #tpu.memory_space<vmem_shared>> -> memref<64x128xf32, #tpu.memory_space<vmem_shared>>
      %dma_start3A_200 = arith.constant 0 : i32
      %dma_start3A_201 = tpu.memref_slice %arg11[%mul3A_44, %dma_start3A_200] : memref<10240x128xf32, #tpu.memory_space<vmem_shared>> -> memref<64x128xf32, #tpu.memory_space<vmem_shared>>
      tpu.enqueue_dma source(%arg8 : memref<64x128xf32, #tpu.memory_space<vmem>>) target(%dma_start3A_201 : memref<64x128xf32, #tpu.memory_space<vmem_shared>>) target_semaphore(%run_scoped3A : memref<!tpu.dma_semaphore, #tpu.memory_space<semaphore_mem>>)
      %dma_wait3A_202 = arith.constant 0 : i32
      %dma_wait3A_203 = tpu.memref_slice %arg11[%mul3A_44, %dma_wait3A_202] : memref<10240x128xf32, #tpu.memory_space<vmem_shared>> -> memref<64x128xf32, #tpu.memory_space<vmem_shared>>
      %dma_wait3A_204 = arith.constant 0 : i32
      %dma_wait3A_205 = tpu.memref_slice %arg11[%mul3A_44, %dma_wait3A_204] : memref<10240x128xf32, #tpu.memory_space<vmem_shared>> -> memref<64x128xf32, #tpu.memory_space<vmem_shared>>
      tpu.wait_dma2 semaphore(%run_scoped3A : memref<!tpu.dma_semaphore, #tpu.memory_space<semaphore_mem>>) src(%arg8 : memref<64x128xf32, #tpu.memory_space<vmem>>) dst(%dma_wait3A_205 : memref<64x128xf32, #tpu.memory_space<vmem_shared>>)
      tpu.yield
    }) : () -> ()
    %mul3A_45 = arith.constant 10 : i32
    %mul3A_46 = arith.muli %arg1, %mul3A_45 : i32
    %add3A_47 = arith.constant 6 : i32
    %add3A_48 = arith.addi %mul3A_46, %add3A_47 : i32
    %mul3A_49 = arith.constant 64 : i32
    %mul3A_50 = arith.muli %add3A_48, %mul3A_49 : i32
    "tpu.region"() ({
      %run_scoped3A = tpu.sem_alloc : memref<!tpu.dma_semaphore, #tpu.memory_space<semaphore_mem>>
      %dma_start3A_198 = arith.constant 0 : i32
      %dma_start3A_199 = tpu.memref_slice %arg11[%mul3A_50, %dma_start3A_198] : memref<10240x128xf32, #tpu.memory_space<vmem_shared>> -> memref<64x128xf32, #tpu.memory_space<vmem_shared>>
      %dma_start3A_200 = arith.constant 0 : i32
      %dma_start3A_201 = tpu.memref_slice %arg11[%mul3A_50, %dma_start3A_200] : memref<10240x128xf32, #tpu.memory_space<vmem_shared>> -> memref<64x128xf32, #tpu.memory_space<vmem_shared>>
      tpu.enqueue_dma source(%arg8 : memref<64x128xf32, #tpu.memory_space<vmem>>) target(%dma_start3A_201 : memref<64x128xf32, #tpu.memory_space<vmem_shared>>) target_semaphore(%run_scoped3A : memref<!tpu.dma_semaphore, #tpu.memory_space<semaphore_mem>>)
      %dma_wait3A_202 = arith.constant 0 : i32
      %dma_wait3A_203 = tpu.memref_slice %arg11[%mul3A_50, %dma_wait3A_202] : memref<10240x128xf32, #tpu.memory_space<vmem_shared>> -> memref<64x128xf32, #tpu.memory_space<vmem_shared>>
      %dma_wait3A_204 = arith.constant 0 : i32
      %dma_wait3A_205 = tpu.memref_slice %arg11[%mul3A_50, %dma_wait3A_204] : memref<10240x128xf32, #tpu.memory_space<vmem_shared>> -> memref<64x128xf32, #tpu.memory_space<vmem_shared>>
      tpu.wait_dma2 semaphore(%run_scoped3A : memref<!tpu.dma_semaphore, #tpu.memory_space<semaphore_mem>>) src(%arg8 : memref<64x128xf32, #tpu.memory_space<vmem>>) dst(%dma_wait3A_205 : memref<64x128xf32, #tpu.memory_space<vmem_shared>>)
      tpu.yield
    }) : () -> ()
    %mul3A_51 = arith.constant 10 : i32
    %mul3A_52 = arith.muli %arg1, %mul3A_51 : i32
    %add3A_53 = arith.constant 7 : i32
    %add3A_54 = arith.addi %mul3A_52, %add3A_53 : i32
    %mul3A_55 = arith.constant 64 : i32
    %mul3A_56 = arith.muli %add3A_54, %mul3A_55 : i32
    "tpu.region"() ({
      %run_scoped3A = tpu.sem_alloc : memref<!tpu.dma_semaphore, #tpu.memory_space<semaphore_mem>>
      %dma_start3A_198 = arith.constant 0 : i32
      %dma_start3A_199 = tpu.memref_slice %arg11[%mul3A_56, %dma_start3A_198] : memref<10240x128xf32, #tpu.memory_space<vmem_shared>> -> memref<64x128xf32, #tpu.memory_space<vmem_shared>>
      %dma_start3A_200 = arith.constant 0 : i32
      %dma_start3A_201 = tpu.memref_slice %arg11[%mul3A_56, %dma_start3A_200] : memref<10240x128xf32, #tpu.memory_space<vmem_shared>> -> memref<64x128xf32, #tpu.memory_space<vmem_shared>>
      tpu.enqueue_dma source(%arg8 : memref<64x128xf32, #tpu.memory_space<vmem>>) target(%dma_start3A_201 : memref<64x128xf32, #tpu.memory_space<vmem_shared>>) target_semaphore(%run_scoped3A : memref<!tpu.dma_semaphore, #tpu.memory_space<semaphore_mem>>)
      %dma_wait3A_202 = arith.constant 0 : i32
      %dma_wait3A_203 = tpu.memref_slice %arg11[%mul3A_56, %dma_wait3A_202] : memref<10240x128xf32, #tpu.memory_space<vmem_shared>> -> memref<64x128xf32, #tpu.memory_space<vmem_shared>>
      %dma_wait3A_204 = arith.constant 0 : i32
      %dma_wait3A_205 = tpu.memref_slice %arg11[%mul3A_56, %dma_wait3A_204] : memref<10240x128xf32, #tpu.memory_space<vmem_shared>> -> memref<64x128xf32, #tpu.memory_space<vmem_shared>>
      tpu.wait_dma2 semaphore(%run_scoped3A : memref<!tpu.dma_semaphore, #tpu.memory_space<semaphore_mem>>) src(%arg8 : memref<64x128xf32, #tpu.memory_space<vmem>>) dst(%dma_wait3A_205 : memref<64x128xf32, #tpu.memory_space<vmem_shared>>)
      tpu.yield
    }) : () -> ()
    %mul3A_57 = arith.constant 10 : i32
    %mul3A_58 = arith.muli %arg1, %mul3A_57 : i32
    %add3A_59 = arith.constant 8 : i32
    %add3A_60 = arith.addi %mul3A_58, %add3A_59 : i32
    %mul3A_61 = arith.constant 64 : i32
    %mul3A_62 = arith.muli %add3A_60, %mul3A_61 : i32
    "tpu.region"() ({
      %run_scoped3A = tpu.sem_alloc : memref<!tpu.dma_semaphore, #tpu.memory_space<semaphore_mem>>
      %dma_start3A_198 = arith.constant 0 : i32
      %dma_start3A_199 = tpu.memref_slice %arg11[%mul3A_62, %dma_start3A_198] : memref<10240x128xf32, #tpu.memory_space<vmem_shared>> -> memref<64x128xf32, #tpu.memory_space<vmem_shared>>
      %dma_start3A_200 = arith.constant 0 : i32
      %dma_start3A_201 = tpu.memref_slice %arg11[%mul3A_62, %dma_start3A_200] : memref<10240x128xf32, #tpu.memory_space<vmem_shared>> -> memref<64x128xf32, #tpu.memory_space<vmem_shared>>
      tpu.enqueue_dma source(%arg8 : memref<64x128xf32, #tpu.memory_space<vmem>>) target(%dma_start3A_201 : memref<64x128xf32, #tpu.memory_space<vmem_shared>>) target_semaphore(%run_scoped3A : memref<!tpu.dma_semaphore, #tpu.memory_space<semaphore_mem>>)
      %dma_wait3A_202 = arith.constant 0 : i32
      %dma_wait3A_203 = tpu.memref_slice %arg11[%mul3A_62, %dma_wait3A_202] : memref<10240x128xf32, #tpu.memory_space<vmem_shared>> -> memref<64x128xf32, #tpu.memory_space<vmem_shared>>
      %dma_wait3A_204 = arith.constant 0 : i32
      %dma_wait3A_205 = tpu.memref_slice %arg11[%mul3A_62, %dma_wait3A_204] : memref<10240x128xf32, #tpu.memory_space<vmem_shared>> -> memref<64x128xf32, #tpu.memory_space<vmem_shared>>
      tpu.wait_dma2 semaphore(%run_scoped3A : memref<!tpu.dma_semaphore, #tpu.memory_space<semaphore_mem>>) src(%arg8 : memref<64x128xf32, #tpu.memory_space<vmem>>) dst(%dma_wait3A_205 : memref<64x128xf32, #tpu.memory_space<vmem_shared>>)
      tpu.yield
    }) : () -> ()
    %mul3A_63 = arith.constant 10 : i32
    %mul3A_64 = arith.muli %arg1, %mul3A_63 : i32
    %add3A_65 = arith.constant 9 : i32
    %add3A_66 = arith.addi %mul3A_64, %add3A_65 : i32
    %mul3A_67 = arith.constant 64 : i32
    %mul3A_68 = arith.muli %add3A_66, %mul3A_67 : i32
    "tpu.region"() ({
      %run_scoped3A = tpu.sem_alloc : memref<!tpu.dma_semaphore, #tpu.memory_space<semaphore_mem>>
      %dma_start3A_198 = arith.constant 0 : i32
      %dma_start3A_199 = tpu.memref_slice %arg11[%mul3A_68, %dma_start3A_198] : memref<10240x128xf32, #tpu.memory_space<vmem_shared>> -> memref<64x128xf32, #tpu.memory_space<vmem_shared>>
      %dma_start3A_200 = arith.constant 0 : i32
      %dma_start3A_201 = tpu.memref_slice %arg11[%mul3A_68, %dma_start3A_200] : memref<10240x128xf32, #tpu.memory_space<vmem_shared>> -> memref<64x128xf32, #tpu.memory_space<vmem_shared>>
      tpu.enqueue_dma source(%arg8 : memref<64x128xf32, #tpu.memory_space<vmem>>) target(%dma_start3A_201 : memref<64x128xf32, #tpu.memory_space<vmem_shared>>) target_semaphore(%run_scoped3A : memref<!tpu.dma_semaphore, #tpu.memory_space<semaphore_mem>>)
      %dma_wait3A_202 = arith.constant 0 : i32
      %dma_wait3A_203 = tpu.memref_slice %arg11[%mul3A_68, %dma_wait3A_202] : memref<10240x128xf32, #tpu.memory_space<vmem_shared>> -> memref<64x128xf32, #tpu.memory_space<vmem_shared>>
      %dma_wait3A_204 = arith.constant 0 : i32
      %dma_wait3A_205 = tpu.memref_slice %arg11[%mul3A_68, %dma_wait3A_204] : memref<10240x128xf32, #tpu.memory_space<vmem_shared>> -> memref<64x128xf32, #tpu.memory_space<vmem_shared>>
      tpu.wait_dma2 semaphore(%run_scoped3A : memref<!tpu.dma_semaphore, #tpu.memory_space<semaphore_mem>>) src(%arg8 : memref<64x128xf32, #tpu.memory_space<vmem>>) dst(%dma_wait3A_205 : memref<64x128xf32, #tpu.memory_space<vmem_shared>>)
      tpu.yield
    }) : () -> ()
    %barrier3A = arith.constant 0 : index
    tpu.barrier barrier_id(%barrier3A)
    "tpu.region"() ({
      %run_scoped3A = tpu.sem_alloc : memref<!tpu.dma_semaphore, #tpu.memory_space<semaphore_mem>>
      %dma_start3A_198 = arith.constant 0 : i32
      %dma_start3A_199 = tpu.memref_slice %arg3[%mul3A_2, %dma_start3A_198] : memref<5120x64xi32, #tpu.memory_space<hbm>> -> memref<160x64xi32, #tpu.memory_space<hbm>>
      %dma_start3A_200 = arith.constant 0 : i32
      %dma_start3A_201 = tpu.memref_slice %arg3[%mul3A_2, %dma_start3A_200] : memref<5120x64xi32, #tpu.memory_space<hbm>> -> memref<160x64xi32, #tpu.memory_space<hbm>>
      tpu.enqueue_dma source(%dma_start3A_201 : memref<160x64xi32, #tpu.memory_space<hbm>>) target(%arg6 : memref<160x64xi32, #tpu.memory_space<vmem>>) target_semaphore(%run_scoped3A : memref<!tpu.dma_semaphore, #tpu.memory_space<semaphore_mem>>)
      %dma_wait3A_202 = arith.constant 0 : i32
      %dma_wait3A_203 = tpu.memref_slice %arg3[%mul3A_2, %dma_wait3A_202] : memref<5120x64xi32, #tpu.memory_space<hbm>> -> memref<160x64xi32, #tpu.memory_space<hbm>>
      %dma_wait3A_204 = arith.constant 0 : i32
      %dma_wait3A_205 = tpu.memref_slice %arg3[%mul3A_2, %dma_wait3A_204] : memref<5120x64xi32, #tpu.memory_space<hbm>> -> memref<160x64xi32, #tpu.memory_space<hbm>>
      tpu.wait_dma2 semaphore(%run_scoped3A : memref<!tpu.dma_semaphore, #tpu.memory_space<semaphore_mem>>) src(%dma_wait3A_205 : memref<160x64xi32, #tpu.memory_space<hbm>>) dst(%arg6 : memref<160x64xi32, #tpu.memory_space<vmem>>)
      tpu.yield
    }) : () -> ()
    "tpu.region"() ({
      %run_scoped3A = tpu.sem_alloc : memref<!tpu.dma_semaphore, #tpu.memory_space<semaphore_mem>>
      %dma_start3A_198 = arith.constant 0 : i32
      %dma_start3A_199 = tpu.memref_slice %arg4[%mul3A_2, %dma_start3A_198] : memref<5120x64xi32, #tpu.memory_space<hbm>> -> memref<160x64xi32, #tpu.memory_space<hbm>>
      %dma_start3A_200 = arith.constant 0 : i32
      %dma_start3A_201 = tpu.memref_slice %arg4[%mul3A_2, %dma_start3A_200] : memref<5120x64xi32, #tpu.memory_space<hbm>> -> memref<160x64xi32, #tpu.memory_space<hbm>>
      tpu.enqueue_dma source(%dma_start3A_201 : memref<160x64xi32, #tpu.memory_space<hbm>>) target(%arg7 : memref<160x64xi32, #tpu.memory_space<vmem>>) target_semaphore(%run_scoped3A : memref<!tpu.dma_semaphore, #tpu.memory_space<semaphore_mem>>)
      %dma_wait3A_202 = arith.constant 0 : i32
      %dma_wait3A_203 = tpu.memref_slice %arg4[%mul3A_2, %dma_wait3A_202] : memref<5120x64xi32, #tpu.memory_space<hbm>> -> memref<160x64xi32, #tpu.memory_space<hbm>>
      %dma_wait3A_204 = arith.constant 0 : i32
      %dma_wait3A_205 = tpu.memref_slice %arg4[%mul3A_2, %dma_wait3A_204] : memref<5120x64xi32, #tpu.memory_space<hbm>> -> memref<160x64xi32, #tpu.memory_space<hbm>>
      tpu.wait_dma2 semaphore(%run_scoped3A : memref<!tpu.dma_semaphore, #tpu.memory_space<semaphore_mem>>) src(%dma_wait3A_205 : memref<160x64xi32, #tpu.memory_space<hbm>>) dst(%arg7 : memref<160x64xi32, #tpu.memory_space<vmem>>)
      tpu.yield
    }) : () -> ()
    %dma_start3A = arith.constant 0 : i32
    %dma_start3A_69 = arith.constant 0 : i32
    %dma_start3A_70 = tpu.memref_slice %arg6[%dma_start3A, %dma_start3A_69] : memref<160x64xi32, #tpu.memory_space<vmem>> -> memref<1x64xi32, #tpu.memory_space<vmem>>
    %dma_start3A_71 = tpu.memref_squeeze %dma_start3A_70 : memref<1x64xi32, #tpu.memory_space<vmem>> -> memref<64xi32, #tpu.memory_space<vmem>>
    %dma_start3A_72 = arith.constant 0 : i32
    %dma_start3A_73 = arith.constant 0 : i32
    %dma_start3A_74 = tpu.memref_slice %arg2[%dma_start3A_72, %dma_start3A_73] : memref<10240x128xf32, #tpu.memory_space<hbm>> -> memref<10240x128xf32, #tpu.memory_space<hbm>>
    tpu.enqueue_indirect_dma source(%dma_start3A_74 : memref<10240x128xf32, #tpu.memory_space<hbm>>) target(%arg8 : memref<64x128xf32, #tpu.memory_space<vmem>>) offsets(%dma_start3A_71 : memref<64xi32, #tpu.memory_space<vmem>>) semaphore(%arg12 : memref<!tpu.dma_semaphore, #tpu.memory_space<semaphore_mem>>)
    %dma_start3A_75 = arith.constant 1 : i32
    %dma_start3A_76 = arith.constant 0 : i32
    %dma_start3A_77 = tpu.memref_slice %arg6[%dma_start3A_75, %dma_start3A_76] : memref<160x64xi32, #tpu.memory_space<vmem>> -> memref<1x64xi32, #tpu.memory_space<vmem>>
    %dma_start3A_78 = tpu.memref_squeeze %dma_start3A_77 : memref<1x64xi32, #tpu.memory_space<vmem>> -> memref<64xi32, #tpu.memory_space<vmem>>
    %dma_start3A_79 = arith.constant 0 : i32
    %dma_start3A_80 = arith.constant 0 : i32
    %dma_start3A_81 = tpu.memref_slice %arg2[%dma_start3A_79, %dma_start3A_80] : memref<10240x128xf32, #tpu.memory_space<hbm>> -> memref<10240x128xf32, #tpu.memory_space<hbm>>
    tpu.enqueue_indirect_dma source(%dma_start3A_81 : memref<10240x128xf32, #tpu.memory_space<hbm>>) target(%arg9 : memref<64x128xf32, #tpu.memory_space<vmem>>) offsets(%dma_start3A_78 : memref<64xi32, #tpu.memory_space<vmem>>) semaphore(%arg13 : memref<!tpu.dma_semaphore, #tpu.memory_space<semaphore_mem>>)
    %dma_start3A_82 = arith.constant 2 : i32
    %dma_start3A_83 = arith.constant 0 : i32
    %dma_start3A_84 = tpu.memref_slice %arg6[%dma_start3A_82, %dma_start3A_83] : memref<160x64xi32, #tpu.memory_space<vmem>> -> memref<1x64xi32, #tpu.memory_space<vmem>>
    %dma_start3A_85 = tpu.memref_squeeze %dma_start3A_84 : memref<1x64xi32, #tpu.memory_space<vmem>> -> memref<64xi32, #tpu.memory_space<vmem>>
    %dma_start3A_86 = arith.constant 0 : i32
    %dma_start3A_87 = arith.constant 0 : i32
    %dma_start3A_88 = tpu.memref_slice %arg2[%dma_start3A_86, %dma_start3A_87] : memref<10240x128xf32, #tpu.memory_space<hbm>> -> memref<10240x128xf32, #tpu.memory_space<hbm>>
    tpu.enqueue_indirect_dma source(%dma_start3A_88 : memref<10240x128xf32, #tpu.memory_space<hbm>>) target(%arg10 : memref<64x128xf32, #tpu.memory_space<vmem>>) offsets(%dma_start3A_85 : memref<64xi32, #tpu.memory_space<vmem>>) semaphore(%arg14 : memref<!tpu.dma_semaphore, #tpu.memory_space<semaphore_mem>>)
    %dma_wait3A = arith.constant 0 : i32
    %dma_wait3A_89 = arith.constant 0 : i32
    %dma_wait3A_90 = tpu.memref_slice %arg6[%dma_wait3A, %dma_wait3A_89] : memref<160x64xi32, #tpu.memory_space<vmem>> -> memref<1x64xi32, #tpu.memory_space<vmem>>
    %dma_wait3A_91 = tpu.memref_squeeze %dma_wait3A_90 : memref<1x64xi32, #tpu.memory_space<vmem>> -> memref<64xi32, #tpu.memory_space<vmem>>
    %dma_wait3A_92 = arith.constant 0 : i32
    %dma_wait3A_93 = arith.constant 0 : i32
    %dma_wait3A_94 = tpu.memref_slice %arg2[%dma_wait3A_92, %dma_wait3A_93] : memref<10240x128xf32, #tpu.memory_space<hbm>> -> memref<10240x128xf32, #tpu.memory_space<hbm>>
    tpu.wait_indirect_dma semaphore(%arg12 : memref<!tpu.dma_semaphore, #tpu.memory_space<semaphore_mem>>) src(%dma_wait3A_94 : memref<10240x128xf32, #tpu.memory_space<hbm>>) dst(%arg8 : memref<64x128xf32, #tpu.memory_space<vmem>>)
    %dma_start3A_95 = arith.constant 0 : i32
    %dma_start3A_96 = arith.constant 0 : i32
    %dma_start3A_97 = tpu.memref_slice %arg7[%dma_start3A_95, %dma_start3A_96] : memref<160x64xi32, #tpu.memory_space<vmem>> -> memref<1x64xi32, #tpu.memory_space<vmem>>
    %dma_start3A_98 = tpu.memref_squeeze %dma_start3A_97 : memref<1x64xi32, #tpu.memory_space<vmem>> -> memref<64xi32, #tpu.memory_space<vmem>>
    %dma_start3A_99 = arith.constant 0 : i32
    %dma_start3A_100 = arith.constant 0 : i32
    %dma_start3A_101 = tpu.memref_slice %arg11[%dma_start3A_99, %dma_start3A_100] : memref<10240x128xf32, #tpu.memory_space<vmem_shared>> -> memref<10240x128xf32, #tpu.memory_space<vmem_shared>>
    tpu.enqueue_indirect_dma source(%arg8 : memref<64x128xf32, #tpu.memory_space<vmem>>) target(%dma_start3A_101 : memref<10240x128xf32, #tpu.memory_space<vmem_shared>>) offsets(%dma_start3A_98 : memref<64xi32, #tpu.memory_space<vmem>>) semaphore(%arg15 : memref<!tpu.dma_semaphore, #tpu.memory_space<semaphore_mem>>) {add = true}
    %dma_wait3A_102 = arith.constant 0 : i32
    %dma_wait3A_103 = arith.constant 0 : i32
    %dma_wait3A_104 = tpu.memref_slice %arg7[%dma_wait3A_102, %dma_wait3A_103] : memref<160x64xi32, #tpu.memory_space<vmem>> -> memref<1x64xi32, #tpu.memory_space<vmem>>
    %dma_wait3A_105 = tpu.memref_squeeze %dma_wait3A_104 : memref<1x64xi32, #tpu.memory_space<vmem>> -> memref<64xi32, #tpu.memory_space<vmem>>
    %dma_wait3A_106 = arith.constant 0 : i32
    %dma_wait3A_107 = arith.constant 0 : i32
    %dma_wait3A_108 = tpu.memref_slice %arg11[%dma_wait3A_106, %dma_wait3A_107] : memref<10240x128xf32, #tpu.memory_space<vmem_shared>> -> memref<10240x128xf32, #tpu.memory_space<vmem_shared>>
    tpu.wait_indirect_dma semaphore(%arg15 : memref<!tpu.dma_semaphore, #tpu.memory_space<semaphore_mem>>) src(%arg8 : memref<64x128xf32, #tpu.memory_space<vmem>>) dst(%dma_wait3A_108 : memref<10240x128xf32, #tpu.memory_space<vmem_shared>>)
    %dma_start3A_109 = arith.constant 3 : i32
    %dma_start3A_110 = arith.constant 0 : i32
    %dma_start3A_111 = tpu.memref_slice %arg6[%dma_start3A_109, %dma_start3A_110] : memref<160x64xi32, #tpu.memory_space<vmem>> -> memref<1x64xi32, #tpu.memory_space<vmem>>
    %dma_start3A_112 = tpu.memref_squeeze %dma_start3A_111 : memref<1x64xi32, #tpu.memory_space<vmem>> -> memref<64xi32, #tpu.memory_space<vmem>>
    %dma_start3A_113 = arith.constant 0 : i32
    %dma_start3A_114 = arith.constant 0 : i32
    %dma_start3A_115 = tpu.memref_slice %arg2[%dma_start3A_113, %dma_start3A_114] : memref<10240x128xf32, #tpu.memory_space<hbm>> -> memref<10240x128xf32, #tpu.memory_space<hbm>>
    tpu.enqueue_indirect_dma source(%dma_start3A_115 : memref<10240x128xf32, #tpu.memory_space<hbm>>) target(%arg8 : memref<64x128xf32, #tpu.memory_space<vmem>>) offsets(%dma_start3A_112 : memref<64xi32, #tpu.memory_space<vmem>>) semaphore(%arg12 : memref<!tpu.dma_semaphore, #tpu.memory_space<semaphore_mem>>)
    %dma_wait3A_116 = arith.constant 1 : i32
    %dma_wait3A_117 = arith.constant 0 : i32
    %dma_wait3A_118 = tpu.memref_slice %arg6[%dma_wait3A_116, %dma_wait3A_117] : memref<160x64xi32, #tpu.memory_space<vmem>> -> memref<1x64xi32, #tpu.memory_space<vmem>>
    %dma_wait3A_119 = tpu.memref_squeeze %dma_wait3A_118 : memref<1x64xi32, #tpu.memory_space<vmem>> -> memref<64xi32, #tpu.memory_space<vmem>>
    %dma_wait3A_120 = arith.constant 0 : i32
    %dma_wait3A_121 = arith.constant 0 : i32
    %dma_wait3A_122 = tpu.memref_slice %arg2[%dma_wait3A_120, %dma_wait3A_121] : memref<10240x128xf32, #tpu.memory_space<hbm>> -> memref<10240x128xf32, #tpu.memory_space<hbm>>
    tpu.wait_indirect_dma semaphore(%arg13 : memref<!tpu.dma_semaphore, #tpu.memory_space<semaphore_mem>>) src(%dma_wait3A_122 : memref<10240x128xf32, #tpu.memory_space<hbm>>) dst(%arg9 : memref<64x128xf32, #tpu.memory_space<vmem>>)
    %dma_start3A_123 = arith.constant 1 : i32
    %dma_start3A_124 = arith.constant 0 : i32
    %dma_start3A_125 = tpu.memref_slice %arg7[%dma_start3A_123, %dma_start3A_124] : memref<160x64xi32, #tpu.memory_space<vmem>> -> memref<1x64xi32, #tpu.memory_space<vmem>>
    %dma_start3A_126 = tpu.memref_squeeze %dma_start3A_125 : memref<1x64xi32, #tpu.memory_space<vmem>> -> memref<64xi32, #tpu.memory_space<vmem>>
    %dma_start3A_127 = arith.constant 0 : i32
    %dma_start3A_128 = arith.constant 0 : i32
    %dma_start3A_129 = tpu.memref_slice %arg11[%dma_start3A_127, %dma_start3A_128] : memref<10240x128xf32, #tpu.memory_space<vmem_shared>> -> memref<10240x128xf32, #tpu.memory_space<vmem_shared>>
    tpu.enqueue_indirect_dma source(%arg9 : memref<64x128xf32, #tpu.memory_space<vmem>>) target(%dma_start3A_129 : memref<10240x128xf32, #tpu.memory_space<vmem_shared>>) offsets(%dma_start3A_126 : memref<64xi32, #tpu.memory_space<vmem>>) semaphore(%arg16 : memref<!tpu.dma_semaphore, #tpu.memory_space<semaphore_mem>>) {add = true}
    %dma_wait3A_130 = arith.constant 1 : i32
    %dma_wait3A_131 = arith.constant 0 : i32
    %dma_wait3A_132 = tpu.memref_slice %arg7[%dma_wait3A_130, %dma_wait3A_131] : memref<160x64xi32, #tpu.memory_space<vmem>> -> memref<1x64xi32, #tpu.memory_space<vmem>>
    %dma_wait3A_133 = tpu.memref_squeeze %dma_wait3A_132 : memref<1x64xi32, #tpu.memory_space<vmem>> -> memref<64xi32, #tpu.memory_space<vmem>>
    %dma_wait3A_134 = arith.constant 0 : i32
    %dma_wait3A_135 = arith.constant 0 : i32
    %dma_wait3A_136 = tpu.memref_slice %arg11[%dma_wait3A_134, %dma_wait3A_135] : memref<10240x128xf32, #tpu.memory_space<vmem_shared>> -> memref<10240x128xf32, #tpu.memory_space<vmem_shared>>
    tpu.wait_indirect_dma semaphore(%arg16 : memref<!tpu.dma_semaphore, #tpu.memory_space<semaphore_mem>>) src(%arg9 : memref<64x128xf32, #tpu.memory_space<vmem>>) dst(%dma_wait3A_136 : memref<10240x128xf32, #tpu.memory_space<vmem_shared>>)
    %dma_start3A_137 = arith.constant 4 : i32
    %dma_start3A_138 = arith.constant 0 : i32
    %dma_start3A_139 = tpu.memref_slice %arg6[%dma_start3A_137, %dma_start3A_138] : memref<160x64xi32, #tpu.memory_space<vmem>> -> memref<1x64xi32, #tpu.memory_space<vmem>>
    %dma_start3A_140 = tpu.memref_squeeze %dma_start3A_139 : memref<1x64xi32, #tpu.memory_space<vmem>> -> memref<64xi32, #tpu.memory_space<vmem>>
    %dma_start3A_141 = arith.constant 0 : i32
    %dma_start3A_142 = arith.constant 0 : i32
    %dma_start3A_143 = tpu.memref_slice %arg2[%dma_start3A_141, %dma_start3A_142] : memref<10240x128xf32, #tpu.memory_space<hbm>> -> memref<10240x128xf32, #tpu.memory_space<hbm>>
    tpu.enqueue_indirect_dma source(%dma_start3A_143 : memref<10240x128xf32, #tpu.memory_space<hbm>>) target(%arg9 : memref<64x128xf32, #tpu.memory_space<vmem>>) offsets(%dma_start3A_140 : memref<64xi32, #tpu.memory_space<vmem>>) semaphore(%arg13 : memref<!tpu.dma_semaphore, #tpu.memory_space<semaphore_mem>>)
    %dma_wait3A_144 = arith.constant 2 : i32
    %dma_wait3A_145 = arith.constant 0 : i32
    %dma_wait3A_146 = tpu.memref_slice %arg6[%dma_wait3A_144, %dma_wait3A_145] : memref<160x64xi32, #tpu.memory_space<vmem>> -> memref<1x64xi32, #tpu.memory_space<vmem>>
    %dma_wait3A_147 = tpu.memref_squeeze %dma_wait3A_146 : memref<1x64xi32, #tpu.memory_space<vmem>> -> memref<64xi32, #tpu.memory_space<vmem>>
    %dma_wait3A_148 = arith.constant 0 : i32
    %dma_wait3A_149 = arith.constant 0 : i32
    %dma_wait3A_150 = tpu.memref_slice %arg2[%dma_wait3A_148, %dma_wait3A_149] : memref<10240x128xf32, #tpu.memory_space<hbm>> -> memref<10240x128xf32, #tpu.memory_space<hbm>>
    tpu.wait_indirect_dma semaphore(%arg14 : memref<!tpu.dma_semaphore, #tpu.memory_space<semaphore_mem>>) src(%dma_wait3A_150 : memref<10240x128xf32, #tpu.memory_space<hbm>>) dst(%arg10 : memref<64x128xf32, #tpu.memory_space<vmem>>)
    %dma_start3A_151 = arith.constant 2 : i32
    %dma_start3A_152 = arith.constant 0 : i32
    %dma_start3A_153 = tpu.memref_slice %arg7[%dma_start3A_151, %dma_start3A_152] : memref<160x64xi32, #tpu.memory_space<vmem>> -> memref<1x64xi32, #tpu.memory_space<vmem>>
    %dma_start3A_154 = tpu.memref_squeeze %dma_start3A_153 : memref<1x64xi32, #tpu.memory_space<vmem>> -> memref<64xi32, #tpu.memory_space<vmem>>
    %dma_start3A_155 = arith.constant 0 : i32
    %dma_start3A_156 = arith.constant 0 : i32
    %dma_start3A_157 = tpu.memref_slice %arg11[%dma_start3A_155, %dma_start3A_156] : memref<10240x128xf32, #tpu.memory_space<vmem_shared>> -> memref<10240x128xf32, #tpu.memory_space<vmem_shared>>
    tpu.enqueue_indirect_dma source(%arg10 : memref<64x128xf32, #tpu.memory_space<vmem>>) target(%dma_start3A_157 : memref<10240x128xf32, #tpu.memory_space<vmem_shared>>) offsets(%dma_start3A_154 : memref<64xi32, #tpu.memory_space<vmem>>) semaphore(%arg17 : memref<!tpu.dma_semaphore, #tpu.memory_space<semaphore_mem>>) {add = true}
    %scan3A_158 = arith.constant 0 : i32
    %scan3A_159 = arith.constant 1 : i32
    %scan3A_160 = arith.constant 52 : i32
    %scan3A_161 = arith.addi %scan3A_159, %scan3A_160 : i32
    %scan3A_162 = arith.constant 1 : i32
    %scan3A_163 = scf.for %scan3A_198 = %scan3A_159 to %scan3A_161 step %scan3A_162 iter_args(%scan3A_199 = %scan3A_158) -> (i32)  : i32 {
      %mul3A_200 = arith.constant 3 : i32
      %mul3A_201 = arith.muli %mul3A_200, %scan3A_198 : i32
      %add3A_202 = arith.constant 0 : i32
      %add3A_203 = arith.addi %mul3A_201, %add3A_202 : i32
      %sub3A = arith.constant 1 : i32
      %sub3A_204 = arith.subi %add3A_203, %sub3A : i32
      %dma_wait3A_205 = arith.constant 0 : i32
      %dma_wait3A_206 = tpu.memref_slice %arg7[%sub3A_204, %dma_wait3A_205] : memref<160x64xi32, #tpu.memory_space<vmem>> -> memref<1x64xi32, #tpu.memory_space<vmem>>
      %dma_wait3A_207 = tpu.memref_squeeze %dma_wait3A_206 : memref<1x64xi32, #tpu.memory_space<vmem>> -> memref<64xi32, #tpu.memory_space<vmem>>
      %dma_wait3A_208 = arith.constant 0 : i32
      %dma_wait3A_209 = arith.constant 0 : i32
      %dma_wait3A_210 = tpu.memref_slice %arg11[%dma_wait3A_208, %dma_wait3A_209] : memref<10240x128xf32, #tpu.memory_space<vmem_shared>> -> memref<10240x128xf32, #tpu.memory_space<vmem_shared>>
      tpu.wait_indirect_dma semaphore(%arg17 : memref<!tpu.dma_semaphore, #tpu.memory_space<semaphore_mem>>) src(%arg10 : memref<64x128xf32, #tpu.memory_space<vmem>>) dst(%dma_wait3A_210 : memref<10240x128xf32, #tpu.memory_space<vmem_shared>>)
      %add3A_211 = arith.constant 2 : i32
      %add3A_212 = arith.addi %add3A_203, %add3A_211 : i32
      %lt3A = arith.constant 160 : i32
      %lt3A_213 = arith.cmpi slt, %add3A_212, %lt3A : i32
      %convert_element_type3A = arith.extui %lt3A_213 : i1 to i32
      %cond3A = arith.constant 0 : i32
      %cond3A_214 = arith.cmpi ne, %convert_element_type3A, %cond3A : i32
      scf.if %cond3A_214 {
        %add3A_286 = arith.constant 2 : i32
        %add3A_287 = arith.addi %add3A_203, %add3A_286 : i32
        %dma_start3A_288 = arith.constant 0 : i32
        %dma_start3A_289 = tpu.memref_slice %arg6[%add3A_287, %dma_start3A_288] : memref<160x64xi32, #tpu.memory_space<vmem>> -> memref<1x64xi32, #tpu.memory_space<vmem>>
        %dma_start3A_290 = tpu.memref_squeeze %dma_start3A_289 : memref<1x64xi32, #tpu.memory_space<vmem>> -> memref<64xi32, #tpu.memory_space<vmem>>
        %dma_start3A_291 = arith.constant 0 : i32
        %dma_start3A_292 = arith.constant 0 : i32
        %dma_start3A_293 = tpu.memref_slice %arg2[%dma_start3A_291, %dma_start3A_292] : memref<10240x128xf32, #tpu.memory_space<hbm>> -> memref<10240x128xf32, #tpu.memory_space<hbm>>
        tpu.enqueue_indirect_dma source(%dma_start3A_293 : memref<10240x128xf32, #tpu.memory_space<hbm>>) target(%arg10 : memref<64x128xf32, #tpu.memory_space<vmem>>) offsets(%dma_start3A_290 : memref<64xi32, #tpu.memory_space<vmem>>) semaphore(%arg14 : memref<!tpu.dma_semaphore, #tpu.memory_space<semaphore_mem>>)
      } else {
      }
      %dma_wait3A_215 = arith.constant 0 : i32
      %dma_wait3A_216 = tpu.memref_slice %arg6[%add3A_203, %dma_wait3A_215] : memref<160x64xi32, #tpu.memory_space<vmem>> -> memref<1x64xi32, #tpu.memory_space<vmem>>
      %dma_wait3A_217 = tpu.memref_squeeze %dma_wait3A_216 : memref<1x64xi32, #tpu.memory_space<vmem>> -> memref<64xi32, #tpu.memory_space<vmem>>
      %dma_wait3A_218 = arith.constant 0 : i32
      %dma_wait3A_219 = arith.constant 0 : i32
      %dma_wait3A_220 = tpu.memref_slice %arg2[%dma_wait3A_218, %dma_wait3A_219] : memref<10240x128xf32, #tpu.memory_space<hbm>> -> memref<10240x128xf32, #tpu.memory_space<hbm>>
      tpu.wait_indirect_dma semaphore(%arg12 : memref<!tpu.dma_semaphore, #tpu.memory_space<semaphore_mem>>) src(%dma_wait3A_220 : memref<10240x128xf32, #tpu.memory_space<hbm>>) dst(%arg8 : memref<64x128xf32, #tpu.memory_space<vmem>>)
      %dma_start3A_221 = arith.constant 0 : i32
      %dma_start3A_222 = tpu.memref_slice %arg7[%add3A_203, %dma_start3A_221] : memref<160x64xi32, #tpu.memory_space<vmem>> -> memref<1x64xi32, #tpu.memory_space<vmem>>
      %dma_start3A_223 = tpu.memref_squeeze %dma_start3A_222 : memref<1x64xi32, #tpu.memory_space<vmem>> -> memref<64xi32, #tpu.memory_space<vmem>>
      %dma_start3A_224 = arith.constant 0 : i32
      %dma_start3A_225 = arith.constant 0 : i32
      %dma_start3A_226 = tpu.memref_slice %arg11[%dma_start3A_224, %dma_start3A_225] : memref<10240x128xf32, #tpu.memory_space<vmem_shared>> -> memref<10240x128xf32, #tpu.memory_space<vmem_shared>>
      tpu.enqueue_indirect_dma source(%arg8 : memref<64x128xf32, #tpu.memory_space<vmem>>) target(%dma_start3A_226 : memref<10240x128xf32, #tpu.memory_space<vmem_shared>>) offsets(%dma_start3A_223 : memref<64xi32, #tpu.memory_space<vmem>>) semaphore(%arg15 : memref<!tpu.dma_semaphore, #tpu.memory_space<semaphore_mem>>) {add = true}
      %add3A_227 = arith.constant 1 : i32
      %add3A_228 = arith.addi %mul3A_201, %add3A_227 : i32
      %sub3A_229 = arith.constant 1 : i32
      %sub3A_230 = arith.subi %add3A_228, %sub3A_229 : i32
      %dma_wait3A_231 = arith.constant 0 : i32
      %dma_wait3A_232 = tpu.memref_slice %arg7[%sub3A_230, %dma_wait3A_231] : memref<160x64xi32, #tpu.memory_space<vmem>> -> memref<1x64xi32, #tpu.memory_space<vmem>>
      %dma_wait3A_233 = tpu.memref_squeeze %dma_wait3A_232 : memref<1x64xi32, #tpu.memory_space<vmem>> -> memref<64xi32, #tpu.memory_space<vmem>>
      %dma_wait3A_234 = arith.constant 0 : i32
      %dma_wait3A_235 = arith.constant 0 : i32
      %dma_wait3A_236 = tpu.memref_slice %arg11[%dma_wait3A_234, %dma_wait3A_235] : memref<10240x128xf32, #tpu.memory_space<vmem_shared>> -> memref<10240x128xf32, #tpu.memory_space<vmem_shared>>
      tpu.wait_indirect_dma semaphore(%arg15 : memref<!tpu.dma_semaphore, #tpu.memory_space<semaphore_mem>>) src(%arg8 : memref<64x128xf32, #tpu.memory_space<vmem>>) dst(%dma_wait3A_236 : memref<10240x128xf32, #tpu.memory_space<vmem_shared>>)
      %add3A_237 = arith.constant 2 : i32
      %add3A_238 = arith.addi %add3A_228, %add3A_237 : i32
      %lt3A_239 = arith.constant 160 : i32
      %lt3A_240 = arith.cmpi slt, %add3A_238, %lt3A_239 : i32
      %convert_element_type3A_241 = arith.extui %lt3A_240 : i1 to i32
      %cond3A_242 = arith.constant 0 : i32
      %cond3A_243 = arith.cmpi ne, %convert_element_type3A_241, %cond3A_242 : i32
      scf.if %cond3A_243 {
        %add3A_286 = arith.constant 2 : i32
        %add3A_287 = arith.addi %add3A_228, %add3A_286 : i32
        %dma_start3A_288 = arith.constant 0 : i32
        %dma_start3A_289 = tpu.memref_slice %arg6[%add3A_287, %dma_start3A_288] : memref<160x64xi32, #tpu.memory_space<vmem>> -> memref<1x64xi32, #tpu.memory_space<vmem>>
        %dma_start3A_290 = tpu.memref_squeeze %dma_start3A_289 : memref<1x64xi32, #tpu.memory_space<vmem>> -> memref<64xi32, #tpu.memory_space<vmem>>
        %dma_start3A_291 = arith.constant 0 : i32
        %dma_start3A_292 = arith.constant 0 : i32
        %dma_start3A_293 = tpu.memref_slice %arg2[%dma_start3A_291, %dma_start3A_292] : memref<10240x128xf32, #tpu.memory_space<hbm>> -> memref<10240x128xf32, #tpu.memory_space<hbm>>
        tpu.enqueue_indirect_dma source(%dma_start3A_293 : memref<10240x128xf32, #tpu.memory_space<hbm>>) target(%arg8 : memref<64x128xf32, #tpu.memory_space<vmem>>) offsets(%dma_start3A_290 : memref<64xi32, #tpu.memory_space<vmem>>) semaphore(%arg12 : memref<!tpu.dma_semaphore, #tpu.memory_space<semaphore_mem>>)
      } else {
      }
      %dma_wait3A_244 = arith.constant 0 : i32
      %dma_wait3A_245 = tpu.memref_slice %arg6[%add3A_228, %dma_wait3A_244] : memref<160x64xi32, #tpu.memory_space<vmem>> -> memref<1x64xi32, #tpu.memory_space<vmem>>
      %dma_wait3A_246 = tpu.memref_squeeze %dma_wait3A_245 : memref<1x64xi32, #tpu.memory_space<vmem>> -> memref<64xi32, #tpu.memory_space<vmem>>
      %dma_wait3A_247 = arith.constant 0 : i32
      %dma_wait3A_248 = arith.constant 0 : i32
      %dma_wait3A_249 = tpu.memref_slice %arg2[%dma_wait3A_247, %dma_wait3A_248] : memref<10240x128xf32, #tpu.memory_space<hbm>> -> memref<10240x128xf32, #tpu.memory_space<hbm>>
      tpu.wait_indirect_dma semaphore(%arg13 : memref<!tpu.dma_semaphore, #tpu.memory_space<semaphore_mem>>) src(%dma_wait3A_249 : memref<10240x128xf32, #tpu.memory_space<hbm>>) dst(%arg9 : memref<64x128xf32, #tpu.memory_space<vmem>>)
      %dma_start3A_250 = arith.constant 0 : i32
      %dma_start3A_251 = tpu.memref_slice %arg7[%add3A_228, %dma_start3A_250] : memref<160x64xi32, #tpu.memory_space<vmem>> -> memref<1x64xi32, #tpu.memory_space<vmem>>
      %dma_start3A_252 = tpu.memref_squeeze %dma_start3A_251 : memref<1x64xi32, #tpu.memory_space<vmem>> -> memref<64xi32, #tpu.memory_space<vmem>>
      %dma_start3A_253 = arith.constant 0 : i32
      %dma_start3A_254 = arith.constant 0 : i32
      %dma_start3A_255 = tpu.memref_slice %arg11[%dma_start3A_253, %dma_start3A_254] : memref<10240x128xf32, #tpu.memory_space<vmem_shared>> -> memref<10240x128xf32, #tpu.memory_space<vmem_shared>>
      tpu.enqueue_indirect_dma source(%arg9 : memref<64x128xf32, #tpu.memory_space<vmem>>) target(%dma_start3A_255 : memref<10240x128xf32, #tpu.memory_space<vmem_shared>>) offsets(%dma_start3A_252 : memref<64xi32, #tpu.memory_space<vmem>>) semaphore(%arg16 : memref<!tpu.dma_semaphore, #tpu.memory_space<semaphore_mem>>) {add = true}
      %add3A_256 = arith.constant 2 : i32
      %add3A_257 = arith.addi %mul3A_201, %add3A_256 : i32
      %sub3A_258 = arith.constant 1 : i32
      %sub3A_259 = arith.subi %add3A_257, %sub3A_258 : i32
      %dma_wait3A_260 = arith.constant 0 : i32
      %dma_wait3A_261 = tpu.memref_slice %arg7[%sub3A_259, %dma_wait3A_260] : memref<160x64xi32, #tpu.memory_space<vmem>> -> memref<1x64xi32, #tpu.memory_space<vmem>>
      %dma_wait3A_262 = tpu.memref_squeeze %dma_wait3A_261 : memref<1x64xi32, #tpu.memory_space<vmem>> -> memref<64xi32, #tpu.memory_space<vmem>>
      %dma_wait3A_263 = arith.constant 0 : i32
      %dma_wait3A_264 = arith.constant 0 : i32
      %dma_wait3A_265 = tpu.memref_slice %arg11[%dma_wait3A_263, %dma_wait3A_264] : memref<10240x128xf32, #tpu.memory_space<vmem_shared>> -> memref<10240x128xf32, #tpu.memory_space<vmem_shared>>
      tpu.wait_indirect_dma semaphore(%arg16 : memref<!tpu.dma_semaphore, #tpu.memory_space<semaphore_mem>>) src(%arg9 : memref<64x128xf32, #tpu.memory_space<vmem>>) dst(%dma_wait3A_265 : memref<10240x128xf32, #tpu.memory_space<vmem_shared>>)
      %add3A_266 = arith.constant 2 : i32
      %add3A_267 = arith.addi %add3A_257, %add3A_266 : i32
      %lt3A_268 = arith.constant 160 : i32
      %lt3A_269 = arith.cmpi slt, %add3A_267, %lt3A_268 : i32
      %convert_element_type3A_270 = arith.extui %lt3A_269 : i1 to i32
      %cond3A_271 = arith.constant 0 : i32
      %cond3A_272 = arith.cmpi ne, %convert_element_type3A_270, %cond3A_271 : i32
      scf.if %cond3A_272 {
        %add3A_286 = arith.constant 2 : i32
        %add3A_287 = arith.addi %add3A_257, %add3A_286 : i32
        %dma_start3A_288 = arith.constant 0 : i32
        %dma_start3A_289 = tpu.memref_slice %arg6[%add3A_287, %dma_start3A_288] : memref<160x64xi32, #tpu.memory_space<vmem>> -> memref<1x64xi32, #tpu.memory_space<vmem>>
        %dma_start3A_290 = tpu.memref_squeeze %dma_start3A_289 : memref<1x64xi32, #tpu.memory_space<vmem>> -> memref<64xi32, #tpu.memory_space<vmem>>
        %dma_start3A_291 = arith.constant 0 : i32
        %dma_start3A_292 = arith.constant 0 : i32
        %dma_start3A_293 = tpu.memref_slice %arg2[%dma_start3A_291, %dma_start3A_292] : memref<10240x128xf32, #tpu.memory_space<hbm>> -> memref<10240x128xf32, #tpu.memory_space<hbm>>
        tpu.enqueue_indirect_dma source(%dma_start3A_293 : memref<10240x128xf32, #tpu.memory_space<hbm>>) target(%arg9 : memref<64x128xf32, #tpu.memory_space<vmem>>) offsets(%dma_start3A_290 : memref<64xi32, #tpu.memory_space<vmem>>) semaphore(%arg13 : memref<!tpu.dma_semaphore, #tpu.memory_space<semaphore_mem>>)
      } else {
      }
      %dma_wait3A_273 = arith.constant 0 : i32
      %dma_wait3A_274 = tpu.memref_slice %arg6[%add3A_257, %dma_wait3A_273] : memref<160x64xi32, #tpu.memory_space<vmem>> -> memref<1x64xi32, #tpu.memory_space<vmem>>
      %dma_wait3A_275 = tpu.memref_squeeze %dma_wait3A_274 : memref<1x64xi32, #tpu.memory_space<vmem>> -> memref<64xi32, #tpu.memory_space<vmem>>
      %dma_wait3A_276 = arith.constant 0 : i32
      %dma_wait3A_277 = arith.constant 0 : i32
      %dma_wait3A_278 = tpu.memref_slice %arg2[%dma_wait3A_276, %dma_wait3A_277] : memref<10240x128xf32, #tpu.memory_space<hbm>> -> memref<10240x128xf32, #tpu.memory_space<hbm>>
      tpu.wait_indirect_dma semaphore(%arg14 : memref<!tpu.dma_semaphore, #tpu.memory_space<semaphore_mem>>) src(%dma_wait3A_278 : memref<10240x128xf32, #tpu.memory_space<hbm>>) dst(%arg10 : memref<64x128xf32, #tpu.memory_space<vmem>>)
      %dma_start3A_279 = arith.constant 0 : i32
      %dma_start3A_280 = tpu.memref_slice %arg7[%add3A_257, %dma_start3A_279] : memref<160x64xi32, #tpu.memory_space<vmem>> -> memref<1x64xi32, #tpu.memory_space<vmem>>
      %dma_start3A_281 = tpu.memref_squeeze %dma_start3A_280 : memref<1x64xi32, #tpu.memory_space<vmem>> -> memref<64xi32, #tpu.memory_space<vmem>>
      %dma_start3A_282 = arith.constant 0 : i32
      %dma_start3A_283 = arith.constant 0 : i32
      %dma_start3A_284 = tpu.memref_slice %arg11[%dma_start3A_282, %dma_start3A_283] : memref<10240x128xf32, #tpu.memory_space<vmem_shared>> -> memref<10240x128xf32, #tpu.memory_space<vmem_shared>>
      tpu.enqueue_indirect_dma source(%arg10 : memref<64x128xf32, #tpu.memory_space<vmem>>) target(%dma_start3A_284 : memref<10240x128xf32, #tpu.memory_space<vmem_shared>>) offsets(%dma_start3A_281 : memref<64xi32, #tpu.memory_space<vmem>>) semaphore(%arg17 : memref<!tpu.dma_semaphore, #tpu.memory_space<semaphore_mem>>) {add = true}
      %scan3A_285 = arith.constant 0 : i32
      scf.yield %scan3A_285 : i32
    }
    %scan3A_164 = arith.constant 52 : i32
    %dma_wait3A_165 = arith.constant 158 : i32
    %dma_wait3A_166 = arith.constant 0 : i32
    %dma_wait3A_167 = tpu.memref_slice %arg7[%dma_wait3A_165, %dma_wait3A_166] : memref<160x64xi32, #tpu.memory_space<vmem>> -> memref<1x64xi32, #tpu.memory_space<vmem>>
    %dma_wait3A_168 = tpu.memref_squeeze %dma_wait3A_167 : memref<1x64xi32, #tpu.memory_space<vmem>> -> memref<64xi32, #tpu.memory_space<vmem>>
    %dma_wait3A_169 = arith.constant 0 : i32
    %dma_wait3A_170 = arith.constant 0 : i32
    %dma_wait3A_171 = tpu.memref_slice %arg11[%dma_wait3A_169, %dma_wait3A_170] : memref<10240x128xf32, #tpu.memory_space<vmem_shared>> -> memref<10240x128xf32, #tpu.memory_space<vmem_shared>>
    tpu.wait_indirect_dma semaphore(%arg17 : memref<!tpu.dma_semaphore, #tpu.memory_space<semaphore_mem>>) src(%arg10 : memref<64x128xf32, #tpu.memory_space<vmem>>) dst(%dma_wait3A_171 : memref<10240x128xf32, #tpu.memory_space<vmem_shared>>)
    %dma_wait3A_172 = arith.constant 159 : i32
    %dma_wait3A_173 = arith.constant 0 : i32
    %dma_wait3A_174 = tpu.memref_slice %arg6[%dma_wait3A_172, %dma_wait3A_173] : memref<160x64xi32, #tpu.memory_space<vmem>> -> memref<1x64xi32, #tpu.memory_space<vmem>>
    %dma_wait3A_175 = tpu.memref_squeeze %dma_wait3A_174 : memref<1x64xi32, #tpu.memory_space<vmem>> -> memref<64xi32, #tpu.memory_space<vmem>>
    %dma_wait3A_176 = arith.constant 0 : i32
    %dma_wait3A_177 = arith.constant 0 : i32
    %dma_wait3A_178 = tpu.memref_slice %arg2[%dma_wait3A_176, %dma_wait3A_177] : memref<10240x128xf32, #tpu.memory_space<hbm>> -> memref<10240x128xf32, #tpu.memory_space<hbm>>
    tpu.wait_indirect_dma semaphore(%arg12 : memref<!tpu.dma_semaphore, #tpu.memory_space<semaphore_mem>>) src(%dma_wait3A_178 : memref<10240x128xf32, #tpu.memory_space<hbm>>) dst(%arg8 : memref<64x128xf32, #tpu.memory_space<vmem>>)
    %dma_start3A_179 = arith.constant 159 : i32
    %dma_start3A_180 = arith.constant 0 : i32
    %dma_start3A_181 = tpu.memref_slice %arg7[%dma_start3A_179, %dma_start3A_180] : memref<160x64xi32, #tpu.memory_space<vmem>> -> memref<1x64xi32, #tpu.memory_space<vmem>>
    %dma_start3A_182 = tpu.memref_squeeze %dma_start3A_181 : memref<1x64xi32, #tpu.memory_space<vmem>> -> memref<64xi32, #tpu.memory_space<vmem>>
    %dma_start3A_183 = arith.constant 0 : i32
    %dma_start3A_184 = arith.constant 0 : i32
    %dma_start3A_185 = tpu.memref_slice %arg11[%dma_start3A_183, %dma_start3A_184] : memref<10240x128xf32, #tpu.memory_space<vmem_shared>> -> memref<10240x128xf32, #tpu.memory_space<vmem_shared>>
    tpu.enqueue_indirect_dma source(%arg8 : memref<64x128xf32, #tpu.memory_space<vmem>>) target(%dma_start3A_185 : memref<10240x128xf32, #tpu.memory_space<vmem_shared>>) offsets(%dma_start3A_182 : memref<64xi32, #tpu.memory_space<vmem>>) semaphore(%arg15 : memref<!tpu.dma_semaphore, #tpu.memory_space<semaphore_mem>>) {add = true}
    %dma_wait3A_186 = arith.constant 159 : i32
    %dma_wait3A_187 = arith.constant 0 : i32
    %dma_wait3A_188 = tpu.memref_slice %arg7[%dma_wait3A_186, %dma_wait3A_187] : memref<160x64xi32, #tpu.memory_space<vmem>> -> memref<1x64xi32, #tpu.memory_space<vmem>>
    %dma_wait3A_189 = tpu.memref_squeeze %dma_wait3A_188 : memref<1x64xi32, #tpu.memory_space<vmem>> -> memref<64xi32, #tpu.memory_space<vmem>>
    %dma_wait3A_190 = arith.constant 0 : i32
    %dma_wait3A_191 = arith.constant 0 : i32
    %dma_wait3A_192 = tpu.memref_slice %arg11[%dma_wait3A_190, %dma_wait3A_191] : memref<10240x128xf32, #tpu.memory_space<vmem_shared>> -> memref<10240x128xf32, #tpu.memory_space<vmem_shared>>
    tpu.wait_indirect_dma semaphore(%arg15 : memref<!tpu.dma_semaphore, #tpu.memory_space<semaphore_mem>>) src(%arg8 : memref<64x128xf32, #tpu.memory_space<vmem>>) dst(%dma_wait3A_192 : memref<10240x128xf32, #tpu.memory_space<vmem_shared>>)
    %barrier3A_193 = arith.constant 0 : index
    tpu.barrier barrier_id(%barrier3A_193)
    %mul3A_194 = arith.constant 640 : i32
    %mul3A_195 = arith.muli %arg1, %mul3A_194 : i32
    %mul3A_196 = arith.constant 640 : i32
    %mul3A_197 = arith.muli %arg1, %mul3A_196 : i32
    "tpu.region"() ({
      %run_scoped3A = tpu.sem_alloc : memref<!tpu.dma_semaphore, #tpu.memory_space<semaphore_mem>>
      %dma_start3A_198 = arith.constant 0 : i32
      %dma_start3A_199 = tpu.memref_slice %arg5[%arg0, %mul3A_197, %dma_start3A_198] : memref<2x10240x128xf32, #tpu.memory_space<hbm>> -> memref<1x640x128xf32, #tpu.memory_space<hbm>>
      %dma_start3A_200 = tpu.memref_squeeze %dma_start3A_199 : memref<1x640x128xf32, #tpu.memory_space<hbm>> -> memref<640x128xf32, #tpu.memory_space<hbm>>
      %dma_start3A_201 = arith.constant 0 : i32
      %dma_start3A_202 = tpu.memref_slice %arg11[%mul3A_195, %dma_start3A_201] : memref<10240x128xf32, #tpu.memory_space<vmem_shared>> -> memref<640x128xf32, #tpu.memory_space<vmem_shared>>
      tpu.enqueue_dma source(%dma_start3A_202 : memref<640x128xf32, #tpu.memory_space<vmem_shared>>) target(%dma_start3A_200 : memref<640x128xf32, #tpu.memory_space<hbm>>) target_semaphore(%run_scoped3A : memref<!tpu.dma_semaphore, #tpu.memory_space<semaphore_mem>>)
      %dma_wait3A_203 = arith.constant 0 : i32
      %dma_wait3A_204 = tpu.memref_slice %arg5[%arg0, %mul3A_197, %dma_wait3A_203] : memref<2x10240x128xf32, #tpu.memory_space<hbm>> -> memref<1x640x128xf32, #tpu.memory_space<hbm>>
      %dma_wait3A_205 = tpu.memref_squeeze %dma_wait3A_204 : memref<1x640x128xf32, #tpu.memory_space<hbm>> -> memref<640x128xf32, #tpu.memory_space<hbm>>
      %dma_wait3A_206 = arith.constant 0 : i32
      %dma_wait3A_207 = tpu.memref_slice %arg11[%mul3A_195, %dma_wait3A_206] : memref<10240x128xf32, #tpu.memory_space<vmem_shared>> -> memref<640x128xf32, #tpu.memory_space<vmem_shared>>
      tpu.wait_dma2 semaphore(%run_scoped3A : memref<!tpu.dma_semaphore, #tpu.memory_space<semaphore_mem>>) src(%dma_wait3A_207 : memref<640x128xf32, #tpu.memory_space<vmem_shared>>) dst(%dma_wait3A_205 : memref<640x128xf32, #tpu.memory_space<hbm>>)
      tpu.yield
    }) : () -> ()
    return
  }
}

#map = affine_map<(d0, d1) -> (0, 0)>
#map1 = affine_map<(d0, d1) -> (0)>
module attributes {stable_mosaic.version = 14 : i64} {
  func.func @deg_kernel(%arg0: i32, %arg1: i32, %arg2: memref<2560x128xi32, #tpu.memory_space<hbm>>, %arg3: memref<20480xf32, #tpu.memory_space<hbm>>, %arg4: memref<80x128xi32, #tpu.memory_space<vmem>>, %arg5: memref<128xf32, #tpu.memory_space<vmem>>, %arg6: memref<128xf32, #tpu.memory_space<vmem>>, %arg7: memref<10240xf32, #tpu.memory_space<vmem_shared>>) attributes {dimension_semantics = [#tpu.dimension_semantics<core_parallel>, #tpu.dimension_semantics<subcore_parallel>], iteration_bounds = array<i64: 2, 16>, scalar_prefetch = 0 : i64, scratch_operands = 4 : i64, tpu.core_type = #tpu.core_type<sc_vector_subcore>, window_params = [{transform_indices = #map}, {transform_indices = #map1}]} {
    %mul3A = arith.constant 16 : i32
    %mul3A_0 = arith.muli %arg0, %mul3A : i32
    %add3A = arith.addi %mul3A_0, %arg1 : i32
    %scan3A = arith.constant 0 : i32
    %scan3A_1 = arith.constant 0 : i32
    %scan3A_2 = arith.constant 8 : i32
    %scan3A_3 = arith.addi %scan3A_1, %scan3A_2 : i32
    %scan3A_4 = arith.constant 1 : i32
    %scan3A_5 = scf.for %scan3A_54 = %scan3A_1 to %scan3A_3 step %scan3A_4 iter_args(%scan3A_55 = %scan3A) -> (i32)  : i32 {
      %broadcast_in_dim3A = arith.constant 1.000000e+00 : f32
      %broadcast_in_dim3A_56 = vector.broadcast %broadcast_in_dim3A : f32 to vector<16xf32>
      %mul3A_57 = arith.constant 16 : i32
      %mul3A_58 = arith.muli %scan3A_54, %mul3A_57 : i32
      %swap3A = arith.index_cast %mul3A_58 : i32 to index
      %swap3A_59 = tpu.vector_load %arg5[%swap3A] {strides = array<i32>} : memref<128xf32, #tpu.memory_space<vmem>>, vector<16xf32>,
      %swap3A_60 = vector.shape_cast %swap3A_59 : vector<16xf32> to vector<16xf32>
      %swap3A_61 = vector.shape_cast %broadcast_in_dim3A_56 : vector<16xf32> to vector<16xf32>
      tpu.vector_store %arg5[%swap3A], %swap3A_61 {strides = array<i32>} : memref<128xf32, #tpu.memory_space<vmem>>, vector<16xf32>,
      %broadcast_in_dim3A_62 = arith.constant 0.000000e+00 : f32
      %broadcast_in_dim3A_63 = vector.broadcast %broadcast_in_dim3A_62 : f32 to vector<16xf32>
      %mul3A_64 = arith.constant 16 : i32
      %mul3A_65 = arith.muli %scan3A_54, %mul3A_64 : i32
      %swap3A_66 = arith.index_cast %mul3A_65 : i32 to index
      %swap3A_67 = tpu.vector_load %arg6[%swap3A_66] {strides = array<i32>} : memref<128xf32, #tpu.memory_space<vmem>>, vector<16xf32>,
      %swap3A_68 = vector.shape_cast %swap3A_67 : vector<16xf32> to vector<16xf32>
      %swap3A_69 = vector.shape_cast %broadcast_in_dim3A_63 : vector<16xf32> to vector<16xf32>
      tpu.vector_store %arg6[%swap3A_66], %swap3A_69 {strides = array<i32>} : memref<128xf32, #tpu.memory_space<vmem>>, vector<16xf32>,
      %scan3A_70 = arith.constant 0 : i32
      scf.yield %scan3A_70 : i32
    }
    %scan3A_6 = arith.constant 8 : i32
    %mul3A_7 = arith.constant 5 : i32
    %mul3A_8 = arith.muli %arg1, %mul3A_7 : i32
    %add3A_9 = arith.constant 0 : i32
    %add3A_10 = arith.addi %mul3A_8, %add3A_9 : i32
    %mul3A_11 = arith.constant 128 : i32
    %mul3A_12 = arith.muli %add3A_10, %mul3A_11 : i32
    "tpu.region"() ({
      %run_scoped3A = tpu.sem_alloc : memref<!tpu.dma_semaphore, #tpu.memory_space<semaphore_mem>>
      %dma_start3A = tpu.memref_slice %arg7[%mul3A_12] : memref<10240xf32, #tpu.memory_space<vmem_shared>> -> memref<128xf32, #tpu.memory_space<vmem_shared>>
      %dma_start3A_54 = tpu.memref_slice %arg7[%mul3A_12] : memref<10240xf32, #tpu.memory_space<vmem_shared>> -> memref<128xf32, #tpu.memory_space<vmem_shared>>
      tpu.enqueue_dma source(%arg6 : memref<128xf32, #tpu.memory_space<vmem>>) target(%dma_start3A_54 : memref<128xf32, #tpu.memory_space<vmem_shared>>) target_semaphore(%run_scoped3A : memref<!tpu.dma_semaphore, #tpu.memory_space<semaphore_mem>>)
      %dma_wait3A = tpu.memref_slice %arg7[%mul3A_12] : memref<10240xf32, #tpu.memory_space<vmem_shared>> -> memref<128xf32, #tpu.memory_space<vmem_shared>>
      %dma_wait3A_55 = tpu.memref_slice %arg7[%mul3A_12] : memref<10240xf32, #tpu.memory_space<vmem_shared>> -> memref<128xf32, #tpu.memory_space<vmem_shared>>
      tpu.wait_dma2 semaphore(%run_scoped3A : memref<!tpu.dma_semaphore, #tpu.memory_space<semaphore_mem>>) src(%arg6 : memref<128xf32, #tpu.memory_space<vmem>>) dst(%dma_wait3A_55 : memref<128xf32, #tpu.memory_space<vmem_shared>>)
      tpu.yield
    }) : () -> ()
    %mul3A_13 = arith.constant 5 : i32
    %mul3A_14 = arith.muli %arg1, %mul3A_13 : i32
    %add3A_15 = arith.constant 1 : i32
    %add3A_16 = arith.addi %mul3A_14, %add3A_15 : i32
    %mul3A_17 = arith.constant 128 : i32
    %mul3A_18 = arith.muli %add3A_16, %mul3A_17 : i32
    "tpu.region"() ({
      %run_scoped3A = tpu.sem_alloc : memref<!tpu.dma_semaphore, #tpu.memory_space<semaphore_mem>>
      %dma_start3A = tpu.memref_slice %arg7[%mul3A_18] : memref<10240xf32, #tpu.memory_space<vmem_shared>> -> memref<128xf32, #tpu.memory_space<vmem_shared>>
      %dma_start3A_54 = tpu.memref_slice %arg7[%mul3A_18] : memref<10240xf32, #tpu.memory_space<vmem_shared>> -> memref<128xf32, #tpu.memory_space<vmem_shared>>
      tpu.enqueue_dma source(%arg6 : memref<128xf32, #tpu.memory_space<vmem>>) target(%dma_start3A_54 : memref<128xf32, #tpu.memory_space<vmem_shared>>) target_semaphore(%run_scoped3A : memref<!tpu.dma_semaphore, #tpu.memory_space<semaphore_mem>>)
      %dma_wait3A = tpu.memref_slice %arg7[%mul3A_18] : memref<10240xf32, #tpu.memory_space<vmem_shared>> -> memref<128xf32, #tpu.memory_space<vmem_shared>>
      %dma_wait3A_55 = tpu.memref_slice %arg7[%mul3A_18] : memref<10240xf32, #tpu.memory_space<vmem_shared>> -> memref<128xf32, #tpu.memory_space<vmem_shared>>
      tpu.wait_dma2 semaphore(%run_scoped3A : memref<!tpu.dma_semaphore, #tpu.memory_space<semaphore_mem>>) src(%arg6 : memref<128xf32, #tpu.memory_space<vmem>>) dst(%dma_wait3A_55 : memref<128xf32, #tpu.memory_space<vmem_shared>>)
      tpu.yield
    }) : () -> ()
    %mul3A_19 = arith.constant 5 : i32
    %mul3A_20 = arith.muli %arg1, %mul3A_19 : i32
    %add3A_21 = arith.constant 2 : i32
    %add3A_22 = arith.addi %mul3A_20, %add3A_21 : i32
    %mul3A_23 = arith.constant 128 : i32
    %mul3A_24 = arith.muli %add3A_22, %mul3A_23 : i32
    "tpu.region"() ({
      %run_scoped3A = tpu.sem_alloc : memref<!tpu.dma_semaphore, #tpu.memory_space<semaphore_mem>>
      %dma_start3A = tpu.memref_slice %arg7[%mul3A_24] : memref<10240xf32, #tpu.memory_space<vmem_shared>> -> memref<128xf32, #tpu.memory_space<vmem_shared>>
      %dma_start3A_54 = tpu.memref_slice %arg7[%mul3A_24] : memref<10240xf32, #tpu.memory_space<vmem_shared>> -> memref<128xf32, #tpu.memory_space<vmem_shared>>
      tpu.enqueue_dma source(%arg6 : memref<128xf32, #tpu.memory_space<vmem>>) target(%dma_start3A_54 : memref<128xf32, #tpu.memory_space<vmem_shared>>) target_semaphore(%run_scoped3A : memref<!tpu.dma_semaphore, #tpu.memory_space<semaphore_mem>>)
      %dma_wait3A = tpu.memref_slice %arg7[%mul3A_24] : memref<10240xf32, #tpu.memory_space<vmem_shared>> -> memref<128xf32, #tpu.memory_space<vmem_shared>>
      %dma_wait3A_55 = tpu.memref_slice %arg7[%mul3A_24] : memref<10240xf32, #tpu.memory_space<vmem_shared>> -> memref<128xf32, #tpu.memory_space<vmem_shared>>
      tpu.wait_dma2 semaphore(%run_scoped3A : memref<!tpu.dma_semaphore, #tpu.memory_space<semaphore_mem>>) src(%arg6 : memref<128xf32, #tpu.memory_space<vmem>>) dst(%dma_wait3A_55 : memref<128xf32, #tpu.memory_space<vmem_shared>>)
      tpu.yield
    }) : () -> ()
    %mul3A_25 = arith.constant 5 : i32
    %mul3A_26 = arith.muli %arg1, %mul3A_25 : i32
    %add3A_27 = arith.constant 3 : i32
    %add3A_28 = arith.addi %mul3A_26, %add3A_27 : i32
    %mul3A_29 = arith.constant 128 : i32
    %mul3A_30 = arith.muli %add3A_28, %mul3A_29 : i32
    "tpu.region"() ({
      %run_scoped3A = tpu.sem_alloc : memref<!tpu.dma_semaphore, #tpu.memory_space<semaphore_mem>>
      %dma_start3A = tpu.memref_slice %arg7[%mul3A_30] : memref<10240xf32, #tpu.memory_space<vmem_shared>> -> memref<128xf32, #tpu.memory_space<vmem_shared>>
      %dma_start3A_54 = tpu.memref_slice %arg7[%mul3A_30] : memref<10240xf32, #tpu.memory_space<vmem_shared>> -> memref<128xf32, #tpu.memory_space<vmem_shared>>
      tpu.enqueue_dma source(%arg6 : memref<128xf32, #tpu.memory_space<vmem>>) target(%dma_start3A_54 : memref<128xf32, #tpu.memory_space<vmem_shared>>) target_semaphore(%run_scoped3A : memref<!tpu.dma_semaphore, #tpu.memory_space<semaphore_mem>>)
      %dma_wait3A = tpu.memref_slice %arg7[%mul3A_30] : memref<10240xf32, #tpu.memory_space<vmem_shared>> -> memref<128xf32, #tpu.memory_space<vmem_shared>>
      %dma_wait3A_55 = tpu.memref_slice %arg7[%mul3A_30] : memref<10240xf32, #tpu.memory_space<vmem_shared>> -> memref<128xf32, #tpu.memory_space<vmem_shared>>
      tpu.wait_dma2 semaphore(%run_scoped3A : memref<!tpu.dma_semaphore, #tpu.memory_space<semaphore_mem>>) src(%arg6 : memref<128xf32, #tpu.memory_space<vmem>>) dst(%dma_wait3A_55 : memref<128xf32, #tpu.memory_space<vmem_shared>>)
      tpu.yield
    }) : () -> ()
    %mul3A_31 = arith.constant 5 : i32
    %mul3A_32 = arith.muli %arg1, %mul3A_31 : i32
    %add3A_33 = arith.constant 4 : i32
    %add3A_34 = arith.addi %mul3A_32, %add3A_33 : i32
    %mul3A_35 = arith.constant 128 : i32
    %mul3A_36 = arith.muli %add3A_34, %mul3A_35 : i32
    "tpu.region"() ({
      %run_scoped3A = tpu.sem_alloc : memref<!tpu.dma_semaphore, #tpu.memory_space<semaphore_mem>>
      %dma_start3A = tpu.memref_slice %arg7[%mul3A_36] : memref<10240xf32, #tpu.memory_space<vmem_shared>> -> memref<128xf32, #tpu.memory_space<vmem_shared>>
      %dma_start3A_54 = tpu.memref_slice %arg7[%mul3A_36] : memref<10240xf32, #tpu.memory_space<vmem_shared>> -> memref<128xf32, #tpu.memory_space<vmem_shared>>
      tpu.enqueue_dma source(%arg6 : memref<128xf32, #tpu.memory_space<vmem>>) target(%dma_start3A_54 : memref<128xf32, #tpu.memory_space<vmem_shared>>) target_semaphore(%run_scoped3A : memref<!tpu.dma_semaphore, #tpu.memory_space<semaphore_mem>>)
      %dma_wait3A = tpu.memref_slice %arg7[%mul3A_36] : memref<10240xf32, #tpu.memory_space<vmem_shared>> -> memref<128xf32, #tpu.memory_space<vmem_shared>>
      %dma_wait3A_55 = tpu.memref_slice %arg7[%mul3A_36] : memref<10240xf32, #tpu.memory_space<vmem_shared>> -> memref<128xf32, #tpu.memory_space<vmem_shared>>
      tpu.wait_dma2 semaphore(%run_scoped3A : memref<!tpu.dma_semaphore, #tpu.memory_space<semaphore_mem>>) src(%arg6 : memref<128xf32, #tpu.memory_space<vmem>>) dst(%dma_wait3A_55 : memref<128xf32, #tpu.memory_space<vmem_shared>>)
      tpu.yield
    }) : () -> ()
    %barrier3A = arith.constant 0 : index
    tpu.barrier barrier_id(%barrier3A)
    %mul3A_37 = arith.constant 80 : i32
    %mul3A_38 = arith.muli %add3A, %mul3A_37 : i32
    "tpu.region"() ({
      %run_scoped3A = tpu.sem_alloc : memref<!tpu.dma_semaphore, #tpu.memory_space<semaphore_mem>>
      %dma_start3A = arith.constant 0 : i32
      %dma_start3A_54 = tpu.memref_slice %arg2[%mul3A_38, %dma_start3A] : memref<2560x128xi32, #tpu.memory_space<hbm>> -> memref<80x128xi32, #tpu.memory_space<hbm>>
      %dma_start3A_55 = arith.constant 0 : i32
      %dma_start3A_56 = tpu.memref_slice %arg2[%mul3A_38, %dma_start3A_55] : memref<2560x128xi32, #tpu.memory_space<hbm>> -> memref<80x128xi32, #tpu.memory_space<hbm>>
      tpu.enqueue_dma source(%dma_start3A_56 : memref<80x128xi32, #tpu.memory_space<hbm>>) target(%arg4 : memref<80x128xi32, #tpu.memory_space<vmem>>) target_semaphore(%run_scoped3A : memref<!tpu.dma_semaphore, #tpu.memory_space<semaphore_mem>>)
      %dma_wait3A = arith.constant 0 : i32
      %dma_wait3A_57 = tpu.memref_slice %arg2[%mul3A_38, %dma_wait3A] : memref<2560x128xi32, #tpu.memory_space<hbm>> -> memref<80x128xi32, #tpu.memory_space<hbm>>
      %dma_wait3A_58 = arith.constant 0 : i32
      %dma_wait3A_59 = tpu.memref_slice %arg2[%mul3A_38, %dma_wait3A_58] : memref<2560x128xi32, #tpu.memory_space<hbm>> -> memref<80x128xi32, #tpu.memory_space<hbm>>
      tpu.wait_dma2 semaphore(%run_scoped3A : memref<!tpu.dma_semaphore, #tpu.memory_space<semaphore_mem>>) src(%dma_wait3A_59 : memref<80x128xi32, #tpu.memory_space<hbm>>) dst(%arg4 : memref<80x128xi32, #tpu.memory_space<vmem>>)
      tpu.yield
    }) : () -> ()
    %scan3A_39 = arith.constant 0 : i32
    %scan3A_40 = arith.constant 0 : i32
    %scan3A_41 = arith.constant 80 : i32
    %scan3A_42 = arith.addi %scan3A_40, %scan3A_41 : i32
    %scan3A_43 = arith.constant 1 : i32
    %scan3A_44 = scf.for %scan3A_54 = %scan3A_40 to %scan3A_42 step %scan3A_43 iter_args(%scan3A_55 = %scan3A_39) -> (i32)  : i32 {
      "tpu.region"() ({
        %run_scoped3A = tpu.sem_alloc : memref<!tpu.dma_semaphore, #tpu.memory_space<semaphore_mem>>
        %dma_start3A = arith.constant 0 : i32
        %dma_start3A_57 = tpu.memref_slice %arg4[%scan3A_54, %dma_start3A] : memref<80x128xi32, #tpu.memory_space<vmem>> -> memref<1x128xi32, #tpu.memory_space<vmem>>
        %dma_start3A_58 = tpu.memref_squeeze %dma_start3A_57 : memref<1x128xi32, #tpu.memory_space<vmem>> -> memref<128xi32, #tpu.memory_space<vmem>>
        %dma_start3A_59 = arith.constant 0 : i32
        %dma_start3A_60 = tpu.memref_slice %arg7[%dma_start3A_59] : memref<10240xf32, #tpu.memory_space<vmem_shared>> -> memref<10240xf32, #tpu.memory_space<vmem_shared>>
        tpu.enqueue_indirect_dma source(%arg5 : memref<128xf32, #tpu.memory_space<vmem>>) target(%dma_start3A_60 : memref<10240xf32, #tpu.memory_space<vmem_shared>>) offsets(%dma_start3A_58 : memref<128xi32, #tpu.memory_space<vmem>>) semaphore(%run_scoped3A : memref<!tpu.dma_semaphore, #tpu.memory_space<semaphore_mem>>) {add = true}
        %dma_wait3A = arith.constant 0 : i32
        %dma_wait3A_61 = tpu.memref_slice %arg4[%scan3A_54, %dma_wait3A] : memref<80x128xi32, #tpu.memory_space<vmem>> -> memref<1x128xi32, #tpu.memory_space<vmem>>
        %dma_wait3A_62 = tpu.memref_squeeze %dma_wait3A_61 : memref<1x128xi32, #tpu.memory_space<vmem>> -> memref<128xi32, #tpu.memory_space<vmem>>
        %dma_wait3A_63 = arith.constant 0 : i32
        %dma_wait3A_64 = tpu.memref_slice %arg7[%dma_wait3A_63] : memref<10240xf32, #tpu.memory_space<vmem_shared>> -> memref<10240xf32, #tpu.memory_space<vmem_shared>>
        tpu.wait_indirect_dma semaphore(%run_scoped3A : memref<!tpu.dma_semaphore, #tpu.memory_space<semaphore_mem>>) src(%arg5 : memref<128xf32, #tpu.memory_space<vmem>>) dst(%dma_wait3A_64 : memref<10240xf32, #tpu.memory_space<vmem_shared>>)
        tpu.yield
      }) : () -> ()
      %scan3A_56 = arith.constant 0 : i32
      scf.yield %scan3A_56 : i32
    }
    %scan3A_45 = arith.constant 80 : i32
    %barrier3A_46 = arith.constant 0 : index
    tpu.barrier barrier_id(%barrier3A_46)
    %mul3A_47 = arith.constant 640 : i32
    %mul3A_48 = arith.muli %arg1, %mul3A_47 : i32
    %mul3A_49 = arith.constant 10240 : i32
    %mul3A_50 = arith.muli %arg0, %mul3A_49 : i32
    %mul3A_51 = arith.constant 640 : i32
    %mul3A_52 = arith.muli %arg1, %mul3A_51 : i32
    %add3A_53 = arith.addi %mul3A_50, %mul3A_52 : i32
    "tpu.region"() ({
      %run_scoped3A = tpu.sem_alloc : memref<!tpu.dma_semaphore, #tpu.memory_space<semaphore_mem>>
      %dma_start3A = tpu.memref_slice %arg3[%add3A_53] : memref<20480xf32, #tpu.memory_space<hbm>> -> memref<640xf32, #tpu.memory_space<hbm>>
      %dma_start3A_54 = tpu.memref_slice %arg7[%mul3A_48] : memref<10240xf32, #tpu.memory_space<vmem_shared>> -> memref<640xf32, #tpu.memory_space<vmem_shared>>
      tpu.enqueue_dma source(%dma_start3A_54 : memref<640xf32, #tpu.memory_space<vmem_shared>>) target(%dma_start3A : memref<640xf32, #tpu.memory_space<hbm>>) target_semaphore(%run_scoped3A : memref<!tpu.dma_semaphore, #tpu.memory_space<semaphore_mem>>)
      %dma_wait3A = tpu.memref_slice %arg3[%add3A_53] : memref<20480xf32, #tpu.memory_space<hbm>> -> memref<640xf32, #tpu.memory_space<hbm>>
      %dma_wait3A_55 = tpu.memref_slice %arg7[%mul3A_48] : memref<10240xf32, #tpu.memory_space<vmem_shared>> -> memref<640xf32, #tpu.memory_space<vmem_shared>>
      tpu.wait_dma2 semaphore(%run_scoped3A : memref<!tpu.dma_semaphore, #tpu.memory_space<semaphore_mem>>) src(%dma_wait3A_55 : memref<640xf32, #tpu.memory_space<vmem_shared>>) dst(%dma_wait3A : memref<640xf32, #tpu.memory_space<hbm>>)
      tpu.yield
    }) : () -> ()
    return
  }
}

#map = affine_map<(d0, d1) -> (0, 0)>
#map1 = affine_map<(d0, d1) -> (0, 0, 0)>
module attributes {stable_mosaic.version = 14 : i64} {
  func.func @agg_kernel(%arg0: i32, %arg1: i32, %arg2: memref<10240x128xf32, #tpu.memory_space<hbm>>, %arg3: memref<5120x64xi32, #tpu.memory_space<hbm>>, %arg4: memref<5120x64xi32, #tpu.memory_space<hbm>>, %arg5: memref<2x10240x128xf32, #tpu.memory_space<hbm>>, %arg6: memref<160x64xi32, #tpu.memory_space<vmem>>, %arg7: memref<160x64xi32, #tpu.memory_space<vmem>>, %arg8: memref<64x128xf32, #tpu.memory_space<vmem>>, %arg9: memref<64x128xf32, #tpu.memory_space<vmem>>, %arg10: memref<64x128xf32, #tpu.memory_space<vmem>>, %arg11: memref<10240x128xf32, #tpu.memory_space<vmem_shared>>, %arg12: memref<!tpu.dma_semaphore, #tpu.memory_space<semaphore_mem>>, %arg13: memref<!tpu.dma_semaphore, #tpu.memory_space<semaphore_mem>>, %arg14: memref<!tpu.dma_semaphore, #tpu.memory_space<semaphore_mem>>, %arg15: memref<!tpu.dma_semaphore, #tpu.memory_space<semaphore_mem>>, %arg16: memref<!tpu.dma_semaphore, #tpu.memory_space<semaphore_mem>>, %arg17: memref<!tpu.dma_semaphore, #tpu.memory_space<semaphore_mem>>) attributes {dimension_semantics = [#tpu.dimension_semantics<core_parallel>, #tpu.dimension_semantics<subcore_parallel>], iteration_bounds = array<i64: 2, 16>, scalar_prefetch = 0 : i64, scratch_operands = 12 : i64, tpu.core_type = #tpu.core_type<sc_vector_subcore>, window_params = [{transform_indices = #map}, {transform_indices = #map}, {transform_indices = #map}, {transform_indices = #map1}]} {
    %mul3A = arith.constant 16 : i32
    %mul3A_0 = arith.muli %arg0, %mul3A : i32
    %add3A = arith.addi %mul3A_0, %arg1 : i32
    %mul3A_1 = arith.constant 160 : i32
    %mul3A_2 = arith.muli %add3A, %mul3A_1 : i32
    %scan3A = arith.constant 0 : i32
    %scan3A_3 = arith.constant 0 : i32
    %scan3A_4 = arith.constant 512 : i32
    %scan3A_5 = arith.addi %scan3A_3, %scan3A_4 : i32
    %scan3A_6 = arith.constant 1 : i32
    %scan3A_7 = scf.for %scan3A_198 = %scan3A_3 to %scan3A_5 step %scan3A_6 iter_args(%scan3A_199 = %scan3A) -> (i32)  : i32 {
      %broadcast_in_dim3A = arith.constant 0.000000e+00 : f32
      %broadcast_in_dim3A_200 = vector.broadcast %broadcast_in_dim3A : f32 to vector<16xf32>
      %jit3A = arith.constant 8 : i32
      %div3A = arith.divsi %scan3A_198, %jit3A : i32
      %sign3A = arith.constant 0 : i32
      %sign3A_201 = arith.cmpi sgt, %scan3A_198, %sign3A : i32
      %sign3A_202 = arith.extui %sign3A_201 : i1 to i32
      %sign3A_203 = arith.constant 0 : i32
      %sign3A_204 = arith.cmpi slt, %scan3A_198, %sign3A_203 : i32
      %sign3A_205 = arith.extui %sign3A_204 : i1 to i32
      %sign3A_206 = arith.subi %sign3A_202, %sign3A_205 : i32
      %sign3A_207 = arith.constant 0 : i32
      %sign3A_208 = arith.cmpi sgt, %jit3A, %sign3A_207 : i32
      %sign3A_209 = arith.extui %sign3A_208 : i1 to i32
      %sign3A_210 = arith.constant 0 : i32
      %sign3A_211 = arith.cmpi slt, %jit3A, %sign3A_210 : i32
      %sign3A_212 = arith.extui %sign3A_211 : i1 to i32
      %sign3A_213 = arith.subi %sign3A_209, %sign3A_212 : i32
      %ne3A = arith.cmpi ne, %sign3A_206, %sign3A_213 : i32
      %rem3A = arith.remsi %scan3A_198, %jit3A : i32
      %ne3A_214 = arith.constant 0 : i32
      %ne3A_215 = arith.cmpi ne, %rem3A, %ne3A_214 : i32
      %and3A = arith.andi %ne3A, %ne3A_215 : i1
      %sub3A = arith.constant 1 : i32
      %sub3A_216 = arith.subi %div3A, %sub3A : i32
      %select_n3A = arith.select %and3A, %sub3A_216, %div3A : i32
      %jit3A_217 = arith.constant 8 : i32
      %eq3A = arith.constant 0 : i32
      %eq3A_218 = arith.cmpi eq, %jit3A_217, %eq3A : i32
      %jit3A_219 = arith.constant 1 : i32
      %select_n3A_220 = arith.select %eq3A_218, %jit3A_219, %jit3A_217 : i32
      %rem3A_221 = arith.remsi %scan3A_198, %select_n3A_220 : i32
      %ne3A_222 = arith.constant 0 : i32
      %ne3A_223 = arith.cmpi ne, %rem3A_221, %ne3A_222 : i32
      %lt3A = arith.constant 0 : i32
      %lt3A_224 = arith.cmpi slt, %rem3A_221, %lt3A : i32
      %lt3A_225 = arith.constant 0 : i32
      %lt3A_226 = arith.cmpi slt, %select_n3A_220, %lt3A_225 : i32
      %ne3A_227 = arith.xori %lt3A_224, %lt3A_226 : i1
      %and3A_228 = arith.andi %ne3A_227, %ne3A_223 : i1
      %add3A_229 = arith.addi %rem3A_221, %select_n3A_220 : i32
      %select_n3A_230 = arith.select %and3A_228, %add3A_229, %rem3A_221 : i32
      %mul3A_231 = arith.constant 16 : i32
      %mul3A_232 = arith.muli %select_n3A_230, %mul3A_231 : i32
      %swap3A = arith.index_cast %select_n3A : i32 to index
      %swap3A_233 = arith.index_cast %mul3A_232 : i32 to index
      %swap3A_234 = tpu.vector_load %arg8[%swap3A, %swap3A_233] {strides = array<i32>} : memref<64x128xf32, #tpu.memory_space<vmem>>, vector<1x16xf32>,
      %swap3A_235 = vector.shape_cast %swap3A_234 : vector<1x16xf32> to vector<16xf32>
      %swap3A_236 = vector.shape_cast %broadcast_in_dim3A_200 : vector<16xf32> to vector<1x16xf32>
      tpu.vector_store %arg8[%swap3A, %swap3A_233], %swap3A_236 {strides = array<i32>} : memref<64x128xf32, #tpu.memory_space<vmem>>, vector<1x16xf32>,
      %scan3A_237 = arith.constant 0 : i32
      scf.yield %scan3A_237 : i32
    }
    %scan3A_8 = arith.constant 512 : i32
    %mul3A_9 = arith.constant 10 : i32
    %mul3A_10 = arith.muli %arg1, %mul3A_9 : i32
    %add3A_11 = arith.constant 0 : i32
    %add3A_12 = arith.addi %mul3A_10, %add3A_11 : i32
    %mul3A_13 = arith.constant 64 : i32
    %mul3A_14 = arith.muli %add3A_12, %mul3A_13 : i32
    "tpu.region"() ({
      %run_scoped3A = tpu.sem_alloc : memref<!tpu.dma_semaphore, #tpu.memory_space<semaphore_mem>>
      %dma_start3A_198 = arith.constant 0 : i32
      %dma_start3A_199 = tpu.memref_slice %arg11[%mul3A_14, %dma_start3A_198] : memref<10240x128xf32, #tpu.memory_space<vmem_shared>> -> memref<64x128xf32, #tpu.memory_space<vmem_shared>>
      %dma_start3A_200 = arith.constant 0 : i32
      %dma_start3A_201 = tpu.memref_slice %arg11[%mul3A_14, %dma_start3A_200] : memref<10240x128xf32, #tpu.memory_space<vmem_shared>> -> memref<64x128xf32, #tpu.memory_space<vmem_shared>>
      tpu.enqueue_dma source(%arg8 : memref<64x128xf32, #tpu.memory_space<vmem>>) target(%dma_start3A_201 : memref<64x128xf32, #tpu.memory_space<vmem_shared>>) target_semaphore(%run_scoped3A : memref<!tpu.dma_semaphore, #tpu.memory_space<semaphore_mem>>)
      %dma_wait3A_202 = arith.constant 0 : i32
      %dma_wait3A_203 = tpu.memref_slice %arg11[%mul3A_14, %dma_wait3A_202] : memref<10240x128xf32, #tpu.memory_space<vmem_shared>> -> memref<64x128xf32, #tpu.memory_space<vmem_shared>>
      %dma_wait3A_204 = arith.constant 0 : i32
      %dma_wait3A_205 = tpu.memref_slice %arg11[%mul3A_14, %dma_wait3A_204] : memref<10240x128xf32, #tpu.memory_space<vmem_shared>> -> memref<64x128xf32, #tpu.memory_space<vmem_shared>>
      tpu.wait_dma2 semaphore(%run_scoped3A : memref<!tpu.dma_semaphore, #tpu.memory_space<semaphore_mem>>) src(%arg8 : memref<64x128xf32, #tpu.memory_space<vmem>>) dst(%dma_wait3A_205 : memref<64x128xf32, #tpu.memory_space<vmem_shared>>)
      tpu.yield
    }) : () -> ()
    %mul3A_15 = arith.constant 10 : i32
    %mul3A_16 = arith.muli %arg1, %mul3A_15 : i32
    %add3A_17 = arith.constant 1 : i32
    %add3A_18 = arith.addi %mul3A_16, %add3A_17 : i32
    %mul3A_19 = arith.constant 64 : i32
    %mul3A_20 = arith.muli %add3A_18, %mul3A_19 : i32
    "tpu.region"() ({
      %run_scoped3A = tpu.sem_alloc : memref<!tpu.dma_semaphore, #tpu.memory_space<semaphore_mem>>
      %dma_start3A_198 = arith.constant 0 : i32
      %dma_start3A_199 = tpu.memref_slice %arg11[%mul3A_20, %dma_start3A_198] : memref<10240x128xf32, #tpu.memory_space<vmem_shared>> -> memref<64x128xf32, #tpu.memory_space<vmem_shared>>
      %dma_start3A_200 = arith.constant 0 : i32
      %dma_start3A_201 = tpu.memref_slice %arg11[%mul3A_20, %dma_start3A_200] : memref<10240x128xf32, #tpu.memory_space<vmem_shared>> -> memref<64x128xf32, #tpu.memory_space<vmem_shared>>
      tpu.enqueue_dma source(%arg8 : memref<64x128xf32, #tpu.memory_space<vmem>>) target(%dma_start3A_201 : memref<64x128xf32, #tpu.memory_space<vmem_shared>>) target_semaphore(%run_scoped3A : memref<!tpu.dma_semaphore, #tpu.memory_space<semaphore_mem>>)
      %dma_wait3A_202 = arith.constant 0 : i32
      %dma_wait3A_203 = tpu.memref_slice %arg11[%mul3A_20, %dma_wait3A_202] : memref<10240x128xf32, #tpu.memory_space<vmem_shared>> -> memref<64x128xf32, #tpu.memory_space<vmem_shared>>
      %dma_wait3A_204 = arith.constant 0 : i32
      %dma_wait3A_205 = tpu.memref_slice %arg11[%mul3A_20, %dma_wait3A_204] : memref<10240x128xf32, #tpu.memory_space<vmem_shared>> -> memref<64x128xf32, #tpu.memory_space<vmem_shared>>
      tpu.wait_dma2 semaphore(%run_scoped3A : memref<!tpu.dma_semaphore, #tpu.memory_space<semaphore_mem>>) src(%arg8 : memref<64x128xf32, #tpu.memory_space<vmem>>) dst(%dma_wait3A_205 : memref<64x128xf32, #tpu.memory_space<vmem_shared>>)
      tpu.yield
    }) : () -> ()
    %mul3A_21 = arith.constant 10 : i32
    %mul3A_22 = arith.muli %arg1, %mul3A_21 : i32
    %add3A_23 = arith.constant 2 : i32
    %add3A_24 = arith.addi %mul3A_22, %add3A_23 : i32
    %mul3A_25 = arith.constant 64 : i32
    %mul3A_26 = arith.muli %add3A_24, %mul3A_25 : i32
    "tpu.region"() ({
      %run_scoped3A = tpu.sem_alloc : memref<!tpu.dma_semaphore, #tpu.memory_space<semaphore_mem>>
      %dma_start3A_198 = arith.constant 0 : i32
      %dma_start3A_199 = tpu.memref_slice %arg11[%mul3A_26, %dma_start3A_198] : memref<10240x128xf32, #tpu.memory_space<vmem_shared>> -> memref<64x128xf32, #tpu.memory_space<vmem_shared>>
      %dma_start3A_200 = arith.constant 0 : i32
      %dma_start3A_201 = tpu.memref_slice %arg11[%mul3A_26, %dma_start3A_200] : memref<10240x128xf32, #tpu.memory_space<vmem_shared>> -> memref<64x128xf32, #tpu.memory_space<vmem_shared>>
      tpu.enqueue_dma source(%arg8 : memref<64x128xf32, #tpu.memory_space<vmem>>) target(%dma_start3A_201 : memref<64x128xf32, #tpu.memory_space<vmem_shared>>) target_semaphore(%run_scoped3A : memref<!tpu.dma_semaphore, #tpu.memory_space<semaphore_mem>>)
      %dma_wait3A_202 = arith.constant 0 : i32
      %dma_wait3A_203 = tpu.memref_slice %arg11[%mul3A_26, %dma_wait3A_202] : memref<10240x128xf32, #tpu.memory_space<vmem_shared>> -> memref<64x128xf32, #tpu.memory_space<vmem_shared>>
      %dma_wait3A_204 = arith.constant 0 : i32
      %dma_wait3A_205 = tpu.memref_slice %arg11[%mul3A_26, %dma_wait3A_204] : memref<10240x128xf32, #tpu.memory_space<vmem_shared>> -> memref<64x128xf32, #tpu.memory_space<vmem_shared>>
      tpu.wait_dma2 semaphore(%run_scoped3A : memref<!tpu.dma_semaphore, #tpu.memory_space<semaphore_mem>>) src(%arg8 : memref<64x128xf32, #tpu.memory_space<vmem>>) dst(%dma_wait3A_205 : memref<64x128xf32, #tpu.memory_space<vmem_shared>>)
      tpu.yield
    }) : () -> ()
    %mul3A_27 = arith.constant 10 : i32
    %mul3A_28 = arith.muli %arg1, %mul3A_27 : i32
    %add3A_29 = arith.constant 3 : i32
    %add3A_30 = arith.addi %mul3A_28, %add3A_29 : i32
    %mul3A_31 = arith.constant 64 : i32
    %mul3A_32 = arith.muli %add3A_30, %mul3A_31 : i32
    "tpu.region"() ({
      %run_scoped3A = tpu.sem_alloc : memref<!tpu.dma_semaphore, #tpu.memory_space<semaphore_mem>>
      %dma_start3A_198 = arith.constant 0 : i32
      %dma_start3A_199 = tpu.memref_slice %arg11[%mul3A_32, %dma_start3A_198] : memref<10240x128xf32, #tpu.memory_space<vmem_shared>> -> memref<64x128xf32, #tpu.memory_space<vmem_shared>>
      %dma_start3A_200 = arith.constant 0 : i32
      %dma_start3A_201 = tpu.memref_slice %arg11[%mul3A_32, %dma_start3A_200] : memref<10240x128xf32, #tpu.memory_space<vmem_shared>> -> memref<64x128xf32, #tpu.memory_space<vmem_shared>>
      tpu.enqueue_dma source(%arg8 : memref<64x128xf32, #tpu.memory_space<vmem>>) target(%dma_start3A_201 : memref<64x128xf32, #tpu.memory_space<vmem_shared>>) target_semaphore(%run_scoped3A : memref<!tpu.dma_semaphore, #tpu.memory_space<semaphore_mem>>)
      %dma_wait3A_202 = arith.constant 0 : i32
      %dma_wait3A_203 = tpu.memref_slice %arg11[%mul3A_32, %dma_wait3A_202] : memref<10240x128xf32, #tpu.memory_space<vmem_shared>> -> memref<64x128xf32, #tpu.memory_space<vmem_shared>>
      %dma_wait3A_204 = arith.constant 0 : i32
      %dma_wait3A_205 = tpu.memref_slice %arg11[%mul3A_32, %dma_wait3A_204] : memref<10240x128xf32, #tpu.memory_space<vmem_shared>> -> memref<64x128xf32, #tpu.memory_space<vmem_shared>>
      tpu.wait_dma2 semaphore(%run_scoped3A : memref<!tpu.dma_semaphore, #tpu.memory_space<semaphore_mem>>) src(%arg8 : memref<64x128xf32, #tpu.memory_space<vmem>>) dst(%dma_wait3A_205 : memref<64x128xf32, #tpu.memory_space<vmem_shared>>)
      tpu.yield
    }) : () -> ()
    %mul3A_33 = arith.constant 10 : i32
    %mul3A_34 = arith.muli %arg1, %mul3A_33 : i32
    %add3A_35 = arith.constant 4 : i32
    %add3A_36 = arith.addi %mul3A_34, %add3A_35 : i32
    %mul3A_37 = arith.constant 64 : i32
    %mul3A_38 = arith.muli %add3A_36, %mul3A_37 : i32
    "tpu.region"() ({
      %run_scoped3A = tpu.sem_alloc : memref<!tpu.dma_semaphore, #tpu.memory_space<semaphore_mem>>
      %dma_start3A_198 = arith.constant 0 : i32
      %dma_start3A_199 = tpu.memref_slice %arg11[%mul3A_38, %dma_start3A_198] : memref<10240x128xf32, #tpu.memory_space<vmem_shared>> -> memref<64x128xf32, #tpu.memory_space<vmem_shared>>
      %dma_start3A_200 = arith.constant 0 : i32
      %dma_start3A_201 = tpu.memref_slice %arg11[%mul3A_38, %dma_start3A_200] : memref<10240x128xf32, #tpu.memory_space<vmem_shared>> -> memref<64x128xf32, #tpu.memory_space<vmem_shared>>
      tpu.enqueue_dma source(%arg8 : memref<64x128xf32, #tpu.memory_space<vmem>>) target(%dma_start3A_201 : memref<64x128xf32, #tpu.memory_space<vmem_shared>>) target_semaphore(%run_scoped3A : memref<!tpu.dma_semaphore, #tpu.memory_space<semaphore_mem>>)
      %dma_wait3A_202 = arith.constant 0 : i32
      %dma_wait3A_203 = tpu.memref_slice %arg11[%mul3A_38, %dma_wait3A_202] : memref<10240x128xf32, #tpu.memory_space<vmem_shared>> -> memref<64x128xf32, #tpu.memory_space<vmem_shared>>
      %dma_wait3A_204 = arith.constant 0 : i32
      %dma_wait3A_205 = tpu.memref_slice %arg11[%mul3A_38, %dma_wait3A_204] : memref<10240x128xf32, #tpu.memory_space<vmem_shared>> -> memref<64x128xf32, #tpu.memory_space<vmem_shared>>
      tpu.wait_dma2 semaphore(%run_scoped3A : memref<!tpu.dma_semaphore, #tpu.memory_space<semaphore_mem>>) src(%arg8 : memref<64x128xf32, #tpu.memory_space<vmem>>) dst(%dma_wait3A_205 : memref<64x128xf32, #tpu.memory_space<vmem_shared>>)
      tpu.yield
    }) : () -> ()
    %mul3A_39 = arith.constant 10 : i32
    %mul3A_40 = arith.muli %arg1, %mul3A_39 : i32
    %add3A_41 = arith.constant 5 : i32
    %add3A_42 = arith.addi %mul3A_40, %add3A_41 : i32
    %mul3A_43 = arith.constant 64 : i32
    %mul3A_44 = arith.muli %add3A_42, %mul3A_43 : i32
    "tpu.region"() ({
      %run_scoped3A = tpu.sem_alloc : memref<!tpu.dma_semaphore, #tpu.memory_space<semaphore_mem>>
      %dma_start3A_198 = arith.constant 0 : i32
      %dma_start3A_199 = tpu.memref_slice %arg11[%mul3A_44, %dma_start3A_198] : memref<10240x128xf32, #tpu.memory_space<vmem_shared>> -> memref<64x128xf32, #tpu.memory_space<vmem_shared>>
      %dma_start3A_200 = arith.constant 0 : i32
      %dma_start3A_201 = tpu.memref_slice %arg11[%mul3A_44, %dma_start3A_200] : memref<10240x128xf32, #tpu.memory_space<vmem_shared>> -> memref<64x128xf32, #tpu.memory_space<vmem_shared>>
      tpu.enqueue_dma source(%arg8 : memref<64x128xf32, #tpu.memory_space<vmem>>) target(%dma_start3A_201 : memref<64x128xf32, #tpu.memory_space<vmem_shared>>) target_semaphore(%run_scoped3A : memref<!tpu.dma_semaphore, #tpu.memory_space<semaphore_mem>>)
      %dma_wait3A_202 = arith.constant 0 : i32
      %dma_wait3A_203 = tpu.memref_slice %arg11[%mul3A_44, %dma_wait3A_202] : memref<10240x128xf32, #tpu.memory_space<vmem_shared>> -> memref<64x128xf32, #tpu.memory_space<vmem_shared>>
      %dma_wait3A_204 = arith.constant 0 : i32
      %dma_wait3A_205 = tpu.memref_slice %arg11[%mul3A_44, %dma_wait3A_204] : memref<10240x128xf32, #tpu.memory_space<vmem_shared>> -> memref<64x128xf32, #tpu.memory_space<vmem_shared>>
      tpu.wait_dma2 semaphore(%run_scoped3A : memref<!tpu.dma_semaphore, #tpu.memory_space<semaphore_mem>>) src(%arg8 : memref<64x128xf32, #tpu.memory_space<vmem>>) dst(%dma_wait3A_205 : memref<64x128xf32, #tpu.memory_space<vmem_shared>>)
      tpu.yield
    }) : () -> ()
    %mul3A_45 = arith.constant 10 : i32
    %mul3A_46 = arith.muli %arg1, %mul3A_45 : i32
    %add3A_47 = arith.constant 6 : i32
    %add3A_48 = arith.addi %mul3A_46, %add3A_47 : i32
    %mul3A_49 = arith.constant 64 : i32
    %mul3A_50 = arith.muli %add3A_48, %mul3A_49 : i32
    "tpu.region"() ({
      %run_scoped3A = tpu.sem_alloc : memref<!tpu.dma_semaphore, #tpu.memory_space<semaphore_mem>>
      %dma_start3A_198 = arith.constant 0 : i32
      %dma_start3A_199 = tpu.memref_slice %arg11[%mul3A_50, %dma_start3A_198] : memref<10240x128xf32, #tpu.memory_space<vmem_shared>> -> memref<64x128xf32, #tpu.memory_space<vmem_shared>>
      %dma_start3A_200 = arith.constant 0 : i32
      %dma_start3A_201 = tpu.memref_slice %arg11[%mul3A_50, %dma_start3A_200] : memref<10240x128xf32, #tpu.memory_space<vmem_shared>> -> memref<64x128xf32, #tpu.memory_space<vmem_shared>>
      tpu.enqueue_dma source(%arg8 : memref<64x128xf32, #tpu.memory_space<vmem>>) target(%dma_start3A_201 : memref<64x128xf32, #tpu.memory_space<vmem_shared>>) target_semaphore(%run_scoped3A : memref<!tpu.dma_semaphore, #tpu.memory_space<semaphore_mem>>)
      %dma_wait3A_202 = arith.constant 0 : i32
      %dma_wait3A_203 = tpu.memref_slice %arg11[%mul3A_50, %dma_wait3A_202] : memref<10240x128xf32, #tpu.memory_space<vmem_shared>> -> memref<64x128xf32, #tpu.memory_space<vmem_shared>>
      %dma_wait3A_204 = arith.constant 0 : i32
      %dma_wait3A_205 = tpu.memref_slice %arg11[%mul3A_50, %dma_wait3A_204] : memref<10240x128xf32, #tpu.memory_space<vmem_shared>> -> memref<64x128xf32, #tpu.memory_space<vmem_shared>>
      tpu.wait_dma2 semaphore(%run_scoped3A : memref<!tpu.dma_semaphore, #tpu.memory_space<semaphore_mem>>) src(%arg8 : memref<64x128xf32, #tpu.memory_space<vmem>>) dst(%dma_wait3A_205 : memref<64x128xf32, #tpu.memory_space<vmem_shared>>)
      tpu.yield
    }) : () -> ()
    %mul3A_51 = arith.constant 10 : i32
    %mul3A_52 = arith.muli %arg1, %mul3A_51 : i32
    %add3A_53 = arith.constant 7 : i32
    %add3A_54 = arith.addi %mul3A_52, %add3A_53 : i32
    %mul3A_55 = arith.constant 64 : i32
    %mul3A_56 = arith.muli %add3A_54, %mul3A_55 : i32
    "tpu.region"() ({
      %run_scoped3A = tpu.sem_alloc : memref<!tpu.dma_semaphore, #tpu.memory_space<semaphore_mem>>
      %dma_start3A_198 = arith.constant 0 : i32
      %dma_start3A_199 = tpu.memref_slice %arg11[%mul3A_56, %dma_start3A_198] : memref<10240x128xf32, #tpu.memory_space<vmem_shared>> -> memref<64x128xf32, #tpu.memory_space<vmem_shared>>
      %dma_start3A_200 = arith.constant 0 : i32
      %dma_start3A_201 = tpu.memref_slice %arg11[%mul3A_56, %dma_start3A_200] : memref<10240x128xf32, #tpu.memory_space<vmem_shared>> -> memref<64x128xf32, #tpu.memory_space<vmem_shared>>
      tpu.enqueue_dma source(%arg8 : memref<64x128xf32, #tpu.memory_space<vmem>>) target(%dma_start3A_201 : memref<64x128xf32, #tpu.memory_space<vmem_shared>>) target_semaphore(%run_scoped3A : memref<!tpu.dma_semaphore, #tpu.memory_space<semaphore_mem>>)
      %dma_wait3A_202 = arith.constant 0 : i32
      %dma_wait3A_203 = tpu.memref_slice %arg11[%mul3A_56, %dma_wait3A_202] : memref<10240x128xf32, #tpu.memory_space<vmem_shared>> -> memref<64x128xf32, #tpu.memory_space<vmem_shared>>
      %dma_wait3A_204 = arith.constant 0 : i32
      %dma_wait3A_205 = tpu.memref_slice %arg11[%mul3A_56, %dma_wait3A_204] : memref<10240x128xf32, #tpu.memory_space<vmem_shared>> -> memref<64x128xf32, #tpu.memory_space<vmem_shared>>
      tpu.wait_dma2 semaphore(%run_scoped3A : memref<!tpu.dma_semaphore, #tpu.memory_space<semaphore_mem>>) src(%arg8 : memref<64x128xf32, #tpu.memory_space<vmem>>) dst(%dma_wait3A_205 : memref<64x128xf32, #tpu.memory_space<vmem_shared>>)
      tpu.yield
    }) : () -> ()
    %mul3A_57 = arith.constant 10 : i32
    %mul3A_58 = arith.muli %arg1, %mul3A_57 : i32
    %add3A_59 = arith.constant 8 : i32
    %add3A_60 = arith.addi %mul3A_58, %add3A_59 : i32
    %mul3A_61 = arith.constant 64 : i32
    %mul3A_62 = arith.muli %add3A_60, %mul3A_61 : i32
    "tpu.region"() ({
      %run_scoped3A = tpu.sem_alloc : memref<!tpu.dma_semaphore, #tpu.memory_space<semaphore_mem>>
      %dma_start3A_198 = arith.constant 0 : i32
      %dma_start3A_199 = tpu.memref_slice %arg11[%mul3A_62, %dma_start3A_198] : memref<10240x128xf32, #tpu.memory_space<vmem_shared>> -> memref<64x128xf32, #tpu.memory_space<vmem_shared>>
      %dma_start3A_200 = arith.constant 0 : i32
      %dma_start3A_201 = tpu.memref_slice %arg11[%mul3A_62, %dma_start3A_200] : memref<10240x128xf32, #tpu.memory_space<vmem_shared>> -> memref<64x128xf32, #tpu.memory_space<vmem_shared>>
      tpu.enqueue_dma source(%arg8 : memref<64x128xf32, #tpu.memory_space<vmem>>) target(%dma_start3A_201 : memref<64x128xf32, #tpu.memory_space<vmem_shared>>) target_semaphore(%run_scoped3A : memref<!tpu.dma_semaphore, #tpu.memory_space<semaphore_mem>>)
      %dma_wait3A_202 = arith.constant 0 : i32
      %dma_wait3A_203 = tpu.memref_slice %arg11[%mul3A_62, %dma_wait3A_202] : memref<10240x128xf32, #tpu.memory_space<vmem_shared>> -> memref<64x128xf32, #tpu.memory_space<vmem_shared>>
      %dma_wait3A_204 = arith.constant 0 : i32
      %dma_wait3A_205 = tpu.memref_slice %arg11[%mul3A_62, %dma_wait3A_204] : memref<10240x128xf32, #tpu.memory_space<vmem_shared>> -> memref<64x128xf32, #tpu.memory_space<vmem_shared>>
      tpu.wait_dma2 semaphore(%run_scoped3A : memref<!tpu.dma_semaphore, #tpu.memory_space<semaphore_mem>>) src(%arg8 : memref<64x128xf32, #tpu.memory_space<vmem>>) dst(%dma_wait3A_205 : memref<64x128xf32, #tpu.memory_space<vmem_shared>>)
      tpu.yield
    }) : () -> ()
    %mul3A_63 = arith.constant 10 : i32
    %mul3A_64 = arith.muli %arg1, %mul3A_63 : i32
    %add3A_65 = arith.constant 9 : i32
    %add3A_66 = arith.addi %mul3A_64, %add3A_65 : i32
    %mul3A_67 = arith.constant 64 : i32
    %mul3A_68 = arith.muli %add3A_66, %mul3A_67 : i32
    "tpu.region"() ({
      %run_scoped3A = tpu.sem_alloc : memref<!tpu.dma_semaphore, #tpu.memory_space<semaphore_mem>>
      %dma_start3A_198 = arith.constant 0 : i32
      %dma_start3A_199 = tpu.memref_slice %arg11[%mul3A_68, %dma_start3A_198] : memref<10240x128xf32, #tpu.memory_space<vmem_shared>> -> memref<64x128xf32, #tpu.memory_space<vmem_shared>>
      %dma_start3A_200 = arith.constant 0 : i32
      %dma_start3A_201 = tpu.memref_slice %arg11[%mul3A_68, %dma_start3A_200] : memref<10240x128xf32, #tpu.memory_space<vmem_shared>> -> memref<64x128xf32, #tpu.memory_space<vmem_shared>>
      tpu.enqueue_dma source(%arg8 : memref<64x128xf32, #tpu.memory_space<vmem>>) target(%dma_start3A_201 : memref<64x128xf32, #tpu.memory_space<vmem_shared>>) target_semaphore(%run_scoped3A : memref<!tpu.dma_semaphore, #tpu.memory_space<semaphore_mem>>)
      %dma_wait3A_202 = arith.constant 0 : i32
      %dma_wait3A_203 = tpu.memref_slice %arg11[%mul3A_68, %dma_wait3A_202] : memref<10240x128xf32, #tpu.memory_space<vmem_shared>> -> memref<64x128xf32, #tpu.memory_space<vmem_shared>>
      %dma_wait3A_204 = arith.constant 0 : i32
      %dma_wait3A_205 = tpu.memref_slice %arg11[%mul3A_68, %dma_wait3A_204] : memref<10240x128xf32, #tpu.memory_space<vmem_shared>> -> memref<64x128xf32, #tpu.memory_space<vmem_shared>>
      tpu.wait_dma2 semaphore(%run_scoped3A : memref<!tpu.dma_semaphore, #tpu.memory_space<semaphore_mem>>) src(%arg8 : memref<64x128xf32, #tpu.memory_space<vmem>>) dst(%dma_wait3A_205 : memref<64x128xf32, #tpu.memory_space<vmem_shared>>)
      tpu.yield
    }) : () -> ()
    %barrier3A = arith.constant 0 : index
    tpu.barrier barrier_id(%barrier3A)
    "tpu.region"() ({
      %run_scoped3A = tpu.sem_alloc : memref<!tpu.dma_semaphore, #tpu.memory_space<semaphore_mem>>
      %dma_start3A_198 = arith.constant 0 : i32
      %dma_start3A_199 = tpu.memref_slice %arg3[%mul3A_2, %dma_start3A_198] : memref<5120x64xi32, #tpu.memory_space<hbm>> -> memref<160x64xi32, #tpu.memory_space<hbm>>
      %dma_start3A_200 = arith.constant 0 : i32
      %dma_start3A_201 = tpu.memref_slice %arg3[%mul3A_2, %dma_start3A_200] : memref<5120x64xi32, #tpu.memory_space<hbm>> -> memref<160x64xi32, #tpu.memory_space<hbm>>
      tpu.enqueue_dma source(%dma_start3A_201 : memref<160x64xi32, #tpu.memory_space<hbm>>) target(%arg6 : memref<160x64xi32, #tpu.memory_space<vmem>>) target_semaphore(%run_scoped3A : memref<!tpu.dma_semaphore, #tpu.memory_space<semaphore_mem>>)
      %dma_wait3A_202 = arith.constant 0 : i32
      %dma_wait3A_203 = tpu.memref_slice %arg3[%mul3A_2, %dma_wait3A_202] : memref<5120x64xi32, #tpu.memory_space<hbm>> -> memref<160x64xi32, #tpu.memory_space<hbm>>
      %dma_wait3A_204 = arith.constant 0 : i32
      %dma_wait3A_205 = tpu.memref_slice %arg3[%mul3A_2, %dma_wait3A_204] : memref<5120x64xi32, #tpu.memory_space<hbm>> -> memref<160x64xi32, #tpu.memory_space<hbm>>
      tpu.wait_dma2 semaphore(%run_scoped3A : memref<!tpu.dma_semaphore, #tpu.memory_space<semaphore_mem>>) src(%dma_wait3A_205 : memref<160x64xi32, #tpu.memory_space<hbm>>) dst(%arg6 : memref<160x64xi32, #tpu.memory_space<vmem>>)
      tpu.yield
    }) : () -> ()
    "tpu.region"() ({
      %run_scoped3A = tpu.sem_alloc : memref<!tpu.dma_semaphore, #tpu.memory_space<semaphore_mem>>
      %dma_start3A_198 = arith.constant 0 : i32
      %dma_start3A_199 = tpu.memref_slice %arg4[%mul3A_2, %dma_start3A_198] : memref<5120x64xi32, #tpu.memory_space<hbm>> -> memref<160x64xi32, #tpu.memory_space<hbm>>
      %dma_start3A_200 = arith.constant 0 : i32
      %dma_start3A_201 = tpu.memref_slice %arg4[%mul3A_2, %dma_start3A_200] : memref<5120x64xi32, #tpu.memory_space<hbm>> -> memref<160x64xi32, #tpu.memory_space<hbm>>
      tpu.enqueue_dma source(%dma_start3A_201 : memref<160x64xi32, #tpu.memory_space<hbm>>) target(%arg7 : memref<160x64xi32, #tpu.memory_space<vmem>>) target_semaphore(%run_scoped3A : memref<!tpu.dma_semaphore, #tpu.memory_space<semaphore_mem>>)
      %dma_wait3A_202 = arith.constant 0 : i32
      %dma_wait3A_203 = tpu.memref_slice %arg4[%mul3A_2, %dma_wait3A_202] : memref<5120x64xi32, #tpu.memory_space<hbm>> -> memref<160x64xi32, #tpu.memory_space<hbm>>
      %dma_wait3A_204 = arith.constant 0 : i32
      %dma_wait3A_205 = tpu.memref_slice %arg4[%mul3A_2, %dma_wait3A_204] : memref<5120x64xi32, #tpu.memory_space<hbm>> -> memref<160x64xi32, #tpu.memory_space<hbm>>
      tpu.wait_dma2 semaphore(%run_scoped3A : memref<!tpu.dma_semaphore, #tpu.memory_space<semaphore_mem>>) src(%dma_wait3A_205 : memref<160x64xi32, #tpu.memory_space<hbm>>) dst(%arg7 : memref<160x64xi32, #tpu.memory_space<vmem>>)
      tpu.yield
    }) : () -> ()
    %dma_start3A = arith.constant 0 : i32
    %dma_start3A_69 = arith.constant 0 : i32
    %dma_start3A_70 = tpu.memref_slice %arg6[%dma_start3A, %dma_start3A_69] : memref<160x64xi32, #tpu.memory_space<vmem>> -> memref<1x64xi32, #tpu.memory_space<vmem>>
    %dma_start3A_71 = tpu.memref_squeeze %dma_start3A_70 : memref<1x64xi32, #tpu.memory_space<vmem>> -> memref<64xi32, #tpu.memory_space<vmem>>
    %dma_start3A_72 = arith.constant 0 : i32
    %dma_start3A_73 = arith.constant 0 : i32
    %dma_start3A_74 = tpu.memref_slice %arg2[%dma_start3A_72, %dma_start3A_73] : memref<10240x128xf32, #tpu.memory_space<hbm>> -> memref<10240x128xf32, #tpu.memory_space<hbm>>
    tpu.enqueue_indirect_dma source(%dma_start3A_74 : memref<10240x128xf32, #tpu.memory_space<hbm>>) target(%arg8 : memref<64x128xf32, #tpu.memory_space<vmem>>) offsets(%dma_start3A_71 : memref<64xi32, #tpu.memory_space<vmem>>) semaphore(%arg12 : memref<!tpu.dma_semaphore, #tpu.memory_space<semaphore_mem>>)
    %dma_start3A_75 = arith.constant 1 : i32
    %dma_start3A_76 = arith.constant 0 : i32
    %dma_start3A_77 = tpu.memref_slice %arg6[%dma_start3A_75, %dma_start3A_76] : memref<160x64xi32, #tpu.memory_space<vmem>> -> memref<1x64xi32, #tpu.memory_space<vmem>>
    %dma_start3A_78 = tpu.memref_squeeze %dma_start3A_77 : memref<1x64xi32, #tpu.memory_space<vmem>> -> memref<64xi32, #tpu.memory_space<vmem>>
    %dma_start3A_79 = arith.constant 0 : i32
    %dma_start3A_80 = arith.constant 0 : i32
    %dma_start3A_81 = tpu.memref_slice %arg2[%dma_start3A_79, %dma_start3A_80] : memref<10240x128xf32, #tpu.memory_space<hbm>> -> memref<10240x128xf32, #tpu.memory_space<hbm>>
    tpu.enqueue_indirect_dma source(%dma_start3A_81 : memref<10240x128xf32, #tpu.memory_space<hbm>>) target(%arg9 : memref<64x128xf32, #tpu.memory_space<vmem>>) offsets(%dma_start3A_78 : memref<64xi32, #tpu.memory_space<vmem>>) semaphore(%arg13 : memref<!tpu.dma_semaphore, #tpu.memory_space<semaphore_mem>>)
    %dma_start3A_82 = arith.constant 2 : i32
    %dma_start3A_83 = arith.constant 0 : i32
    %dma_start3A_84 = tpu.memref_slice %arg6[%dma_start3A_82, %dma_start3A_83] : memref<160x64xi32, #tpu.memory_space<vmem>> -> memref<1x64xi32, #tpu.memory_space<vmem>>
    %dma_start3A_85 = tpu.memref_squeeze %dma_start3A_84 : memref<1x64xi32, #tpu.memory_space<vmem>> -> memref<64xi32, #tpu.memory_space<vmem>>
    %dma_start3A_86 = arith.constant 0 : i32
    %dma_start3A_87 = arith.constant 0 : i32
    %dma_start3A_88 = tpu.memref_slice %arg2[%dma_start3A_86, %dma_start3A_87] : memref<10240x128xf32, #tpu.memory_space<hbm>> -> memref<10240x128xf32, #tpu.memory_space<hbm>>
    tpu.enqueue_indirect_dma source(%dma_start3A_88 : memref<10240x128xf32, #tpu.memory_space<hbm>>) target(%arg10 : memref<64x128xf32, #tpu.memory_space<vmem>>) offsets(%dma_start3A_85 : memref<64xi32, #tpu.memory_space<vmem>>) semaphore(%arg14 : memref<!tpu.dma_semaphore, #tpu.memory_space<semaphore_mem>>)
    %dma_wait3A = arith.constant 0 : i32
    %dma_wait3A_89 = arith.constant 0 : i32
    %dma_wait3A_90 = tpu.memref_slice %arg6[%dma_wait3A, %dma_wait3A_89] : memref<160x64xi32, #tpu.memory_space<vmem>> -> memref<1x64xi32, #tpu.memory_space<vmem>>
    %dma_wait3A_91 = tpu.memref_squeeze %dma_wait3A_90 : memref<1x64xi32, #tpu.memory_space<vmem>> -> memref<64xi32, #tpu.memory_space<vmem>>
    %dma_wait3A_92 = arith.constant 0 : i32
    %dma_wait3A_93 = arith.constant 0 : i32
    %dma_wait3A_94 = tpu.memref_slice %arg2[%dma_wait3A_92, %dma_wait3A_93] : memref<10240x128xf32, #tpu.memory_space<hbm>> -> memref<10240x128xf32, #tpu.memory_space<hbm>>
    tpu.wait_indirect_dma semaphore(%arg12 : memref<!tpu.dma_semaphore, #tpu.memory_space<semaphore_mem>>) src(%dma_wait3A_94 : memref<10240x128xf32, #tpu.memory_space<hbm>>) dst(%arg8 : memref<64x128xf32, #tpu.memory_space<vmem>>)
    %dma_start3A_95 = arith.constant 0 : i32
    %dma_start3A_96 = arith.constant 0 : i32
    %dma_start3A_97 = tpu.memref_slice %arg7[%dma_start3A_95, %dma_start3A_96] : memref<160x64xi32, #tpu.memory_space<vmem>> -> memref<1x64xi32, #tpu.memory_space<vmem>>
    %dma_start3A_98 = tpu.memref_squeeze %dma_start3A_97 : memref<1x64xi32, #tpu.memory_space<vmem>> -> memref<64xi32, #tpu.memory_space<vmem>>
    %dma_start3A_99 = arith.constant 0 : i32
    %dma_start3A_100 = arith.constant 0 : i32
    %dma_start3A_101 = tpu.memref_slice %arg11[%dma_start3A_99, %dma_start3A_100] : memref<10240x128xf32, #tpu.memory_space<vmem_shared>> -> memref<10240x128xf32, #tpu.memory_space<vmem_shared>>
    tpu.enqueue_indirect_dma source(%arg8 : memref<64x128xf32, #tpu.memory_space<vmem>>) target(%dma_start3A_101 : memref<10240x128xf32, #tpu.memory_space<vmem_shared>>) offsets(%dma_start3A_98 : memref<64xi32, #tpu.memory_space<vmem>>) semaphore(%arg15 : memref<!tpu.dma_semaphore, #tpu.memory_space<semaphore_mem>>) {add = true}
    %dma_wait3A_102 = arith.constant 0 : i32
    %dma_wait3A_103 = arith.constant 0 : i32
    %dma_wait3A_104 = tpu.memref_slice %arg7[%dma_wait3A_102, %dma_wait3A_103] : memref<160x64xi32, #tpu.memory_space<vmem>> -> memref<1x64xi32, #tpu.memory_space<vmem>>
    %dma_wait3A_105 = tpu.memref_squeeze %dma_wait3A_104 : memref<1x64xi32, #tpu.memory_space<vmem>> -> memref<64xi32, #tpu.memory_space<vmem>>
    %dma_wait3A_106 = arith.constant 0 : i32
    %dma_wait3A_107 = arith.constant 0 : i32
    %dma_wait3A_108 = tpu.memref_slice %arg11[%dma_wait3A_106, %dma_wait3A_107] : memref<10240x128xf32, #tpu.memory_space<vmem_shared>> -> memref<10240x128xf32, #tpu.memory_space<vmem_shared>>
    tpu.wait_indirect_dma semaphore(%arg15 : memref<!tpu.dma_semaphore, #tpu.memory_space<semaphore_mem>>) src(%arg8 : memref<64x128xf32, #tpu.memory_space<vmem>>) dst(%dma_wait3A_108 : memref<10240x128xf32, #tpu.memory_space<vmem_shared>>)
    %dma_start3A_109 = arith.constant 3 : i32
    %dma_start3A_110 = arith.constant 0 : i32
    %dma_start3A_111 = tpu.memref_slice %arg6[%dma_start3A_109, %dma_start3A_110] : memref<160x64xi32, #tpu.memory_space<vmem>> -> memref<1x64xi32, #tpu.memory_space<vmem>>
    %dma_start3A_112 = tpu.memref_squeeze %dma_start3A_111 : memref<1x64xi32, #tpu.memory_space<vmem>> -> memref<64xi32, #tpu.memory_space<vmem>>
    %dma_start3A_113 = arith.constant 0 : i32
    %dma_start3A_114 = arith.constant 0 : i32
    %dma_start3A_115 = tpu.memref_slice %arg2[%dma_start3A_113, %dma_start3A_114] : memref<10240x128xf32, #tpu.memory_space<hbm>> -> memref<10240x128xf32, #tpu.memory_space<hbm>>
    tpu.enqueue_indirect_dma source(%dma_start3A_115 : memref<10240x128xf32, #tpu.memory_space<hbm>>) target(%arg8 : memref<64x128xf32, #tpu.memory_space<vmem>>) offsets(%dma_start3A_112 : memref<64xi32, #tpu.memory_space<vmem>>) semaphore(%arg12 : memref<!tpu.dma_semaphore, #tpu.memory_space<semaphore_mem>>)
    %dma_wait3A_116 = arith.constant 1 : i32
    %dma_wait3A_117 = arith.constant 0 : i32
    %dma_wait3A_118 = tpu.memref_slice %arg6[%dma_wait3A_116, %dma_wait3A_117] : memref<160x64xi32, #tpu.memory_space<vmem>> -> memref<1x64xi32, #tpu.memory_space<vmem>>
    %dma_wait3A_119 = tpu.memref_squeeze %dma_wait3A_118 : memref<1x64xi32, #tpu.memory_space<vmem>> -> memref<64xi32, #tpu.memory_space<vmem>>
    %dma_wait3A_120 = arith.constant 0 : i32
    %dma_wait3A_121 = arith.constant 0 : i32
    %dma_wait3A_122 = tpu.memref_slice %arg2[%dma_wait3A_120, %dma_wait3A_121] : memref<10240x128xf32, #tpu.memory_space<hbm>> -> memref<10240x128xf32, #tpu.memory_space<hbm>>
    tpu.wait_indirect_dma semaphore(%arg13 : memref<!tpu.dma_semaphore, #tpu.memory_space<semaphore_mem>>) src(%dma_wait3A_122 : memref<10240x128xf32, #tpu.memory_space<hbm>>) dst(%arg9 : memref<64x128xf32, #tpu.memory_space<vmem>>)
    %dma_start3A_123 = arith.constant 1 : i32
    %dma_start3A_124 = arith.constant 0 : i32
    %dma_start3A_125 = tpu.memref_slice %arg7[%dma_start3A_123, %dma_start3A_124] : memref<160x64xi32, #tpu.memory_space<vmem>> -> memref<1x64xi32, #tpu.memory_space<vmem>>
    %dma_start3A_126 = tpu.memref_squeeze %dma_start3A_125 : memref<1x64xi32, #tpu.memory_space<vmem>> -> memref<64xi32, #tpu.memory_space<vmem>>
    %dma_start3A_127 = arith.constant 0 : i32
    %dma_start3A_128 = arith.constant 0 : i32
    %dma_start3A_129 = tpu.memref_slice %arg11[%dma_start3A_127, %dma_start3A_128] : memref<10240x128xf32, #tpu.memory_space<vmem_shared>> -> memref<10240x128xf32, #tpu.memory_space<vmem_shared>>
    tpu.enqueue_indirect_dma source(%arg9 : memref<64x128xf32, #tpu.memory_space<vmem>>) target(%dma_start3A_129 : memref<10240x128xf32, #tpu.memory_space<vmem_shared>>) offsets(%dma_start3A_126 : memref<64xi32, #tpu.memory_space<vmem>>) semaphore(%arg16 : memref<!tpu.dma_semaphore, #tpu.memory_space<semaphore_mem>>) {add = true}
    %dma_wait3A_130 = arith.constant 1 : i32
    %dma_wait3A_131 = arith.constant 0 : i32
    %dma_wait3A_132 = tpu.memref_slice %arg7[%dma_wait3A_130, %dma_wait3A_131] : memref<160x64xi32, #tpu.memory_space<vmem>> -> memref<1x64xi32, #tpu.memory_space<vmem>>
    %dma_wait3A_133 = tpu.memref_squeeze %dma_wait3A_132 : memref<1x64xi32, #tpu.memory_space<vmem>> -> memref<64xi32, #tpu.memory_space<vmem>>
    %dma_wait3A_134 = arith.constant 0 : i32
    %dma_wait3A_135 = arith.constant 0 : i32
    %dma_wait3A_136 = tpu.memref_slice %arg11[%dma_wait3A_134, %dma_wait3A_135] : memref<10240x128xf32, #tpu.memory_space<vmem_shared>> -> memref<10240x128xf32, #tpu.memory_space<vmem_shared>>
    tpu.wait_indirect_dma semaphore(%arg16 : memref<!tpu.dma_semaphore, #tpu.memory_space<semaphore_mem>>) src(%arg9 : memref<64x128xf32, #tpu.memory_space<vmem>>) dst(%dma_wait3A_136 : memref<10240x128xf32, #tpu.memory_space<vmem_shared>>)
    %dma_start3A_137 = arith.constant 4 : i32
    %dma_start3A_138 = arith.constant 0 : i32
    %dma_start3A_139 = tpu.memref_slice %arg6[%dma_start3A_137, %dma_start3A_138] : memref<160x64xi32, #tpu.memory_space<vmem>> -> memref<1x64xi32, #tpu.memory_space<vmem>>
    %dma_start3A_140 = tpu.memref_squeeze %dma_start3A_139 : memref<1x64xi32, #tpu.memory_space<vmem>> -> memref<64xi32, #tpu.memory_space<vmem>>
    %dma_start3A_141 = arith.constant 0 : i32
    %dma_start3A_142 = arith.constant 0 : i32
    %dma_start3A_143 = tpu.memref_slice %arg2[%dma_start3A_141, %dma_start3A_142] : memref<10240x128xf32, #tpu.memory_space<hbm>> -> memref<10240x128xf32, #tpu.memory_space<hbm>>
    tpu.enqueue_indirect_dma source(%dma_start3A_143 : memref<10240x128xf32, #tpu.memory_space<hbm>>) target(%arg9 : memref<64x128xf32, #tpu.memory_space<vmem>>) offsets(%dma_start3A_140 : memref<64xi32, #tpu.memory_space<vmem>>) semaphore(%arg13 : memref<!tpu.dma_semaphore, #tpu.memory_space<semaphore_mem>>)
    %dma_wait3A_144 = arith.constant 2 : i32
    %dma_wait3A_145 = arith.constant 0 : i32
    %dma_wait3A_146 = tpu.memref_slice %arg6[%dma_wait3A_144, %dma_wait3A_145] : memref<160x64xi32, #tpu.memory_space<vmem>> -> memref<1x64xi32, #tpu.memory_space<vmem>>
    %dma_wait3A_147 = tpu.memref_squeeze %dma_wait3A_146 : memref<1x64xi32, #tpu.memory_space<vmem>> -> memref<64xi32, #tpu.memory_space<vmem>>
    %dma_wait3A_148 = arith.constant 0 : i32
    %dma_wait3A_149 = arith.constant 0 : i32
    %dma_wait3A_150 = tpu.memref_slice %arg2[%dma_wait3A_148, %dma_wait3A_149] : memref<10240x128xf32, #tpu.memory_space<hbm>> -> memref<10240x128xf32, #tpu.memory_space<hbm>>
    tpu.wait_indirect_dma semaphore(%arg14 : memref<!tpu.dma_semaphore, #tpu.memory_space<semaphore_mem>>) src(%dma_wait3A_150 : memref<10240x128xf32, #tpu.memory_space<hbm>>) dst(%arg10 : memref<64x128xf32, #tpu.memory_space<vmem>>)
    %dma_start3A_151 = arith.constant 2 : i32
    %dma_start3A_152 = arith.constant 0 : i32
    %dma_start3A_153 = tpu.memref_slice %arg7[%dma_start3A_151, %dma_start3A_152] : memref<160x64xi32, #tpu.memory_space<vmem>> -> memref<1x64xi32, #tpu.memory_space<vmem>>
    %dma_start3A_154 = tpu.memref_squeeze %dma_start3A_153 : memref<1x64xi32, #tpu.memory_space<vmem>> -> memref<64xi32, #tpu.memory_space<vmem>>
    %dma_start3A_155 = arith.constant 0 : i32
    %dma_start3A_156 = arith.constant 0 : i32
    %dma_start3A_157 = tpu.memref_slice %arg11[%dma_start3A_155, %dma_start3A_156] : memref<10240x128xf32, #tpu.memory_space<vmem_shared>> -> memref<10240x128xf32, #tpu.memory_space<vmem_shared>>
    tpu.enqueue_indirect_dma source(%arg10 : memref<64x128xf32, #tpu.memory_space<vmem>>) target(%dma_start3A_157 : memref<10240x128xf32, #tpu.memory_space<vmem_shared>>) offsets(%dma_start3A_154 : memref<64xi32, #tpu.memory_space<vmem>>) semaphore(%arg17 : memref<!tpu.dma_semaphore, #tpu.memory_space<semaphore_mem>>) {add = true}
    %scan3A_158 = arith.constant 0 : i32
    %scan3A_159 = arith.constant 1 : i32
    %scan3A_160 = arith.constant 52 : i32
    %scan3A_161 = arith.addi %scan3A_159, %scan3A_160 : i32
    %scan3A_162 = arith.constant 1 : i32
    %scan3A_163 = scf.for %scan3A_198 = %scan3A_159 to %scan3A_161 step %scan3A_162 iter_args(%scan3A_199 = %scan3A_158) -> (i32)  : i32 {
      %mul3A_200 = arith.constant 3 : i32
      %mul3A_201 = arith.muli %mul3A_200, %scan3A_198 : i32
      %add3A_202 = arith.constant 0 : i32
      %add3A_203 = arith.addi %mul3A_201, %add3A_202 : i32
      %sub3A = arith.constant 1 : i32
      %sub3A_204 = arith.subi %add3A_203, %sub3A : i32
      %dma_wait3A_205 = arith.constant 0 : i32
      %dma_wait3A_206 = tpu.memref_slice %arg7[%sub3A_204, %dma_wait3A_205] : memref<160x64xi32, #tpu.memory_space<vmem>> -> memref<1x64xi32, #tpu.memory_space<vmem>>
      %dma_wait3A_207 = tpu.memref_squeeze %dma_wait3A_206 : memref<1x64xi32, #tpu.memory_space<vmem>> -> memref<64xi32, #tpu.memory_space<vmem>>
      %dma_wait3A_208 = arith.constant 0 : i32
      %dma_wait3A_209 = arith.constant 0 : i32
      %dma_wait3A_210 = tpu.memref_slice %arg11[%dma_wait3A_208, %dma_wait3A_209] : memref<10240x128xf32, #tpu.memory_space<vmem_shared>> -> memref<10240x128xf32, #tpu.memory_space<vmem_shared>>
      tpu.wait_indirect_dma semaphore(%arg17 : memref<!tpu.dma_semaphore, #tpu.memory_space<semaphore_mem>>) src(%arg10 : memref<64x128xf32, #tpu.memory_space<vmem>>) dst(%dma_wait3A_210 : memref<10240x128xf32, #tpu.memory_space<vmem_shared>>)
      %add3A_211 = arith.constant 2 : i32
      %add3A_212 = arith.addi %add3A_203, %add3A_211 : i32
      %lt3A = arith.constant 160 : i32
      %lt3A_213 = arith.cmpi slt, %add3A_212, %lt3A : i32
      %convert_element_type3A = arith.extui %lt3A_213 : i1 to i32
      %cond3A = arith.constant 0 : i32
      %cond3A_214 = arith.cmpi ne, %convert_element_type3A, %cond3A : i32
      scf.if %cond3A_214 {
        %add3A_286 = arith.constant 2 : i32
        %add3A_287 = arith.addi %add3A_203, %add3A_286 : i32
        %dma_start3A_288 = arith.constant 0 : i32
        %dma_start3A_289 = tpu.memref_slice %arg6[%add3A_287, %dma_start3A_288] : memref<160x64xi32, #tpu.memory_space<vmem>> -> memref<1x64xi32, #tpu.memory_space<vmem>>
        %dma_start3A_290 = tpu.memref_squeeze %dma_start3A_289 : memref<1x64xi32, #tpu.memory_space<vmem>> -> memref<64xi32, #tpu.memory_space<vmem>>
        %dma_start3A_291 = arith.constant 0 : i32
        %dma_start3A_292 = arith.constant 0 : i32
        %dma_start3A_293 = tpu.memref_slice %arg2[%dma_start3A_291, %dma_start3A_292] : memref<10240x128xf32, #tpu.memory_space<hbm>> -> memref<10240x128xf32, #tpu.memory_space<hbm>>
        tpu.enqueue_indirect_dma source(%dma_start3A_293 : memref<10240x128xf32, #tpu.memory_space<hbm>>) target(%arg10 : memref<64x128xf32, #tpu.memory_space<vmem>>) offsets(%dma_start3A_290 : memref<64xi32, #tpu.memory_space<vmem>>) semaphore(%arg14 : memref<!tpu.dma_semaphore, #tpu.memory_space<semaphore_mem>>)
      } else {
      }
      %dma_wait3A_215 = arith.constant 0 : i32
      %dma_wait3A_216 = tpu.memref_slice %arg6[%add3A_203, %dma_wait3A_215] : memref<160x64xi32, #tpu.memory_space<vmem>> -> memref<1x64xi32, #tpu.memory_space<vmem>>
      %dma_wait3A_217 = tpu.memref_squeeze %dma_wait3A_216 : memref<1x64xi32, #tpu.memory_space<vmem>> -> memref<64xi32, #tpu.memory_space<vmem>>
      %dma_wait3A_218 = arith.constant 0 : i32
      %dma_wait3A_219 = arith.constant 0 : i32
      %dma_wait3A_220 = tpu.memref_slice %arg2[%dma_wait3A_218, %dma_wait3A_219] : memref<10240x128xf32, #tpu.memory_space<hbm>> -> memref<10240x128xf32, #tpu.memory_space<hbm>>
      tpu.wait_indirect_dma semaphore(%arg12 : memref<!tpu.dma_semaphore, #tpu.memory_space<semaphore_mem>>) src(%dma_wait3A_220 : memref<10240x128xf32, #tpu.memory_space<hbm>>) dst(%arg8 : memref<64x128xf32, #tpu.memory_space<vmem>>)
      %dma_start3A_221 = arith.constant 0 : i32
      %dma_start3A_222 = tpu.memref_slice %arg7[%add3A_203, %dma_start3A_221] : memref<160x64xi32, #tpu.memory_space<vmem>> -> memref<1x64xi32, #tpu.memory_space<vmem>>
      %dma_start3A_223 = tpu.memref_squeeze %dma_start3A_222 : memref<1x64xi32, #tpu.memory_space<vmem>> -> memref<64xi32, #tpu.memory_space<vmem>>
      %dma_start3A_224 = arith.constant 0 : i32
      %dma_start3A_225 = arith.constant 0 : i32
      %dma_start3A_226 = tpu.memref_slice %arg11[%dma_start3A_224, %dma_start3A_225] : memref<10240x128xf32, #tpu.memory_space<vmem_shared>> -> memref<10240x128xf32, #tpu.memory_space<vmem_shared>>
      tpu.enqueue_indirect_dma source(%arg8 : memref<64x128xf32, #tpu.memory_space<vmem>>) target(%dma_start3A_226 : memref<10240x128xf32, #tpu.memory_space<vmem_shared>>) offsets(%dma_start3A_223 : memref<64xi32, #tpu.memory_space<vmem>>) semaphore(%arg15 : memref<!tpu.dma_semaphore, #tpu.memory_space<semaphore_mem>>) {add = true}
      %add3A_227 = arith.constant 1 : i32
      %add3A_228 = arith.addi %mul3A_201, %add3A_227 : i32
      %sub3A_229 = arith.constant 1 : i32
      %sub3A_230 = arith.subi %add3A_228, %sub3A_229 : i32
      %dma_wait3A_231 = arith.constant 0 : i32
      %dma_wait3A_232 = tpu.memref_slice %arg7[%sub3A_230, %dma_wait3A_231] : memref<160x64xi32, #tpu.memory_space<vmem>> -> memref<1x64xi32, #tpu.memory_space<vmem>>
      %dma_wait3A_233 = tpu.memref_squeeze %dma_wait3A_232 : memref<1x64xi32, #tpu.memory_space<vmem>> -> memref<64xi32, #tpu.memory_space<vmem>>
      %dma_wait3A_234 = arith.constant 0 : i32
      %dma_wait3A_235 = arith.constant 0 : i32
      %dma_wait3A_236 = tpu.memref_slice %arg11[%dma_wait3A_234, %dma_wait3A_235] : memref<10240x128xf32, #tpu.memory_space<vmem_shared>> -> memref<10240x128xf32, #tpu.memory_space<vmem_shared>>
      tpu.wait_indirect_dma semaphore(%arg15 : memref<!tpu.dma_semaphore, #tpu.memory_space<semaphore_mem>>) src(%arg8 : memref<64x128xf32, #tpu.memory_space<vmem>>) dst(%dma_wait3A_236 : memref<10240x128xf32, #tpu.memory_space<vmem_shared>>)
      %add3A_237 = arith.constant 2 : i32
      %add3A_238 = arith.addi %add3A_228, %add3A_237 : i32
      %lt3A_239 = arith.constant 160 : i32
      %lt3A_240 = arith.cmpi slt, %add3A_238, %lt3A_239 : i32
      %convert_element_type3A_241 = arith.extui %lt3A_240 : i1 to i32
      %cond3A_242 = arith.constant 0 : i32
      %cond3A_243 = arith.cmpi ne, %convert_element_type3A_241, %cond3A_242 : i32
      scf.if %cond3A_243 {
        %add3A_286 = arith.constant 2 : i32
        %add3A_287 = arith.addi %add3A_228, %add3A_286 : i32
        %dma_start3A_288 = arith.constant 0 : i32
        %dma_start3A_289 = tpu.memref_slice %arg6[%add3A_287, %dma_start3A_288] : memref<160x64xi32, #tpu.memory_space<vmem>> -> memref<1x64xi32, #tpu.memory_space<vmem>>
        %dma_start3A_290 = tpu.memref_squeeze %dma_start3A_289 : memref<1x64xi32, #tpu.memory_space<vmem>> -> memref<64xi32, #tpu.memory_space<vmem>>
        %dma_start3A_291 = arith.constant 0 : i32
        %dma_start3A_292 = arith.constant 0 : i32
        %dma_start3A_293 = tpu.memref_slice %arg2[%dma_start3A_291, %dma_start3A_292] : memref<10240x128xf32, #tpu.memory_space<hbm>> -> memref<10240x128xf32, #tpu.memory_space<hbm>>
        tpu.enqueue_indirect_dma source(%dma_start3A_293 : memref<10240x128xf32, #tpu.memory_space<hbm>>) target(%arg8 : memref<64x128xf32, #tpu.memory_space<vmem>>) offsets(%dma_start3A_290 : memref<64xi32, #tpu.memory_space<vmem>>) semaphore(%arg12 : memref<!tpu.dma_semaphore, #tpu.memory_space<semaphore_mem>>)
      } else {
      }
      %dma_wait3A_244 = arith.constant 0 : i32
      %dma_wait3A_245 = tpu.memref_slice %arg6[%add3A_228, %dma_wait3A_244] : memref<160x64xi32, #tpu.memory_space<vmem>> -> memref<1x64xi32, #tpu.memory_space<vmem>>
      %dma_wait3A_246 = tpu.memref_squeeze %dma_wait3A_245 : memref<1x64xi32, #tpu.memory_space<vmem>> -> memref<64xi32, #tpu.memory_space<vmem>>
      %dma_wait3A_247 = arith.constant 0 : i32
      %dma_wait3A_248 = arith.constant 0 : i32
      %dma_wait3A_249 = tpu.memref_slice %arg2[%dma_wait3A_247, %dma_wait3A_248] : memref<10240x128xf32, #tpu.memory_space<hbm>> -> memref<10240x128xf32, #tpu.memory_space<hbm>>
      tpu.wait_indirect_dma semaphore(%arg13 : memref<!tpu.dma_semaphore, #tpu.memory_space<semaphore_mem>>) src(%dma_wait3A_249 : memref<10240x128xf32, #tpu.memory_space<hbm>>) dst(%arg9 : memref<64x128xf32, #tpu.memory_space<vmem>>)
      %dma_start3A_250 = arith.constant 0 : i32
      %dma_start3A_251 = tpu.memref_slice %arg7[%add3A_228, %dma_start3A_250] : memref<160x64xi32, #tpu.memory_space<vmem>> -> memref<1x64xi32, #tpu.memory_space<vmem>>
      %dma_start3A_252 = tpu.memref_squeeze %dma_start3A_251 : memref<1x64xi32, #tpu.memory_space<vmem>> -> memref<64xi32, #tpu.memory_space<vmem>>
      %dma_start3A_253 = arith.constant 0 : i32
      %dma_start3A_254 = arith.constant 0 : i32
      %dma_start3A_255 = tpu.memref_slice %arg11[%dma_start3A_253, %dma_start3A_254] : memref<10240x128xf32, #tpu.memory_space<vmem_shared>> -> memref<10240x128xf32, #tpu.memory_space<vmem_shared>>
      tpu.enqueue_indirect_dma source(%arg9 : memref<64x128xf32, #tpu.memory_space<vmem>>) target(%dma_start3A_255 : memref<10240x128xf32, #tpu.memory_space<vmem_shared>>) offsets(%dma_start3A_252 : memref<64xi32, #tpu.memory_space<vmem>>) semaphore(%arg16 : memref<!tpu.dma_semaphore, #tpu.memory_space<semaphore_mem>>) {add = true}
      %add3A_256 = arith.constant 2 : i32
      %add3A_257 = arith.addi %mul3A_201, %add3A_256 : i32
      %sub3A_258 = arith.constant 1 : i32
      %sub3A_259 = arith.subi %add3A_257, %sub3A_258 : i32
      %dma_wait3A_260 = arith.constant 0 : i32
      %dma_wait3A_261 = tpu.memref_slice %arg7[%sub3A_259, %dma_wait3A_260] : memref<160x64xi32, #tpu.memory_space<vmem>> -> memref<1x64xi32, #tpu.memory_space<vmem>>
      %dma_wait3A_262 = tpu.memref_squeeze %dma_wait3A_261 : memref<1x64xi32, #tpu.memory_space<vmem>> -> memref<64xi32, #tpu.memory_space<vmem>>
      %dma_wait3A_263 = arith.constant 0 : i32
      %dma_wait3A_264 = arith.constant 0 : i32
      %dma_wait3A_265 = tpu.memref_slice %arg11[%dma_wait3A_263, %dma_wait3A_264] : memref<10240x128xf32, #tpu.memory_space<vmem_shared>> -> memref<10240x128xf32, #tpu.memory_space<vmem_shared>>
      tpu.wait_indirect_dma semaphore(%arg16 : memref<!tpu.dma_semaphore, #tpu.memory_space<semaphore_mem>>) src(%arg9 : memref<64x128xf32, #tpu.memory_space<vmem>>) dst(%dma_wait3A_265 : memref<10240x128xf32, #tpu.memory_space<vmem_shared>>)
      %add3A_266 = arith.constant 2 : i32
      %add3A_267 = arith.addi %add3A_257, %add3A_266 : i32
      %lt3A_268 = arith.constant 160 : i32
      %lt3A_269 = arith.cmpi slt, %add3A_267, %lt3A_268 : i32
      %convert_element_type3A_270 = arith.extui %lt3A_269 : i1 to i32
      %cond3A_271 = arith.constant 0 : i32
      %cond3A_272 = arith.cmpi ne, %convert_element_type3A_270, %cond3A_271 : i32
      scf.if %cond3A_272 {
        %add3A_286 = arith.constant 2 : i32
        %add3A_287 = arith.addi %add3A_257, %add3A_286 : i32
        %dma_start3A_288 = arith.constant 0 : i32
        %dma_start3A_289 = tpu.memref_slice %arg6[%add3A_287, %dma_start3A_288] : memref<160x64xi32, #tpu.memory_space<vmem>> -> memref<1x64xi32, #tpu.memory_space<vmem>>
        %dma_start3A_290 = tpu.memref_squeeze %dma_start3A_289 : memref<1x64xi32, #tpu.memory_space<vmem>> -> memref<64xi32, #tpu.memory_space<vmem>>
        %dma_start3A_291 = arith.constant 0 : i32
        %dma_start3A_292 = arith.constant 0 : i32
        %dma_start3A_293 = tpu.memref_slice %arg2[%dma_start3A_291, %dma_start3A_292] : memref<10240x128xf32, #tpu.memory_space<hbm>> -> memref<10240x128xf32, #tpu.memory_space<hbm>>
        tpu.enqueue_indirect_dma source(%dma_start3A_293 : memref<10240x128xf32, #tpu.memory_space<hbm>>) target(%arg9 : memref<64x128xf32, #tpu.memory_space<vmem>>) offsets(%dma_start3A_290 : memref<64xi32, #tpu.memory_space<vmem>>) semaphore(%arg13 : memref<!tpu.dma_semaphore, #tpu.memory_space<semaphore_mem>>)
      } else {
      }
      %dma_wait3A_273 = arith.constant 0 : i32
      %dma_wait3A_274 = tpu.memref_slice %arg6[%add3A_257, %dma_wait3A_273] : memref<160x64xi32, #tpu.memory_space<vmem>> -> memref<1x64xi32, #tpu.memory_space<vmem>>
      %dma_wait3A_275 = tpu.memref_squeeze %dma_wait3A_274 : memref<1x64xi32, #tpu.memory_space<vmem>> -> memref<64xi32, #tpu.memory_space<vmem>>
      %dma_wait3A_276 = arith.constant 0 : i32
      %dma_wait3A_277 = arith.constant 0 : i32
      %dma_wait3A_278 = tpu.memref_slice %arg2[%dma_wait3A_276, %dma_wait3A_277] : memref<10240x128xf32, #tpu.memory_space<hbm>> -> memref<10240x128xf32, #tpu.memory_space<hbm>>
      tpu.wait_indirect_dma semaphore(%arg14 : memref<!tpu.dma_semaphore, #tpu.memory_space<semaphore_mem>>) src(%dma_wait3A_278 : memref<10240x128xf32, #tpu.memory_space<hbm>>) dst(%arg10 : memref<64x128xf32, #tpu.memory_space<vmem>>)
      %dma_start3A_279 = arith.constant 0 : i32
      %dma_start3A_280 = tpu.memref_slice %arg7[%add3A_257, %dma_start3A_279] : memref<160x64xi32, #tpu.memory_space<vmem>> -> memref<1x64xi32, #tpu.memory_space<vmem>>
      %dma_start3A_281 = tpu.memref_squeeze %dma_start3A_280 : memref<1x64xi32, #tpu.memory_space<vmem>> -> memref<64xi32, #tpu.memory_space<vmem>>
      %dma_start3A_282 = arith.constant 0 : i32
      %dma_start3A_283 = arith.constant 0 : i32
      %dma_start3A_284 = tpu.memref_slice %arg11[%dma_start3A_282, %dma_start3A_283] : memref<10240x128xf32, #tpu.memory_space<vmem_shared>> -> memref<10240x128xf32, #tpu.memory_space<vmem_shared>>
      tpu.enqueue_indirect_dma source(%arg10 : memref<64x128xf32, #tpu.memory_space<vmem>>) target(%dma_start3A_284 : memref<10240x128xf32, #tpu.memory_space<vmem_shared>>) offsets(%dma_start3A_281 : memref<64xi32, #tpu.memory_space<vmem>>) semaphore(%arg17 : memref<!tpu.dma_semaphore, #tpu.memory_space<semaphore_mem>>) {add = true}
      %scan3A_285 = arith.constant 0 : i32
      scf.yield %scan3A_285 : i32
    }
    %scan3A_164 = arith.constant 52 : i32
    %dma_wait3A_165 = arith.constant 158 : i32
    %dma_wait3A_166 = arith.constant 0 : i32
    %dma_wait3A_167 = tpu.memref_slice %arg7[%dma_wait3A_165, %dma_wait3A_166] : memref<160x64xi32, #tpu.memory_space<vmem>> -> memref<1x64xi32, #tpu.memory_space<vmem>>
    %dma_wait3A_168 = tpu.memref_squeeze %dma_wait3A_167 : memref<1x64xi32, #tpu.memory_space<vmem>> -> memref<64xi32, #tpu.memory_space<vmem>>
    %dma_wait3A_169 = arith.constant 0 : i32
    %dma_wait3A_170 = arith.constant 0 : i32
    %dma_wait3A_171 = tpu.memref_slice %arg11[%dma_wait3A_169, %dma_wait3A_170] : memref<10240x128xf32, #tpu.memory_space<vmem_shared>> -> memref<10240x128xf32, #tpu.memory_space<vmem_shared>>
    tpu.wait_indirect_dma semaphore(%arg17 : memref<!tpu.dma_semaphore, #tpu.memory_space<semaphore_mem>>) src(%arg10 : memref<64x128xf32, #tpu.memory_space<vmem>>) dst(%dma_wait3A_171 : memref<10240x128xf32, #tpu.memory_space<vmem_shared>>)
    %dma_wait3A_172 = arith.constant 159 : i32
    %dma_wait3A_173 = arith.constant 0 : i32
    %dma_wait3A_174 = tpu.memref_slice %arg6[%dma_wait3A_172, %dma_wait3A_173] : memref<160x64xi32, #tpu.memory_space<vmem>> -> memref<1x64xi32, #tpu.memory_space<vmem>>
    %dma_wait3A_175 = tpu.memref_squeeze %dma_wait3A_174 : memref<1x64xi32, #tpu.memory_space<vmem>> -> memref<64xi32, #tpu.memory_space<vmem>>
    %dma_wait3A_176 = arith.constant 0 : i32
    %dma_wait3A_177 = arith.constant 0 : i32
    %dma_wait3A_178 = tpu.memref_slice %arg2[%dma_wait3A_176, %dma_wait3A_177] : memref<10240x128xf32, #tpu.memory_space<hbm>> -> memref<10240x128xf32, #tpu.memory_space<hbm>>
    tpu.wait_indirect_dma semaphore(%arg12 : memref<!tpu.dma_semaphore, #tpu.memory_space<semaphore_mem>>) src(%dma_wait3A_178 : memref<10240x128xf32, #tpu.memory_space<hbm>>) dst(%arg8 : memref<64x128xf32, #tpu.memory_space<vmem>>)
    %dma_start3A_179 = arith.constant 159 : i32
    %dma_start3A_180 = arith.constant 0 : i32
    %dma_start3A_181 = tpu.memref_slice %arg7[%dma_start3A_179, %dma_start3A_180] : memref<160x64xi32, #tpu.memory_space<vmem>> -> memref<1x64xi32, #tpu.memory_space<vmem>>
    %dma_start3A_182 = tpu.memref_squeeze %dma_start3A_181 : memref<1x64xi32, #tpu.memory_space<vmem>> -> memref<64xi32, #tpu.memory_space<vmem>>
    %dma_start3A_183 = arith.constant 0 : i32
    %dma_start3A_184 = arith.constant 0 : i32
    %dma_start3A_185 = tpu.memref_slice %arg11[%dma_start3A_183, %dma_start3A_184] : memref<10240x128xf32, #tpu.memory_space<vmem_shared>> -> memref<10240x128xf32, #tpu.memory_space<vmem_shared>>
    tpu.enqueue_indirect_dma source(%arg8 : memref<64x128xf32, #tpu.memory_space<vmem>>) target(%dma_start3A_185 : memref<10240x128xf32, #tpu.memory_space<vmem_shared>>) offsets(%dma_start3A_182 : memref<64xi32, #tpu.memory_space<vmem>>) semaphore(%arg15 : memref<!tpu.dma_semaphore, #tpu.memory_space<semaphore_mem>>) {add = true}
    %dma_wait3A_186 = arith.constant 159 : i32
    %dma_wait3A_187 = arith.constant 0 : i32
    %dma_wait3A_188 = tpu.memref_slice %arg7[%dma_wait3A_186, %dma_wait3A_187] : memref<160x64xi32, #tpu.memory_space<vmem>> -> memref<1x64xi32, #tpu.memory_space<vmem>>
    %dma_wait3A_189 = tpu.memref_squeeze %dma_wait3A_188 : memref<1x64xi32, #tpu.memory_space<vmem>> -> memref<64xi32, #tpu.memory_space<vmem>>
    %dma_wait3A_190 = arith.constant 0 : i32
    %dma_wait3A_191 = arith.constant 0 : i32
    %dma_wait3A_192 = tpu.memref_slice %arg11[%dma_wait3A_190, %dma_wait3A_191] : memref<10240x128xf32, #tpu.memory_space<vmem_shared>> -> memref<10240x128xf32, #tpu.memory_space<vmem_shared>>
    tpu.wait_indirect_dma semaphore(%arg15 : memref<!tpu.dma_semaphore, #tpu.memory_space<semaphore_mem>>) src(%arg8 : memref<64x128xf32, #tpu.memory_space<vmem>>) dst(%dma_wait3A_192 : memref<10240x128xf32, #tpu.memory_space<vmem_shared>>)
    %barrier3A_193 = arith.constant 0 : index
    tpu.barrier barrier_id(%barrier3A_193)
    %mul3A_194 = arith.constant 640 : i32
    %mul3A_195 = arith.muli %arg1, %mul3A_194 : i32
    %mul3A_196 = arith.constant 640 : i32
    %mul3A_197 = arith.muli %arg1, %mul3A_196 : i32
    "tpu.region"() ({
      %run_scoped3A = tpu.sem_alloc : memref<!tpu.dma_semaphore, #tpu.memory_space<semaphore_mem>>
      %dma_start3A_198 = arith.constant 0 : i32
      %dma_start3A_199 = tpu.memref_slice %arg5[%arg0, %mul3A_197, %dma_start3A_198] : memref<2x10240x128xf32, #tpu.memory_space<hbm>> -> memref<1x640x128xf32, #tpu.memory_space<hbm>>
      %dma_start3A_200 = tpu.memref_squeeze %dma_start3A_199 : memref<1x640x128xf32, #tpu.memory_space<hbm>> -> memref<640x128xf32, #tpu.memory_space<hbm>>
      %dma_start3A_201 = arith.constant 0 : i32
      %dma_start3A_202 = tpu.memref_slice %arg11[%mul3A_195, %dma_start3A_201] : memref<10240x128xf32, #tpu.memory_space<vmem_shared>> -> memref<640x128xf32, #tpu.memory_space<vmem_shared>>
      tpu.enqueue_dma source(%dma_start3A_202 : memref<640x128xf32, #tpu.memory_space<vmem_shared>>) target(%dma_start3A_200 : memref<640x128xf32, #tpu.memory_space<hbm>>) target_semaphore(%run_scoped3A : memref<!tpu.dma_semaphore, #tpu.memory_space<semaphore_mem>>)
      %dma_wait3A_203 = arith.constant 0 : i32
      %dma_wait3A_204 = tpu.memref_slice %arg5[%arg0, %mul3A_197, %dma_wait3A_203] : memref<2x10240x128xf32, #tpu.memory_space<hbm>> -> memref<1x640x128xf32, #tpu.memory_space<hbm>>
      %dma_wait3A_205 = tpu.memref_squeeze %dma_wait3A_204 : memref<1x640x128xf32, #tpu.memory_space<hbm>> -> memref<640x128xf32, #tpu.memory_space<hbm>>
      %dma_wait3A_206 = arith.constant 0 : i32
      %dma_wait3A_207 = tpu.memref_slice %arg11[%mul3A_195, %dma_wait3A_206] : memref<10240x128xf32, #tpu.memory_space<vmem_shared>> -> memref<640x128xf32, #tpu.memory_space<vmem_shared>>
      tpu.wait_dma2 semaphore(%run_scoped3A : memref<!tpu.dma_semaphore, #tpu.memory_space<semaphore_mem>>) src(%dma_wait3A_207 : memref<640x128xf32, #tpu.memory_space<vmem_shared>>) dst(%dma_wait3A_205 : memref<640x128xf32, #tpu.memory_space<hbm>>)
      tpu.yield
    }) : () -> ()
    return
  }
}

module attributes {stable_mosaic.version = 14 : i64} {
  func.func @_mm1_body(%arg0: i32, %arg1: memref<1280x128xf32, #tpu.memory_space<vmem>>, %arg2: memref<128x128xf32, #tpu.memory_space<vmem>>, %arg3: memref<1280x128xf32, #tpu.memory_space<vmem>>) attributes {dimension_semantics = [#tpu.dimension_semantics<arbitrary>], iteration_bounds = array<i64: 8>, scalar_prefetch = 0 : i64, scratch_operands = 0 : i64, tpu.core_type = #tpu.core_type<tc>, window_params = [{transform_indices = @transform_0, window_bounds = array<i64: 1280, 128>}, {pipeline_mode = #tpu.pipeline_mode<synchronous>, transform_indices = @transform_1, window_bounds = array<i64: 128, 128>}, {transform_indices = @transform_2, window_bounds = array<i64: 1280, 128>}]} {
    %get3A = arith.constant 0 : index
    %get3A_0 = arith.constant 0 : index
    %get3A_1 = vector.load %arg1[%get3A, %get3A_0] : memref<1280x128xf32, #tpu.memory_space<vmem>>, vector<1280x128xf32>
    %get3A_2 = arith.constant 0 : index
    %get3A_3 = arith.constant 0 : index
    %get3A_4 = vector.load %arg2[%get3A_2, %get3A_3] : memref<128x128xf32, #tpu.memory_space<vmem>>, vector<128x128xf32>
    %dot_general3A = arith.constant dense<0.000000e+00> : vector<1280x128xf32>
    %dot_general3A_5 = tpu.matmul %get3A_1, %get3A_4, %dot_general3A {dimension_numbers = #tpu.dot_dimension_numbers<[1], [0], [0], [1], [0, 0, 1, 1], [], []>, transpose_lhs_hint = false} : vector<1280x128xf32>, vector<128x128xf32>, vector<1280x128xf32> -> vector<1280x128xf32>
    %swap3A = arith.constant 0 : index
    %swap3A_6 = arith.constant 0 : index
    %swap3A_7 = vector.load %arg3[%swap3A, %swap3A_6] : memref<1280x128xf32, #tpu.memory_space<vmem>>, vector<1280x128xf32>
    tpu.vector_store %arg3[%swap3A, %swap3A_6], %dot_general3A_5 {strides = array<i32>} : memref<1280x128xf32, #tpu.memory_space<vmem>>, vector<1280x128xf32>,
    return
  }
  func.func @transform_0(%arg0: i32) -> (i32, i32) {
    %c0_i32 = arith.constant 0 : i32
    %c0_i32_0 = arith.constant 0 : i32
    return %arg0, %c0_i32 : i32, i32
  }
  func.func @transform_1(%arg0: i32) -> (i32, i32) {
    %c0_i32 = arith.constant 0 : i32
    %c0_i32_0 = arith.constant 0 : i32
    %c0_i32_1 = arith.constant 0 : i32
    return %c0_i32, %c0_i32_0 : i32, i32
  }
  func.func @transform_2(%arg0: i32) -> (i32, i32) {
    %c0_i32 = arith.constant 0 : i32
    %c0_i32_0 = arith.constant 0 : i32
    return %arg0, %c0_i32 : i32, i32
  }
}

module attributes {stable_mosaic.version = 14 : i64} {
  func.func @_mm2_body(%arg0: i32, %arg1: memref<2x1280xf32, #tpu.memory_space<vmem>>, %arg2: memref<2x1280x128xf32, #tpu.memory_space<vmem>>, %arg3: memref<1280x128xf32, #tpu.memory_space<vmem>>, %arg4: memref<128xf32, #tpu.memory_space<vmem>>, %arg5: memref<128x128xf32, #tpu.memory_space<vmem>>, %arg6: memref<1280x128xf32, #tpu.memory_space<vmem>>) attributes {dimension_semantics = [#tpu.dimension_semantics<arbitrary>], iteration_bounds = array<i64: 8>, scalar_prefetch = 0 : i64, scratch_operands = 0 : i64, tpu.core_type = #tpu.core_type<tc>, window_params = [{transform_indices = @transform_0, window_bounds = array<i64: 2, 1280>}, {transform_indices = @transform_1, window_bounds = array<i64: 2, 1280, 128>}, {transform_indices = @transform_2, window_bounds = array<i64: 1280, 128>}, {pipeline_mode = #tpu.pipeline_mode<synchronous>, transform_indices = @transform_3, window_bounds = array<i64: 128>}, {pipeline_mode = #tpu.pipeline_mode<synchronous>, transform_indices = @transform_4, window_bounds = array<i64: 128, 128>}, {transform_indices = @transform_5, window_bounds = array<i64: 1280, 128>}]} {
    %get3A = arith.constant 0 : index
    %get3A_0 = arith.constant 0 : index
    %get3A_1 = vector.load %arg1[%get3A, %get3A_0] : memref<2x1280xf32, #tpu.memory_space<vmem>>, vector<1x1280xf32>
    %get3A_2 = vector.shape_cast %get3A_1 : vector<1x1280xf32> to vector<1280xf32>
    %add3A = arith.constant 1.000000e+00 : f32
    %add3A_3 = vector.broadcast %add3A : f32 to vector<1280xf32>
    %add3A_4 = arith.addf %add3A_3, %get3A_2 : vector<1280xf32>
    %get3A_5 = arith.constant 1 : index
    %get3A_6 = arith.constant 0 : index
    %get3A_7 = vector.load %arg1[%get3A_5, %get3A_6] : memref<2x1280xf32, #tpu.memory_space<vmem>>, vector<1x1280xf32>
    %get3A_8 = vector.shape_cast %get3A_7 : vector<1x1280xf32> to vector<1280xf32>
    %add3A_9 = arith.addf %add3A_4, %get3A_8 : vector<1280xf32>
    %rsqrt3A = math.rsqrt %add3A_9 : vector<1280xf32>
    %get3A_10 = arith.constant 0 : index
    %get3A_11 = arith.constant 0 : index
    %get3A_12 = arith.constant 0 : index
    %get3A_13 = vector.load %arg2[%get3A_10, %get3A_11, %get3A_12] : memref<2x1280x128xf32, #tpu.memory_space<vmem>>, vector<1x1280x128xf32>
    %get3A_14 = vector.shape_cast %get3A_13 : vector<1x1280x128xf32> to vector<1280x128xf32>
    %get3A_15 = arith.constant 1 : index
    %get3A_16 = arith.constant 0 : index
    %get3A_17 = arith.constant 0 : index
    %get3A_18 = vector.load %arg2[%get3A_15, %get3A_16, %get3A_17] : memref<2x1280x128xf32, #tpu.memory_space<vmem>>, vector<1x1280x128xf32>
    %get3A_19 = vector.shape_cast %get3A_18 : vector<1x1280x128xf32> to vector<1280x128xf32>
    %add3A_20 = arith.addf %get3A_14, %get3A_19 : vector<1280x128xf32>
    %get3A_21 = arith.constant 0 : index
    %get3A_22 = arith.constant 0 : index
    %get3A_23 = vector.load %arg3[%get3A_21, %get3A_22] : memref<1280x128xf32, #tpu.memory_space<vmem>>, vector<1280x128xf32>
    %add3A_24 = arith.addf %add3A_20, %get3A_23 : vector<1280x128xf32>
    %broadcast_in_dim3A = vector.shape_cast %rsqrt3A : vector<1280xf32> to vector<1280x1xf32>
    %mul3A = vector.broadcast %broadcast_in_dim3A : vector<1280x1xf32> to vector<1280x128xf32>
    %mul3A_25 = arith.mulf %add3A_24, %mul3A : vector<1280x128xf32>
    %get3A_26 = arith.constant 0 : index
    %get3A_27 = vector.load %arg4[%get3A_26] : memref<128xf32, #tpu.memory_space<vmem>>, vector<128xf32>
    %broadcast_in_dim3A_28 = vector.shape_cast %get3A_27 : vector<128xf32> to vector<1x128xf32>
    %add3A_29 = vector.broadcast %broadcast_in_dim3A_28 : vector<1x128xf32> to vector<1280x128xf32>
    %add3A_30 = arith.addf %mul3A_25, %add3A_29 : vector<1280x128xf32>
    %max3A = arith.constant 0.000000e+00 : f32
    %max3A_31 = vector.broadcast %max3A : f32 to vector<1280x128xf32>
    %max3A_32 = arith.maximumf %add3A_30, %max3A_31 : vector<1280x128xf32>
    %broadcast_in_dim3A_33 = vector.shape_cast %rsqrt3A : vector<1280xf32> to vector<1280x1xf32>
    %mul3A_34 = vector.broadcast %broadcast_in_dim3A_33 : vector<1280x1xf32> to vector<1280x128xf32>
    %mul3A_35 = arith.mulf %max3A_32, %mul3A_34 : vector<1280x128xf32>
    %get3A_36 = arith.constant 0 : index
    %get3A_37 = arith.constant 0 : index
    %get3A_38 = vector.load %arg5[%get3A_36, %get3A_37] : memref<128x128xf32, #tpu.memory_space<vmem>>, vector<128x128xf32>
    %dot_general3A = arith.constant dense<0.000000e+00> : vector<1280x128xf32>
    %dot_general3A_39 = tpu.matmul %mul3A_35, %get3A_38, %dot_general3A {dimension_numbers = #tpu.dot_dimension_numbers<[1], [0], [0], [1], [0, 0, 1, 1], [], []>, transpose_lhs_hint = false} : vector<1280x128xf32>, vector<128x128xf32>, vector<1280x128xf32> -> vector<1280x128xf32>
    %swap3A = arith.constant 0 : index
    %swap3A_40 = arith.constant 0 : index
    %swap3A_41 = vector.load %arg6[%swap3A, %swap3A_40] : memref<1280x128xf32, #tpu.memory_space<vmem>>, vector<1280x128xf32>
    tpu.vector_store %arg6[%swap3A, %swap3A_40], %dot_general3A_39 {strides = array<i32>} : memref<1280x128xf32, #tpu.memory_space<vmem>>, vector<1280x128xf32>,
    return
  }
  func.func @transform_0(%arg0: i32) -> (i32, i32) {
    %c0_i32 = arith.constant 0 : i32
    %c0_i32_0 = arith.constant 0 : i32
    return %c0_i32, %arg0 : i32, i32
  }
  func.func @transform_1(%arg0: i32) -> (i32, i32, i32) {
    %c0_i32 = arith.constant 0 : i32
    %c0_i32_0 = arith.constant 0 : i32
    %c0_i32_1 = arith.constant 0 : i32
    return %c0_i32, %arg0, %c0_i32_0 : i32, i32, i32
  }
  func.func @transform_2(%arg0: i32) -> (i32, i32) {
    %c0_i32 = arith.constant 0 : i32
    %c0_i32_0 = arith.constant 0 : i32
    return %arg0, %c0_i32 : i32, i32
  }
  func.func @transform_3(%arg0: i32) -> i32 {
    %c0_i32 = arith.constant 0 : i32
    %c0_i32_0 = arith.constant 0 : i32
    return %c0_i32 : i32
  }
  func.func @transform_4(%arg0: i32) -> (i32, i32) {
    %c0_i32 = arith.constant 0 : i32
    %c0_i32_0 = arith.constant 0 : i32
    %c0_i32_1 = arith.constant 0 : i32
    return %c0_i32, %c0_i32_0 : i32, i32
  }
  func.func @transform_5(%arg0: i32) -> (i32, i32) {
    %c0_i32 = arith.constant 0 : i32
    %c0_i32_0 = arith.constant 0 : i32
    return %arg0, %c0_i32 : i32, i32
  }
}

module attributes {stable_mosaic.version = 14 : i64} {
  func.func @_scale_body(%arg0: i32, %arg1: memref<2x1280xf32, #tpu.memory_space<vmem>>, %arg2: memref<1280x128xf32, #tpu.memory_space<vmem>>, %arg3: memref<1280x128xf32, #tpu.memory_space<vmem>>) attributes {dimension_semantics = [#tpu.dimension_semantics<arbitrary>], iteration_bounds = array<i64: 8>, scalar_prefetch = 0 : i64, scratch_operands = 0 : i64, tpu.core_type = #tpu.core_type<tc>, window_params = [{transform_indices = @transform_0, window_bounds = array<i64: 2, 1280>}, {transform_indices = @transform_1, window_bounds = array<i64: 1280, 128>}, {transform_indices = @transform_2, window_bounds = array<i64: 1280, 128>}]} {
    %get3A = arith.constant 0 : index
    %get3A_0 = arith.constant 0 : index
    %get3A_1 = vector.load %arg1[%get3A, %get3A_0] : memref<2x1280xf32, #tpu.memory_space<vmem>>, vector<1x1280xf32>
    %get3A_2 = vector.shape_cast %get3A_1 : vector<1x1280xf32> to vector<1280xf32>
    %add3A = arith.constant 1.000000e+00 : f32
    %add3A_3 = vector.broadcast %add3A : f32 to vector<1280xf32>
    %add3A_4 = arith.addf %add3A_3, %get3A_2 : vector<1280xf32>
    %get3A_5 = arith.constant 1 : index
    %get3A_6 = arith.constant 0 : index
    %get3A_7 = vector.load %arg1[%get3A_5, %get3A_6] : memref<2x1280xf32, #tpu.memory_space<vmem>>, vector<1x1280xf32>
    %get3A_8 = vector.shape_cast %get3A_7 : vector<1x1280xf32> to vector<1280xf32>
    %add3A_9 = arith.addf %add3A_4, %get3A_8 : vector<1280xf32>
    %rsqrt3A = math.rsqrt %add3A_9 : vector<1280xf32>
    %get3A_10 = arith.constant 0 : index
    %get3A_11 = arith.constant 0 : index
    %get3A_12 = vector.load %arg2[%get3A_10, %get3A_11] : memref<1280x128xf32, #tpu.memory_space<vmem>>, vector<1280x128xf32>
    %broadcast_in_dim3A = vector.shape_cast %rsqrt3A : vector<1280xf32> to vector<1280x1xf32>
    %mul3A = vector.broadcast %broadcast_in_dim3A : vector<1280x1xf32> to vector<1280x128xf32>
    %mul3A_13 = arith.mulf %get3A_12, %mul3A : vector<1280x128xf32>
    %swap3A = arith.constant 0 : index
    %swap3A_14 = arith.constant 0 : index
    %swap3A_15 = vector.load %arg3[%swap3A, %swap3A_14] : memref<1280x128xf32, #tpu.memory_space<vmem>>, vector<1280x128xf32>
    tpu.vector_store %arg3[%swap3A, %swap3A_14], %mul3A_13 {strides = array<i32>} : memref<1280x128xf32, #tpu.memory_space<vmem>>, vector<1280x128xf32>,
    return
  }
  func.func @transform_0(%arg0: i32) -> (i32, i32) {
    %c0_i32 = arith.constant 0 : i32
    %c0_i32_0 = arith.constant 0 : i32
    return %c0_i32, %arg0 : i32, i32
  }
  func.func @transform_1(%arg0: i32) -> (i32, i32) {
    %c0_i32 = arith.constant 0 : i32
    %c0_i32_0 = arith.constant 0 : i32
    return %arg0, %c0_i32 : i32, i32
  }
  func.func @transform_2(%arg0: i32) -> (i32, i32) {
    %c0_i32 = arith.constant 0 : i32
    %c0_i32_0 = arith.constant 0 : i32
    return %arg0, %c0_i32 : i32, i32
  }
}

module attributes {stable_mosaic.version = 14 : i64} {
  func.func @_fin_body(%arg0: i32, %arg1: memref<2x1280xf32, #tpu.memory_space<vmem>>, %arg2: memref<2x1280x128xf32, #tpu.memory_space<vmem>>, %arg3: memref<1280x128xf32, #tpu.memory_space<vmem>>, %arg4: memref<128xf32, #tpu.memory_space<vmem>>, %arg5: memref<1280x128xf32, #tpu.memory_space<vmem>>) attributes {dimension_semantics = [#tpu.dimension_semantics<arbitrary>], iteration_bounds = array<i64: 8>, scalar_prefetch = 0 : i64, scratch_operands = 0 : i64, tpu.core_type = #tpu.core_type<tc>, window_params = [{transform_indices = @transform_0, window_bounds = array<i64: 2, 1280>}, {transform_indices = @transform_1, window_bounds = array<i64: 2, 1280, 128>}, {transform_indices = @transform_2, window_bounds = array<i64: 1280, 128>}, {pipeline_mode = #tpu.pipeline_mode<synchronous>, transform_indices = @transform_3, window_bounds = array<i64: 128>}, {transform_indices = @transform_4, window_bounds = array<i64: 1280, 128>}]} {
    %get3A = arith.constant 0 : index
    %get3A_0 = arith.constant 0 : index
    %get3A_1 = vector.load %arg1[%get3A, %get3A_0] : memref<2x1280xf32, #tpu.memory_space<vmem>>, vector<1x1280xf32>
    %get3A_2 = vector.shape_cast %get3A_1 : vector<1x1280xf32> to vector<1280xf32>
    %add3A = arith.constant 1.000000e+00 : f32
    %add3A_3 = vector.broadcast %add3A : f32 to vector<1280xf32>
    %add3A_4 = arith.addf %add3A_3, %get3A_2 : vector<1280xf32>
    %get3A_5 = arith.constant 1 : index
    %get3A_6 = arith.constant 0 : index
    %get3A_7 = vector.load %arg1[%get3A_5, %get3A_6] : memref<2x1280xf32, #tpu.memory_space<vmem>>, vector<1x1280xf32>
    %get3A_8 = vector.shape_cast %get3A_7 : vector<1x1280xf32> to vector<1280xf32>
    %add3A_9 = arith.addf %add3A_4, %get3A_8 : vector<1280xf32>
    %rsqrt3A = math.rsqrt %add3A_9 : vector<1280xf32>
    %get3A_10 = arith.constant 0 : index
    %get3A_11 = arith.constant 0 : index
    %get3A_12 = arith.constant 0 : index
    %get3A_13 = vector.load %arg2[%get3A_10, %get3A_11, %get3A_12] : memref<2x1280x128xf32, #tpu.memory_space<vmem>>, vector<1x1280x128xf32>
    %get3A_14 = vector.shape_cast %get3A_13 : vector<1x1280x128xf32> to vector<1280x128xf32>
    %get3A_15 = arith.constant 1 : index
    %get3A_16 = arith.constant 0 : index
    %get3A_17 = arith.constant 0 : index
    %get3A_18 = vector.load %arg2[%get3A_15, %get3A_16, %get3A_17] : memref<2x1280x128xf32, #tpu.memory_space<vmem>>, vector<1x1280x128xf32>
    %get3A_19 = vector.shape_cast %get3A_18 : vector<1x1280x128xf32> to vector<1280x128xf32>
    %add3A_20 = arith.addf %get3A_14, %get3A_19 : vector<1280x128xf32>
    %get3A_21 = arith.constant 0 : index
    %get3A_22 = arith.constant 0 : index
    %get3A_23 = vector.load %arg3[%get3A_21, %get3A_22] : memref<1280x128xf32, #tpu.memory_space<vmem>>, vector<1280x128xf32>
    %add3A_24 = arith.addf %add3A_20, %get3A_23 : vector<1280x128xf32>
    %broadcast_in_dim3A = vector.shape_cast %rsqrt3A : vector<1280xf32> to vector<1280x1xf32>
    %mul3A = vector.broadcast %broadcast_in_dim3A : vector<1280x1xf32> to vector<1280x128xf32>
    %mul3A_25 = arith.mulf %add3A_24, %mul3A : vector<1280x128xf32>
    %get3A_26 = arith.constant 0 : index
    %get3A_27 = vector.load %arg4[%get3A_26] : memref<128xf32, #tpu.memory_space<vmem>>, vector<128xf32>
    %broadcast_in_dim3A_28 = vector.shape_cast %get3A_27 : vector<128xf32> to vector<1x128xf32>
    %add3A_29 = vector.broadcast %broadcast_in_dim3A_28 : vector<1x128xf32> to vector<1280x128xf32>
    %add3A_30 = arith.addf %mul3A_25, %add3A_29 : vector<1280x128xf32>
    %swap3A = arith.constant 0 : index
    %swap3A_31 = arith.constant 0 : index
    %swap3A_32 = vector.load %arg5[%swap3A, %swap3A_31] : memref<1280x128xf32, #tpu.memory_space<vmem>>, vector<1280x128xf32>
    tpu.vector_store %arg5[%swap3A, %swap3A_31], %add3A_30 {strides = array<i32>} : memref<1280x128xf32, #tpu.memory_space<vmem>>, vector<1280x128xf32>,
    return
  }
  func.func @transform_0(%arg0: i32) -> (i32, i32) {
    %c0_i32 = arith.constant 0 : i32
    %c0_i32_0 = arith.constant 0 : i32
    return %c0_i32, %arg0 : i32, i32
  }
  func.func @transform_1(%arg0: i32) -> (i32, i32, i32) {
    %c0_i32 = arith.constant 0 : i32
    %c0_i32_0 = arith.constant 0 : i32
    %c0_i32_1 = arith.constant 0 : i32
    return %c0_i32, %arg0, %c0_i32_0 : i32, i32, i32
  }
  func.func @transform_2(%arg0: i32) -> (i32, i32) {
    %c0_i32 = arith.constant 0 : i32
    %c0_i32_0 = arith.constant 0 : i32
    return %arg0, %c0_i32 : i32, i32
  }
  func.func @transform_3(%arg0: i32) -> i32 {
    %c0_i32 = arith.constant 0 : i32
    %c0_i32_0 = arith.constant 0 : i32
    return %c0_i32 : i32
  }
  func.func @transform_4(%arg0: i32) -> (i32, i32) {
    %c0_i32 = arith.constant 0 : i32
    %c0_i32_0 = arith.constant 0 : i32
    return %arg0, %c0_i32 : i32, i32
  }
}

</mosaic_0001>

<sc_bundles>
// kernel: kernel.12.cloned.1.call-start
scs
__scs_entry_jumppad:
0x0: {  	(pc) =	sbr.rel $0x88, $3  }
0x1: {  	(tag) =	ssettag $0x0;
	lr =	simm.s32 $0x1  }
0x2: {  	[smem:$0x3F9B] =	sst lr;
	_ =	strace $0xD0000000  }
0x3: {  	_ = 	snop  }
0x4: {  	_ = 	snop  }
0x5: {  	_ = 	snop  }
0x6: {  	_ = 	snop  }
0x7: {  	_ = 	snop  }
__scs_overlays_trampoline_lowered:
0x8: {  	[smem:$0x3FAA] =	sst s0  }
0x9: {  	[smem:$0x3FAB] =	sst s1  }
0xa: {  	[smem:$0x3FAC] =	sst s2  }
0xb: {  	[smem:$0x3FAD] =	sst s3  }
0xc: {  	[smem:$0x3FAE] =	sst s4  }
0xd: {  	[smem:$0x3FAF] =	sst s5  }
0xe: {  	[smem:$0x3FB0] =	sst s6  }
0xf: {  	[smem:$0x3FB1] =	sst s7  }
0x10: {  	[smem:$0x3FB2] =	sst s8  }
0x11: {  	[smem:$0x3FB3] =	sst s9;
	s0 =	simm.s32 @!p0 $0x0  }
0x12: {  	s1 =	sld [smem:$0x3F99];
	s0 =	simm.s32 @p0 $0x1  }
0x13: {  	[smem:$0x3FB4] =	sst s0;
	s0 =	simm.s32 @!p1 $0x0  }
0x14: {  	s2 =	sld [smem:$0x3F98];
	s0 =	simm.s32 @p1 $0x1  }
0x15: {  	[smem:$0x3FB5] =	sst s0;
	s0 =	simm.s32 @!p2 $0x0  }
0x16: {  	s3 =	sld [smem:$0x3FDB];
	s0 =	simm.s32 @p2 $0x1  }
0x17: {  	s4 =	simm.s32 $0x1BF5;
	[smem:$0x3FB7] =	sst s0  }
0x18: {  	s0 =	sld [smem:$0x3F9A];
	_ =	swait.ge [sflag:s4], $0x0  }
0x19: {  	s7 =	sld [smem:$0x3F9B]  }
0x1a: {  	s8 =	sadd.s32 $0xFFFFE003, lr  }
0x1b: {  	s9 =	sadd.s32 $0xFFFFFEF7, lr;
	s5 =	simm.s32 $0xFFFFFFFF;
	p2 =	slt.u32 s8, $0xFFFFF086  }
0x1c: {  	p1 =	slt.u32 s9, $0xF7A;
	s5 =	simm.s32 @!p2 $0x0  }
0x1d: {  	s5 =	simm.s32 @p1 $0x1;
	p0 =	seq.s32 s7, s2  }
0x1e: {  	s7 =	smul.u32 @!p0 $0xF7A, s2;
	p2 =	seq.s32 @!p0 s5, $0x0  }
0x1f: {  	s9 =	smul.u32 $0xF7A, s1;
	s8 =	simm.s32 @!p0 $0x1BF5;
	p2 =	por !p2, p0  }
0x20: {  	[sflag:s8] =	ssyncset.s32 @!p0 $0xFFFFF086;
	s6 =	sadd.s32 @!p0 s3, s7;
	s7 =	simm.s32 @!p0 $0x108  }
0x21: {  	s3 =	sadd.s32 s3, s9;
	s6 =	sadd.s32 @!p0 $0x88, s6;
	s7 =	simm.s32 @p2 $0x1082  }
0x22: {  	[simem:s7], [sflag:s8] =	dma.local @!p0 [hbm:s6], $0xF7A  }
0x23: {  	s9 =	sor.u32 $0xD0000000, s2;
	s6 =	simm.s32 $0x108;
	_ =	swait.ge @!p0 [sflag:s8], $0x0  }
0x24: {  	s3 =	sadd.s32 $0x88, s3;
	s6 =	simm.s32 @!p1 $0x1082;
	[sflag:s4] =	ssyncset.s32 $0xFFFFF086  }
0x25: {  	[simem:s6], [sflag:s4] =	dma.local [hbm:s3], $0xF7A  }
0x26: {  	[smem:$0x3F9B] =	sst s1;
	(tag) =	ssettag s2;
	_ =	strace s9  }
0x27: {  	s1 =	sld [smem:$0x3FAB]  }
0x28: {  	s2 =	sld [smem:$0x3FAC]  }
0x29: {  	s4 =	sld [smem:$0x3FAE]  }
0x2a: {  	p0 =	seq.s32 s5, $0x0;
	s5 =	sld [smem:$0x3FAF]  }
0x2b: {  	s6 =	sld [smem:$0x3FB0]  }
0x2c: {  	s7 =	sld [smem:$0x3FB1]  }
0x2d: {  	s3 =	simm.s32 $0x108;
	s8 =	sld [smem:$0x3FB2]  }
0x2e: {  	s3 =	simm.s32 @!p0 $0x1082;
	s9 =	sld [smem:$0x3FB3]  }
0x2f: {  	lr =	sadd.s32 s0, s3;
	s0 =	sld [smem:$0x3FAA]  }
0x30: {  	s3 =	sld [smem:$0x3FAD]  }
0x31: {  	[smem:$0x3FB6] =	sst s10  }
0x32: {  	s10 =	sld [smem:$0x3FB4];
	_ =	sdelay $0x3  }
0x33: {  	p0 =	seq.s32 s10, $0x1;
	s10 =	sld [smem:$0x3FB6];
	_ =	sdelay $0x3  }
0x34: {  	[smem:$0x3FB6] =	sst s10  }
0x35: {  	s10 =	sld [smem:$0x3FB5];
	_ =	sdelay $0x3  }
0x36: {  	p1 =	seq.s32 s10, $0x1;
	s10 =	sld [smem:$0x3FB6];
	_ =	sdelay $0x3  }
0x37: {  	[smem:$0x3FB6] =	sst s10  }
0x38: {  	s10 =	sld [smem:$0x3FB7]  }
0x39: {  	_ = 	snop;
	(pc) =	sbr.ind lr, $3  }
0x3a: {  	_ = 	snop  }
0x3b: {  	_ = 	snop  }
0x3c: {  	p2 =	seq.s32 s10, $0x1;
	s10 =	sld [smem:$0x3FB6]  }
0x3d: {  	_ =	shalt  }
0x3e: {  	_ =	shalt  }
0x3f: {  	_ =	shalt  }
0x40: {  	_ =	shalt  }
0x41: {  	_ =	shalt  }
0x42: {  	_ =	shalt  }
0x43: {  	_ =	shalt  }
0x44: {  	_ =	shalt  }
0x45: {  	_ =	shalt  }
0x46: {  	_ =	shalt  }
0x47: {  	_ =	shalt  }
0x48: {  	_ =	shalt  }
0x49: {  	_ =	shalt  }
0x4a: {  	_ =	shalt  }
0x4b: {  	_ =	shalt  }
0x4c: {  	_ =	shalt  }
0x4d: {  	_ =	shalt  }
0x4e: {  	_ =	shalt  }
0x4f: {  	_ =	shalt  }
0x50: {  	_ =	shalt  }
0x51: {  	_ =	shalt  }
0x52: {  	_ =	shalt  }
0x53: {  	_ =	shalt  }
0x54: {  	_ =	shalt  }
0x55: {  	_ =	shalt  }
0x56: {  	_ =	shalt  }
0x57: {  	_ =	shalt  }
0x58: {  	_ =	shalt  }
0x59: {  	_ =	shalt  }
0x5a: {  	_ =	shalt  }
0x5b: {  	_ =	shalt  }
0x5c: {  	_ =	shalt  }
0x5d: {  	_ =	shalt  }
0x5e: {  	_ =	shalt  }
0x5f: {  	_ =	shalt  }
0x60: {  	_ =	shalt  }
0x61: {  	_ =	shalt  }
0x62: {  	_ =	shalt  }
0x63: {  	_ =	shalt  }
0x64: {  	_ =	shalt  }
0x65: {  	_ =	shalt  }
0x66: {  	_ =	shalt  }
0x67: {  	_ =	shalt  }
0x68: {  	_ =	shalt  }
0x69: {  	_ =	shalt  }
0x6a: {  	_ =	shalt  }
0x6b: {  	_ =	shalt  }
0x6c: {  	_ =	shalt  }
0x6d: {  	_ =	shalt  }
0x6e: {  	_ =	shalt  }
0x6f: {  	_ =	shalt  }
0x70: {  	_ =	shalt  }
0x71: {  	_ =	shalt  }
0x72: {  	_ =	shalt  }
0x73: {  	_ =	shalt  }
0x74: {  	_ =	shalt  }
0x75: {  	_ =	shalt  }
0x76: {  	_ =	shalt  }
0x77: {  	_ =	shalt  }
0x78: {  	_ =	shalt  }
0x79: {  	_ =	shalt  }
0x7a: {  	_ =	shalt  }
0x7b: {  	_ =	shalt  }
0x7c: {  	_ =	shalt  }
0x7d: {  	_ =	shalt  }
0x7e: {  	_ =	shalt  }
0x7f: {  	_ =	shalt  }
0x80: {  	_ =	shalt  }
0x81: {  	_ =	shalt  }
0x82: {  	_ =	shalt  }
0x83: {  	_ =	shalt  }
0x84: {  	_ =	shalt  }
0x85: {  	_ =	shalt  }
0x86: {  	_ =	shalt  }
0x87: {  	_ =	shalt  }
.Lfunc_end0:
.L_simem_size_0:
called_computation.1_lowered:
.L_overlay_start_0:
0x88: {  	s2 =	sld [smem:$0x3FD9]  }
0x89: {  	s3 =	sld [smem:$0x3FFE];
	_ =	sdelay $0x1  }
0x8a: {  	s1 =	srdreg.scid  }
0x8b: {  	s0 =	sand.u32 $0x1, s1  }
0x8c: {  	s17 =	sshll.u32 s0, $0xA;
	s2 =	sadd.s32 s3, s2  }
0x8d: {  	s2 =	sadd.s32 s2, s17  }
0x8e: {  	[smem:$0x3FC2] =	sst s2  }
0x8f: {  	_ = 	snop  }
0x90: {  	s2 =	sld [smem:$0x3FD0];
	(tm) =	ssettm $0x1  }
0x91: {  	s18 =	sld [smem:$0x3FFB];
	_ =	sdelay $0x3  }
0x92: {  	_ =	strace s18  }
0x93: {  	s3 =	sld [smem:$0x3FFC];
	_ =	sdelay $0x3  }
0x94: {  	_ =	strace s3  }
0x95: {  	s3 =	sld [smem:$0x3FFD];
	_ =	sdelay $0x3  }
0x96: {  	_ =	strace s3  }
0x97: {  	_ =	strace $0x8FFFFFFF  }
0x98: {  	s19 =	sld [smem:$0x3FDB];
	_ =	sdelay $0x1  }
0x99: {  	s4 =	simm.s32 $_scs_section_size  }
0x9a: {  	s5 =	simm.s32 $_size__tile_overlayer_lowered;
	s6 =	simm.s32 $_tile_overlayer_lowered  }
0x9b: {  	s22 =	simm.s32 $0x1BFF;
	s21 =	sshll.u32 s6, $0x1;
	s3 =	sadd.s32 s4, s19  }
0x9c: {  	s7 =	simm.s32 $0x0;
	s20 =	sshll.u32 s5, $0x1;
	s5 =	sadd.s32 s21, s3  }
0x9d: {  	[timem:s7], [sflag:s22] =	dma.local [hbm:s5], s20  }
0x9e: {  	_ =	swait.ge [sflag:s22], s20  }
0x9f: {  	s4 =	ssub.s32 $0x0, s20;
	[sflag:s22] =	ssyncset.done $0x0  }
0xa0: {  	[sflag:s22] =	ssyncadd.s32 s4;
	_ =	sdelay $0x1  }
0xa1: {  	s23 =	simm.s32 $0x1B8B  }
0xa2: {  	_ =	swait.ge [sflag:s23], $0x1  }
0xa3: {  	[sflag:s23] =	ssyncset.done $0x0  }
0xa4: {  	s25 =	simm.s32 $0x1B8E;
	s24 =	sld [smem:$0x3FFE];
	[sflag:s23] =	ssyncadd.s32 $0xFFFFFFFF  }
0xa5: {  	s26 =	simm.s32 $execute0_lowered;
	[smem:$0x3FD2] =	sst s25  }
0xa6: {  	s5 =	sshll.u32 s26, $0x1;
	_ =	strace $0x80000049;
	[dreg:$0x1] =	wrdreg $0xFFFFFFFF  }
0xa7: {  	s28 =	simm.s32 $_size_execute0_lowered;
	s3 =	sadd.s32 s3, s5;
	[dreg:$0x0] =	wrdreg $0x0  }
0xa8: {  	s5 =	sshll.u32 s28, $0x1;
	[dreg:$0x2] =	wrdreg s3  }
0xa9: {  	[dreg:$0x3] =	wrdreg s5  }
0xaa: {  	[dreg:$0x4] =	wrdreg $0xC0  }
0xab: {  	_ =	task [dreg:s7], $0x5FFFF  }
0xac: {  	[dreg:$0x1] =	wrdreg $0xFFFFFFFF  }
0xad: {  	[dreg:$0x0] =	wrdreg $0x60  }
0xae: {  	[dreg:$0x2] =	wrdreg s24  }
0xaf: {  	[dreg:$0x3] =	wrdreg s2  }
0xb0: {  	[dreg:$0x4] =	wrdreg $0xB0000  }
0xb1: {  	[dreg:$0x5] =	wrdreg $0x9  }
0xb2: {  	_ =	task.clear_ibuf [dreg:s7], $0x6FFFF;
	_ =	strace $0x90000049  }
0xb3: {  	s29 =	simm.s32 $0x9;
	_ =	strace $0x8000004B  }
0xb4: {  	_ =	swait.ge [sflag:s29], $0x1  }
0xb5: {  	[sflag:s29] =	ssyncadd.s32 $0xFFFFFFFF  }
0xb6: {  	_ =	strace $0x9000004B  }
0xb7: {  	_ =	sfence  }
0xb8: {  	s30 =	sld [smem:$0x0];
	_ =	sdelay $0x2  }
0xb9: {  	s31 =	sshll.u32 s1, $0xD;
	s1 =	sshrl.u32 s1, $0x2  }
0xba: {  	s3 =	sand.u32 $0x4000, s31;
	s1 =	sadd.s32 s1, s30  }
0xbb: {  	s0 =	sor.u32 s3, s0;
	s1 =	sshll.u32 s1, $0x11  }
0xbc: {  	s0 =	sor.u32 s1, s0  }
0xbd: {  	s0 =	sadd.s32 $0x8F2B, s0  }
0xbe: {  	[sflag:s0] =	ssyncadd.remote.s32 $0x1  }
0xbf: {  	_ =	sfence.sel $0xFFFF  }
0xc0: {  	[dreg:$0x0] =	wrdreg $0xFFFFFFFF;
	(pc) =	sbr.abs _section_cstart, $3  }
0xc1: {  	[dreg:$0x1] =	wrdreg $0xFFFFFFFF  }
0xc2: {  	_ =	task.clear_ibuf [dreg:s7], $0x2FFFF;
	_ =	strace $0x9FFFFFFF  }
0xc3: {  	(tm) =	ssettm $0x7FFFFFFF  }
tec
execute0_lowered:
.L_overlay_start_1:
0x0: {  	(tag) =	ssettag $0x1  }
0x1: {  	s0 =	srdreg.scid  }
0x2: {  	s1 =	rddreg [dreg:$0x0];
	s8 =	stileid.u32  }
0x3: {  	s3 =	rddreg [dreg:$0x1];
	s24 =	simm.s32 $0x0;
	s19 =	simm.s32 $0x5000  }
0x4: {  	s20 =	simm.s32 $0x7;
	s21 =	simm.s32 $0x2800;
	s22 =	simm.s32 $0x40  }
0x5: {  	s23 =	simm.s32 $0x7000;
	s28 =	simm.s32 $0x4;
	s30 =	simm.s32 $0x2  }
0x6: {  	s31 =	simm.s32 $0x6;
	s0 =	sand.u32 $0x1, s0;
	s5 =	smul.u32 $0x14000, s8  }
0x7: {  	[smem:$0x7FF] =	sst s24;
	s24 =	simm.s32 $0x3;
	s2 =	sshll.u32 s0, $0x4  }
0x8: {  	s7 =	smul.u32 $0x140000, s0;
	s0 =	ssub.s32 $0x2, s0;
	s4 =	sor.u32 s8, s2  }
0x9: {  	s2 =	rddreg [dreg:$0x2];
	_ =	strace $0x8000004A;
	s8 =	smul.u32 $0x50000, s8  }
0xa: {  	s25 =	sshrl.u32 s0, $0x1;
	s6 =	smul.u32 $0x500, s4;
	s4 =	sadd.s32 $0xCE00, s1  }
0xb: {  	s7 =	sadd.s32 s5, s7;
	s0 =	ssub.s32 s0, s25;
	s5 =	sadd.s32 s5, s2  }
0xc: {  	s25 =	simm.s32 $0x9000;
	s7 =	sshrl.u32 s7, $0x3;
	s8 =	sshrl.u32 s8, $0x2  }
0xd: {  	s18 =	smax.u32 s0, $0x1;
	s0 =	simm.s32 $0x0;
	s15 =	sadd.s32 s6, s1  }
0xe: {  	s1 =	sadd.s32 s7, s1;
	s14 =	sadd.s32 s8, s2;
	s16 =	sadd.s32 s3, s6  }
0xf: {  	s26 =	sadd.s32 $0x2000, s14;
	s29 =	sadd.s32 $0x4000, s14;
	s8 =	sadd.s32 $0x6000, s14  }
0x10: {  	s9 =	sadd.s32 $0x8000, s14;
	s10 =	sadd.s32 $0xA000, s14;
	s11 =	sadd.s32 $0xC000, s14  }
0x11: {  	s12 =	sadd.s32 $0xE000, s14;
	s13 =	sadd.s32 $0x10000, s14;
	s14 =	sadd.s32 $0x12000, s14  }
0x12: {  	s15 =	sadd.s32 $0x2E00, s15;
	s17 =	sadd.s32 $0x34E00, s1;
	[dreg:$0x4] =	wrdreg s26  }
0x13: {  	v0 =	vimm.f32 $0.0e+00;
	s1 =	simm.s32 $0x5;
	[dreg:$0x5] =	wrdreg s29;
	s26 =	simm.s32 $0x1  }
.LBB2_1:
0x14: {  	s6 =	simm.s32 $0x0  }
0x15: {  	s3 =	sand.u32 $0x7E00, s6  }
0x16: {  	s6 =	sand.u32 $0x70, s6;
	s3 =	sshrl.u32 s3, $0x2  }
0x17: {  	s29 =	simm.s32 $0x40;
	s6 =	sor.u32 s6, s3;
	s3 =	simm.s32 $0x0  }
.LBB2_2:
0x18: {  	p0 =	sne.s32 s29, $0x7FC0  }
0x19: {  	[tilespmem:s6+$0x5000] =	vst v0;
	s3 =	sadd.s32 $0x10, s3;
	s6 =	smov.u32 s29;
	s29 =	sadd.s32 $0x40, s29  }
.Ltmp0:
0x1a: {  	(pc) =	sbr.rel @p0 .LBB2_2-.Ltmp0, $4  }
0x1b: {  	_ = 	snop  }
0x1c: {  	s6 =	sand.u32 $0x7E00, s6  }
0x1d: {  	s7 =	sand.u32 $0x70, s3;
	s6 =	sshrl.u32 s6, $0x2  }
0x1e: {  	s6 =	sor.u32 s7, s6  }
0x1f: {  	[tilespmem:s6+$0x5000] =	vst v0  }
0x20: {  	[spmem:s5] =	stream.linear.scatter [tilespmem:s19], [sflag:$0x7], $0x2000, $0x38;
	[tilespmem:$0x1F000] =	vst v63  }
0x21: {  	_ =	swait.ge [sflag:s20], $0x2000  }
0x22: {  	[sflag:s20] =	ssyncset.done $0x0  }
0x23: {  	s3 =	rddreg [dreg:$0x4];
	[sflag:s20] =	ssyncadd.s32 $0xFFFFE000  }
0x24: {  	[spmem:s3] =	stream.linear.scatter [tilespmem:s19], [sflag:$0x7], $0x2000, $0x38;
	[tilespmem:$0x1F000] =	vst v63  }
0x25: {  	_ =	swait.ge [sflag:s20], $0x2000  }
0x26: {  	[sflag:s20] =	ssyncset.done $0x0  }
0x27: {  	s6 =	rddreg [dreg:$0x5];
	[sflag:s20] =	ssyncadd.s32 $0xFFFFE000  }
0x28: {  	[spmem:s6] =	stream.linear.scatter [tilespmem:s19], [sflag:$0x7], $0x2000, $0x38;
	[tilespmem:$0x1F000] =	vst v63  }
0x29: {  	_ =	swait.ge [sflag:s20], $0x2000  }
0x2a: {  	[sflag:s20] =	ssyncset.done $0x0  }
0x2b: {  	[sflag:s20] =	ssyncadd.s32 $0xFFFFE000  }
0x2c: {  	[spmem:s8] =	stream.linear.scatter [tilespmem:s19], [sflag:$0x7], $0x2000, $0x38;
	[tilespmem:$0x1F000] =	vst v63  }
0x2d: {  	_ =	swait.ge [sflag:s20], $0x2000  }
0x2e: {  	[sflag:s20] =	ssyncset.done $0x0  }
0x2f: {  	[sflag:s20] =	ssyncadd.s32 $0xFFFFE000  }
0x30: {  	[spmem:s9] =	stream.linear.scatter [tilespmem:s19], [sflag:$0x7], $0x2000, $0x38;
	[tilespmem:$0x1F000] =	vst v63  }
0x31: {  	_ =	swait.ge [sflag:s20], $0x2000  }
0x32: {  	[sflag:s20] =	ssyncset.done $0x0  }
0x33: {  	[sflag:s20] =	ssyncadd.s32 $0xFFFFE000  }
0x34: {  	[spmem:s10] =	stream.linear.scatter [tilespmem:s19], [sflag:$0x7], $0x2000, $0x38;
	[tilespmem:$0x1F000] =	vst v63  }
0x35: {  	_ =	swait.ge [sflag:s20], $0x2000  }
0x36: {  	[sflag:s20] =	ssyncset.done $0x0  }
0x37: {  	[sflag:s20] =	ssyncadd.s32 $0xFFFFE000  }
0x38: {  	[spmem:s11] =	stream.linear.scatter [tilespmem:s19], [sflag:$0x7], $0x2000, $0x38;
	[tilespmem:$0x1F000] =	vst v63  }
0x39: {  	_ =	swait.ge [sflag:s20], $0x2000  }
0x3a: {  	[sflag:s20] =	ssyncset.done $0x0  }
0x3b: {  	[sflag:s20] =	ssyncadd.s32 $0xFFFFE000  }
0x3c: {  	[spmem:s12] =	stream.linear.scatter [tilespmem:s19], [sflag:$0x7], $0x2000, $0x38;
	[tilespmem:$0x1F000] =	vst v63  }
0x3d: {  	_ =	swait.ge [sflag:s20], $0x2000  }
0x3e: {  	[sflag:s20] =	ssyncset.done $0x0  }
0x3f: {  	[sflag:s20] =	ssyncadd.s32 $0xFFFFE000  }
0x40: {  	[spmem:s13] =	stream.linear.scatter [tilespmem:s19], [sflag:$0x7], $0x2000, $0x38;
	[tilespmem:$0x1F000] =	vst v63  }
0x41: {  	_ =	swait.ge [sflag:s20], $0x2000  }
0x42: {  	[sflag:s20] =	ssyncset.done $0x0  }
0x43: {  	[sflag:s20] =	ssyncadd.s32 $0xFFFFE000  }
0x44: {  	[spmem:s14] =	stream.linear.scatter [tilespmem:s19], [sflag:$0x7], $0x2000, $0x38;
	[tilespmem:$0x1F000] =	vst v63  }
0x45: {  	_ =	swait.ge [sflag:s20], $0x2000  }
0x46: {  	[sflag:s20] =	ssyncset.done $0x0  }
0x47: {  	[sflag:s20] =	ssyncadd.s32 $0xFFFFE000  }
0x48: {  	s7 =	simm.s32 $0x0;
	[bflag:$0x0] =	sbarrier.arrive $0xFFFF  }
0x49: {  	[tilespmem:s7], [sflag:$0x7] =	stream.linear.gather [hbm4b:s15+s7], $0x2800, $0x38;
	[tilespmem:$0x1F000] =	vst v63  }
0x4a: {  	_ =	swait.ge [sflag:s20], $0x2800  }
0x4b: {  	[sflag:s20] =	ssyncset.done $0x0  }
0x4c: {  	[sflag:s20] =	ssyncadd.s32 $0xFFFFD800  }
0x4d: {  	[tilespmem:s21], [sflag:$0x7] =	stream.linear.gather [hbm4b:s16+s7], $0x2800, $0x38;
	[tilespmem:$0x1F000] =	vst v63  }
0x4e: {  	_ =	swait.ge [sflag:s20], $0x2800  }
0x4f: {  	[sflag:s20] =	ssyncset.done $0x0  }
0x50: {  	[sflag:s20] =	ssyncadd.s32 $0xFFFFD800  }
0x51: {  	[tilespmem:s19], [sflag:$0x1] =	stream.indirect.gather [hbm4b:s4+s22], $0x80, s7, s22, $0xb8;
	[tilespmem:$0x1F000] =	vst v63  }
0x52: {  	_ = 	snop  }
0x53: {  	[tilespmem:s23], [sflag:$0x2] =	stream.indirect.gather [hbm4b:s4+s22], $0x80, s22, s22, $0xb8;
	[tilespmem:$0x1F000] =	vst v63  }
0x54: {  	s6 =	simm.s32 $0x80  }
0x55: {  	[tilespmem:s25], [sflag:$0x3] =	stream.indirect.gather [hbm4b:s4+s22], $0x80, s6, s22, $0xb8;
	[tilespmem:$0x1F000] =	vst v63  }
0x56: {  	_ =	swait.ge [sflag:s26], $0x2000  }
0x57: {  	[sflag:s26] =	ssyncset.done $0x0  }
0x58: {  	[sflag:s26] =	ssyncadd.s32 $0xFFFFE000  }
0x59: {  	[spmem:s2] =	stream.indirect.scatter.add.f32 [tilespmem:s19], [sflag:$0x4], $0x80, s21, s22, $0xb8;
	[tilespmem:$0x1F000] =	vst v63  }
0x5a: {  	_ =	swait.ge [sflag:s28], $0x2000  }
0x5b: {  	[sflag:s28] =	ssyncset.done $0x0  }
0x5c: {  	s7 =	simm.s32 $0xC0;
	[sflag:s28] =	ssyncadd.s32 $0xFFFFE000  }
0x5d: {  	[tilespmem:s19], [sflag:$0x1] =	stream.indirect.gather [hbm4b:s4+s22], $0x80, s7, s22, $0xb8;
	[tilespmem:$0x1F000] =	vst v63  }
0x5e: {  	_ =	swait.ge [sflag:s30], $0x2000  }
0x5f: {  	[sflag:s30] =	ssyncset.done $0x0  }
0x60: {  	s6 =	simm.s32 $0x2840;
	[sflag:s30] =	ssyncadd.s32 $0xFFFFE000  }
0x61: {  	[spmem:s2] =	stream.indirect.scatter.add.f32 [tilespmem:s23], [sflag:$0x5], $0x80, s6, s22, $0xb8;
	[tilespmem:$0x1F000] =	vst v63  }
0x62: {  	_ =	swait.ge [sflag:s1], $0x2000  }
0x63: {  	[sflag:s1] =	ssyncset.done $0x0  }
0x64: {  	s7 =	simm.s32 $0x100;
	[sflag:s1] =	ssyncadd.s32 $0xFFFFE000  }
0x65: {  	[tilespmem:s23], [sflag:$0x2] =	stream.indirect.gather [hbm4b:s4+s22], $0x80, s7, s22, $0xb8;
	[tilespmem:$0x1F000] =	vst v63  }
0x66: {  	_ =	swait.ge [sflag:s24], $0x2000  }
0x67: {  	[sflag:s24] =	ssyncset.done $0x0  }
0x68: {  	s6 =	simm.s32 $0x2880;
	[sflag:s24] =	ssyncadd.s32 $0xFFFFE000  }
0x69: {  	[spmem:s2] =	stream.indirect.scatter.add.f32 [tilespmem:s25], [sflag:$0x6], $0x80, s6, s22, $0xb8;
	[tilespmem:$0x1F000] =	vst v63  }
0x6a: {  	_ =	swait.ge [sflag:s31], $0x2000  }
0x6b: {  	[sflag:s31] =	ssyncset.done $0x0  }
0x6c: {  	s7 =	simm.s32 $0x140;
	[sflag:s31] =	ssyncadd.s32 $0xFFFFE000  }
0x6d: {  	[tilespmem:s25], [sflag:$0x3] =	stream.indirect.gather [hbm4b:s4+s22], $0x80, s7, s22, $0xb8;
	[tilespmem:$0x1F000] =	vst v63  }
0x6e: {  	_ =	swait.ge [sflag:s26], $0x2000  }
0x6f: {  	[sflag:s26] =	ssyncset.done $0x0  }
0x70: {  	s6 =	simm.s32 $0x28C0;
	[sflag:s26] =	ssyncadd.s32 $0xFFFFE000  }
0x71: {  	[spmem:s2] =	stream.indirect.scatter.add.f32 [tilespmem:s19], [sflag:$0x4], $0x80, s6, s22, $0xb8;
	[tilespmem:$0x1F000] =	vst v63  }
0x72: {  	_ =	swait.ge [sflag:s28], $0x2000  }
0x73: {  	[sflag:s28] =	ssyncset.done $0x0  }
0x74: {  	s7 =	simm.s32 $0x180;
	[sflag:s28] =	ssyncadd.s32 $0xFFFFE000  }
0x75: {  	[tilespmem:s19], [sflag:$0x1] =	stream.indirect.gather [hbm4b:s4+s22], $0x80, s7, s22, $0xb8;
	[tilespmem:$0x1F000] =	vst v63  }
0x76: {  	_ =	swait.ge [sflag:s30], $0x2000  }
0x77: {  	[sflag:s30] =	ssyncset.done $0x0  }
0x78: {  	s6 =	simm.s32 $0x2900;
	[sflag:s30] =	ssyncadd.s32 $0xFFFFE000  }
0x79: {  	[spmem:s2] =	stream.indirect.scatter.add.f32 [tilespmem:s23], [sflag:$0x5], $0x80, s6, s22, $0xb8;
	[tilespmem:$0x1F000] =	vst v63  }
0x7a: {  	_ =	swait.ge [sflag:s1], $0x2000  }
0x7b: {  	[sflag:s1] =	ssyncset.done $0x0  }
0x7c: {  	s7 =	simm.s32 $0x1C0;
	[sflag:s1] =	ssyncadd.s32 $0xFFFFE000  }
0x7d: {  	[tilespmem:s23], [sflag:$0x2] =	stream.indirect.gather [hbm4b:s4+s22], $0x80, s7, s22, $0xb8;
	[tilespmem:$0x1F000] =	vst v63  }
0x7e: {  	_ =	swait.ge [sflag:s24], $0x2000  }
0x7f: {  	[sflag:s24] =	ssyncset.done $0x0  }
0x80: {  	s29 =	simm.s32 $0x300;
	s3 =	simm.s32 $0x2940;
	[sflag:s24] =	ssyncadd.s32 $0xFFFFE000  }
.LBB2_4:
0x81: {  	[spmem:s2] =	stream.indirect.scatter.add.f32 [tilespmem:s25], [sflag:$0x6], $0x80, s3, s22, $0xb8;
	[tilespmem:$0x1F000] =	vst v63  }
0x82: {  	s3 =	smov.u32 s29  }
0x83: {  	p0 =	sne.s32 s29, $0x9600;
	s29 =	sadd.s32 $0x300, s29;
	_ =	swait.ge [sflag:s31], $0x2000  }
0x84: {  	s3 =	sshra.s32 s3, $0x2;
	[sflag:s31] =	ssyncset.done $0x0  }
0x85: {  	s6 =	sadd.s32 $0x140, s3;
	[sflag:s31] =	ssyncadd.s32 $0xFFFFE000  }
0x86: {  	[tilespmem:s25], [sflag:$0x3] =	stream.indirect.gather [hbm4b:s4+s22], $0x80, s6, s22, $0xb8;
	[tilespmem:$0x1F000] =	vst v63  }
0x87: {  	_ =	swait.ge [sflag:s26], $0x2000  }
0x88: {  	[sflag:s26] =	ssyncset.done $0x0  }
0x89: {  	s6 =	sadd.s32 $0x28C0, s3;
	[sflag:s26] =	ssyncadd.s32 $0xFFFFE000  }
0x8a: {  	[spmem:s2] =	stream.indirect.scatter.add.f32 [tilespmem:s19], [sflag:$0x4], $0x80, s6, s22, $0xb8;
	[tilespmem:$0x1F000] =	vst v63  }
0x8b: {  	_ =	swait.ge [sflag:s28], $0x2000  }
0x8c: {  	[sflag:s28] =	ssyncset.done $0x0  }
0x8d: {  	s6 =	sadd.s32 $0x180, s3;
	[sflag:s28] =	ssyncadd.s32 $0xFFFFE000  }
0x8e: {  	[tilespmem:s19], [sflag:$0x1] =	stream.indirect.gather [hbm4b:s4+s22], $0x80, s6, s22, $0xb8;
	[tilespmem:$0x1F000] =	vst v63  }
0x8f: {  	_ =	swait.ge [sflag:s30], $0x2000  }
0x90: {  	[sflag:s30] =	ssyncset.done $0x0  }
0x91: {  	s6 =	sadd.s32 $0x2900, s3;
	[sflag:s30] =	ssyncadd.s32 $0xFFFFE000  }
0x92: {  	[spmem:s2] =	stream.indirect.scatter.add.f32 [tilespmem:s23], [sflag:$0x5], $0x80, s6, s22, $0xb8;
	[tilespmem:$0x1F000] =	vst v63  }
0x93: {  	_ =	swait.ge [sflag:s1], $0x2000  }
0x94: {  	[sflag:s1] =	ssyncset.done $0x0  }
.Ltmp1:
0x95: {  	s6 =	sadd.s32 $0x1C0, s3;
	[sflag:s1] =	ssyncadd.s32 $0xFFFFE000;
	(pc) =	sbr.rel @p0 .LBB2_4-.Ltmp1, $4  }
0x96: {  	[tilespmem:s23], [sflag:$0x2] =	stream.indirect.gather [hbm4b:s4+s22], $0x80, s6, s22, $0xb8;
	[tilespmem:$0x1F000] =	vst v63  }
0x97: {  	_ =	swait.ge [sflag:s24], $0x2000  }
0x98: {  	[sflag:s24] =	ssyncset.done $0x0  }
0x99: {  	s3 =	sadd.s32 $0x2940, s3;
	[sflag:s24] =	ssyncadd.s32 $0xFFFFE000  }
0x9a: {  	[spmem:s2] =	stream.indirect.scatter.add.f32 [tilespmem:s25], [sflag:$0x6], $0x80, s3, s22, $0xb8;
	[tilespmem:$0x1F000] =	vst v63  }
0x9b: {  	_ =	swait.ge [sflag:s31], $0x2000  }
0x9c: {  	[sflag:s31] =	ssyncset.done $0x0  }
0x9d: {  	s29 =	simm.s32 $0x2780;
	[sflag:s31] =	ssyncadd.s32 $0xFFFFE000  }
0x9e: {  	[tilespmem:s25], [sflag:$0x3] =	stream.indirect.gather [hbm4b:s4+s22], $0x80, s29, s22, $0xb8;
	[tilespmem:$0x1F000] =	vst v63  }
0x9f: {  	_ =	swait.ge [sflag:s26], $0x2000  }
0xa0: {  	[sflag:s26] =	ssyncset.done $0x0  }
0xa1: {  	s6 =	simm.s32 $0x4F00;
	[sflag:s26] =	ssyncadd.s32 $0xFFFFE000  }
0xa2: {  	[spmem:s2] =	stream.indirect.scatter.add.f32 [tilespmem:s19], [sflag:$0x4], $0x80, s6, s22, $0xb8;
	[tilespmem:$0x1F000] =	vst v63  }
0xa3: {  	_ =	swait.ge [sflag:s28], $0x2000  }
0xa4: {  	[sflag:s28] =	ssyncset.done $0x0  }
0xa5: {  	s7 =	simm.s32 $0x27C0;
	[sflag:s28] =	ssyncadd.s32 $0xFFFFE000  }
0xa6: {  	[tilespmem:s19], [sflag:$0x1] =	stream.indirect.gather [hbm4b:s4+s22], $0x80, s7, s22, $0xb8;
	[tilespmem:$0x1F000] =	vst v63  }
0xa7: {  	_ =	swait.ge [sflag:s30], $0x2000  }
0xa8: {  	[sflag:s30] =	ssyncset.done $0x0  }
0xa9: {  	s29 =	simm.s32 $0x4F40;
	[sflag:s30] =	ssyncadd.s32 $0xFFFFE000  }
0xaa: {  	[spmem:s2] =	stream.indirect.scatter.add.f32 [tilespmem:s23], [sflag:$0x5], $0x80, s29, s22, $0xb8;
	[tilespmem:$0x1F000] =	vst v63  }
0xab: {  	_ =	swait.ge [sflag:s1], $0x2000  }
0xac: {  	[sflag:s1] =	ssyncset.done $0x0  }
0xad: {  	[sflag:s1] =	ssyncadd.s32 $0xFFFFE000  }
0xae: {  	_ =	swait.ge [sflag:s24], $0x2000  }
0xaf: {  	[sflag:s24] =	ssyncset.done $0x0  }
0xb0: {  	s6 =	simm.s32 $0x4F80;
	[sflag:s24] =	ssyncadd.s32 $0xFFFFE000  }
0xb1: {  	[spmem:s2] =	stream.indirect.scatter.add.f32 [tilespmem:s25], [sflag:$0x6], $0x80, s6, s22, $0xb8;
	[tilespmem:$0x1F000] =	vst v63  }
0xb2: {  	_ =	swait.ge [sflag:s31], $0x2000  }
0xb3: {  	[sflag:s31] =	ssyncset.done $0x0  }
0xb4: {  	[sflag:s31] =	ssyncadd.s32 $0xFFFFE000  }
0xb5: {  	_ =	swait.ge [sflag:s26], $0x2000  }
0xb6: {  	[sflag:s26] =	ssyncset.done $0x0  }
0xb7: {  	s7 =	simm.s32 $0x4FC0;
	[sflag:s26] =	ssyncadd.s32 $0xFFFFE000  }
0xb8: {  	[spmem:s2] =	stream.indirect.scatter.add.f32 [tilespmem:s19], [sflag:$0x4], $0x80, s7, s22, $0xb8;
	[tilespmem:$0x1F000] =	vst v63  }
0xb9: {  	s29 =	stileid.u32;
	_ =	swait.ge [sflag:s28], $0x2000  }
0xba: {  	s0 =	sadd.s32 $0x1, s0;
	s3 =	sshll.u32 s29, $0x6;
	[sflag:s28] =	ssyncset.done $0x0  }
0xbb: {  	p0 =	sne.s32 s0, s18;
	s3 =	sor.u32 $0x1C07, s3;
	[sflag:s28] =	ssyncadd.s32 $0xFFFFE000  }
.Ltmp2:
0xbc: {  	s6 =	sshrl.u32 s5, $0x3;
	[bflag:$0x0] =	sbarrier.arrive $0xFFFF;
	(pc) =	sbr.rel @p0 .LBB2_1-.Ltmp2, $4  }
0xbd: {  	[hbm:s17], [sflag:s3] =	dma.local [spmem:s6], $0x2800  }
0xbe: {  	_ =	swait.ge [sflag:s20], $0x2800  }
0xbf: {  	[sflag:s20] =	ssyncset.done $0x0  }
0xc0: {  	[sflag:s20] =	ssyncadd.s32 $0xFFFFD800  }
0xc1: {  	_ =	sfence.sel $0x180000  }
0xc2: {  	[bflag:$0x0] =	sbarrier.arrive $0xFFFF  }
0xc3: {  	_ =	strace $0x9000004A  }
0xc4: {  	s0 =	stileid.u32;
	[bflag:$0x2] =	sbarrier.arrive $0xFFFF  }
0xc5: {  	p0 =	sne.s32 s0, $0x0;
	s0 =	rddreg [dreg:$0x3]  }
0xc6: {  	s0 =	sadd.s32 @!p0 $0x100000, s0  }
0xc7: {  	[sflag:s0] =	ssyncadd.tile.s32 @!p0 $0x1;
	_ =	shalt  }
.Lfunc_end2:
_tile_overlayer_lowered:
.L_overlay_start_2:
0xc8: {  	(tag) =	ssettag $0x2  }
0xc9: {  	s0 =	rddreg [dreg:$0x0];
	s2 =	stileid.u32  }
0xca: {  	s1 =	rddreg [dreg:$0x1];
	p0 =	sne.s32 s2, $0x0  }
0xcb: {  	s3 =	rddreg [dreg:$0x2];
	[bflag:$0x3] =	sbarrier.arrive $0xFFFF;
	s2 =	simm.s32 @!p0 $0x1C07  }
0xcc: {  	[timem:s3], [sflag:s2] =	dma.local @!p0 [hbm:s0], s1  }
0xcd: {  	s0 =	simm.s32 @!p0 $0x7  }
0xce: {  	_ =	swait.ge @!p0 [sflag:s0], s1  }
0xcf: {  	s1 =	ssub.s32 @!p0 $0x0, s1;
	[sflag:s0] =	ssyncset.done @!p0 $0x0  }
0xd0: {  	[sflag:s0] =	ssyncadd.s32 @!p0 s1  }
0xd1: {  	[bflag:$0x3] =	sbarrier.arrive $0xFFFF  }
0xd2: {  	_ =	shalt  }

// kernel: kernel.15.cloned.1.call-start
scs
__scs_entry_jumppad:
0x0: {  	(pc) =	sbr.rel $0x88, $3  }
0x1: {  	(tag) =	ssettag $0x0;
	lr =	simm.s32 $0x1  }
0x2: {  	[smem:$0x3F9B] =	sst lr;
	_ =	strace $0xD0000000  }
0x3: {  	_ = 	snop  }
0x4: {  	_ = 	snop  }
0x5: {  	_ = 	snop  }
0x6: {  	_ = 	snop  }
0x7: {  	_ = 	snop  }
__scs_overlays_trampoline_lowered:
0x8: {  	[smem:$0x3FAA] =	sst s0  }
0x9: {  	[smem:$0x3FAB] =	sst s1  }
0xa: {  	[smem:$0x3FAC] =	sst s2  }
0xb: {  	[smem:$0x3FAD] =	sst s3  }
0xc: {  	[smem:$0x3FAE] =	sst s4  }
0xd: {  	[smem:$0x3FAF] =	sst s5  }
0xe: {  	[smem:$0x3FB0] =	sst s6  }
0xf: {  	[smem:$0x3FB1] =	sst s7  }
0x10: {  	[smem:$0x3FB2] =	sst s8  }
0x11: {  	[smem:$0x3FB3] =	sst s9;
	s0 =	simm.s32 @!p0 $0x0  }
0x12: {  	s1 =	sld [smem:$0x3F99];
	s0 =	simm.s32 @p0 $0x1  }
0x13: {  	[smem:$0x3FB4] =	sst s0;
	s0 =	simm.s32 @!p1 $0x0  }
0x14: {  	s2 =	sld [smem:$0x3F98];
	s0 =	simm.s32 @p1 $0x1  }
0x15: {  	[smem:$0x3FB5] =	sst s0;
	s0 =	simm.s32 @!p2 $0x0  }
0x16: {  	s3 =	sld [smem:$0x3FDB];
	s0 =	simm.s32 @p2 $0x1  }
0x17: {  	s4 =	simm.s32 $0x1BF5;
	[smem:$0x3FB7] =	sst s0  }
0x18: {  	s0 =	sld [smem:$0x3F9A];
	_ =	swait.ge [sflag:s4], $0x0  }
0x19: {  	s7 =	sld [smem:$0x3F9B]  }
0x1a: {  	s8 =	sadd.s32 $0xFFFFE003, lr  }
0x1b: {  	s9 =	sadd.s32 $0xFFFFFEF7, lr;
	s5 =	simm.s32 $0xFFFFFFFF;
	p2 =	slt.u32 s8, $0xFFFFF086  }
0x1c: {  	p1 =	slt.u32 s9, $0xF7A;
	s5 =	simm.s32 @!p2 $0x0  }
0x1d: {  	s5 =	simm.s32 @p1 $0x1;
	p0 =	seq.s32 s7, s2  }
0x1e: {  	s7 =	smul.u32 @!p0 $0xF7A, s2;
	p2 =	seq.s32 @!p0 s5, $0x0  }
0x1f: {  	s9 =	smul.u32 $0xF7A, s1;
	s8 =	simm.s32 @!p0 $0x1BF5;
	p2 =	por !p2, p0  }
0x20: {  	[sflag:s8] =	ssyncset.s32 @!p0 $0xFFFFF086;
	s6 =	sadd.s32 @!p0 s3, s7;
	s7 =	simm.s32 @!p0 $0x108  }
0x21: {  	s3 =	sadd.s32 s3, s9;
	s6 =	sadd.s32 @!p0 $0x88, s6;
	s7 =	simm.s32 @p2 $0x1082  }
0x22: {  	[simem:s7], [sflag:s8] =	dma.local @!p0 [hbm:s6], $0xF7A  }
0x23: {  	s9 =	sor.u32 $0xD0000000, s2;
	s6 =	simm.s32 $0x108;
	_ =	swait.ge @!p0 [sflag:s8], $0x0  }
0x24: {  	s3 =	sadd.s32 $0x88, s3;
	s6 =	simm.s32 @!p1 $0x1082;
	[sflag:s4] =	ssyncset.s32 $0xFFFFF086  }
0x25: {  	[simem:s6], [sflag:s4] =	dma.local [hbm:s3], $0xF7A  }
0x26: {  	[smem:$0x3F9B] =	sst s1;
	(tag) =	ssettag s2;
	_ =	strace s9  }
0x27: {  	s1 =	sld [smem:$0x3FAB]  }
0x28: {  	s2 =	sld [smem:$0x3FAC]  }
0x29: {  	s4 =	sld [smem:$0x3FAE]  }
0x2a: {  	p0 =	seq.s32 s5, $0x0;
	s5 =	sld [smem:$0x3FAF]  }
0x2b: {  	s6 =	sld [smem:$0x3FB0]  }
0x2c: {  	s7 =	sld [smem:$0x3FB1]  }
0x2d: {  	s3 =	simm.s32 $0x108;
	s8 =	sld [smem:$0x3FB2]  }
0x2e: {  	s3 =	simm.s32 @!p0 $0x1082;
	s9 =	sld [smem:$0x3FB3]  }
0x2f: {  	lr =	sadd.s32 s0, s3;
	s0 =	sld [smem:$0x3FAA]  }
0x30: {  	s3 =	sld [smem:$0x3FAD]  }
0x31: {  	[smem:$0x3FB6] =	sst s10  }
0x32: {  	s10 =	sld [smem:$0x3FB4];
	_ =	sdelay $0x3  }
0x33: {  	p0 =	seq.s32 s10, $0x1;
	s10 =	sld [smem:$0x3FB6];
	_ =	sdelay $0x3  }
0x34: {  	[smem:$0x3FB6] =	sst s10  }
0x35: {  	s10 =	sld [smem:$0x3FB5];
	_ =	sdelay $0x3  }
0x36: {  	p1 =	seq.s32 s10, $0x1;
	s10 =	sld [smem:$0x3FB6];
	_ =	sdelay $0x3  }
0x37: {  	[smem:$0x3FB6] =	sst s10  }
0x38: {  	s10 =	sld [smem:$0x3FB7]  }
0x39: {  	_ = 	snop;
	(pc) =	sbr.ind lr, $3  }
0x3a: {  	_ = 	snop  }
0x3b: {  	_ = 	snop  }
0x3c: {  	p2 =	seq.s32 s10, $0x1;
	s10 =	sld [smem:$0x3FB6]  }
0x3d: {  	_ =	shalt  }
0x3e: {  	_ =	shalt  }
0x3f: {  	_ =	shalt  }
0x40: {  	_ =	shalt  }
0x41: {  	_ =	shalt  }
0x42: {  	_ =	shalt  }
0x43: {  	_ =	shalt  }
0x44: {  	_ =	shalt  }
0x45: {  	_ =	shalt  }
0x46: {  	_ =	shalt  }
0x47: {  	_ =	shalt  }
0x48: {  	_ =	shalt  }
0x49: {  	_ =	shalt  }
0x4a: {  	_ =	shalt  }
0x4b: {  	_ =	shalt  }
0x4c: {  	_ =	shalt  }
0x4d: {  	_ =	shalt  }
0x4e: {  	_ =	shalt  }
0x4f: {  	_ =	shalt  }
0x50: {  	_ =	shalt  }
0x51: {  	_ =	shalt  }
0x52: {  	_ =	shalt  }
0x53: {  	_ =	shalt  }
0x54: {  	_ =	shalt  }
0x55: {  	_ =	shalt  }
0x56: {  	_ =	shalt  }
0x57: {  	_ =	shalt  }
0x58: {  	_ =	shalt  }
0x59: {  	_ =	shalt  }
0x5a: {  	_ =	shalt  }
0x5b: {  	_ =	shalt  }
0x5c: {  	_ =	shalt  }
0x5d: {  	_ =	shalt  }
0x5e: {  	_ =	shalt  }
0x5f: {  	_ =	shalt  }
0x60: {  	_ =	shalt  }
0x61: {  	_ =	shalt  }
0x62: {  	_ =	shalt  }
0x63: {  	_ =	shalt  }
0x64: {  	_ =	shalt  }
0x65: {  	_ =	shalt  }
0x66: {  	_ =	shalt  }
0x67: {  	_ =	shalt  }
0x68: {  	_ =	shalt  }
0x69: {  	_ =	shalt  }
0x6a: {  	_ =	shalt  }
0x6b: {  	_ =	shalt  }
0x6c: {  	_ =	shalt  }
0x6d: {  	_ =	shalt  }
0x6e: {  	_ =	shalt  }
0x6f: {  	_ =	shalt  }
0x70: {  	_ =	shalt  }
0x71: {  	_ =	shalt  }
0x72: {  	_ =	shalt  }
0x73: {  	_ =	shalt  }
0x74: {  	_ =	shalt  }
0x75: {  	_ =	shalt  }
0x76: {  	_ =	shalt  }
0x77: {  	_ =	shalt  }
0x78: {  	_ =	shalt  }
0x79: {  	_ =	shalt  }
0x7a: {  	_ =	shalt  }
0x7b: {  	_ =	shalt  }
0x7c: {  	_ =	shalt  }
0x7d: {  	_ =	shalt  }
0x7e: {  	_ =	shalt  }
0x7f: {  	_ =	shalt  }
0x80: {  	_ =	shalt  }
0x81: {  	_ =	shalt  }
0x82: {  	_ =	shalt  }
0x83: {  	_ =	shalt  }
0x84: {  	_ =	shalt  }
0x85: {  	_ =	shalt  }
0x86: {  	_ =	shalt  }
0x87: {  	_ =	shalt  }
.Lfunc_end0:
.L_simem_size_0:
called_computation.2_lowered:
.L_overlay_start_0:
0x88: {  	s2 =	sld [smem:$0x3FD9]  }
0x89: {  	s3 =	sld [smem:$0x3FFE];
	_ =	sdelay $0x1  }
0x8a: {  	s1 =	srdreg.scid  }
0x8b: {  	s0 =	sand.u32 $0x1, s1  }
0x8c: {  	s17 =	sshll.u32 s0, $0xA;
	s2 =	sadd.s32 s3, s2  }
0x8d: {  	s2 =	sadd.s32 s2, s17  }
0x8e: {  	[smem:$0x3FC2] =	sst s2  }
0x8f: {  	_ = 	snop  }
0x90: {  	s2 =	sld [smem:$0x3FD0];
	(tm) =	ssettm $0x1  }
0x91: {  	s18 =	sld [smem:$0x3FFB];
	_ =	sdelay $0x3  }
0x92: {  	_ =	strace s18  }
0x93: {  	s3 =	sld [smem:$0x3FFC];
	_ =	sdelay $0x3  }
0x94: {  	_ =	strace s3  }
0x95: {  	s3 =	sld [smem:$0x3FFD];
	_ =	sdelay $0x3  }
0x96: {  	_ =	strace s3  }
0x97: {  	_ =	strace $0x8FFFFFFF  }
0x98: {  	s19 =	sld [smem:$0x3FDB];
	_ =	sdelay $0x1  }
0x99: {  	s4 =	simm.s32 $_scs_section_size  }
0x9a: {  	s5 =	simm.s32 $_size__tile_overlayer_lowered;
	s6 =	simm.s32 $_tile_overlayer_lowered  }
0x9b: {  	s22 =	simm.s32 $0x1BFF;
	s21 =	sshll.u32 s6, $0x1;
	s3 =	sadd.s32 s4, s19  }
0x9c: {  	s7 =	simm.s32 $0x0;
	s20 =	sshll.u32 s5, $0x1;
	s5 =	sadd.s32 s21, s3  }
0x9d: {  	[timem:s7], [sflag:s22] =	dma.local [hbm:s5], s20  }
0x9e: {  	_ =	swait.ge [sflag:s22], s20  }
0x9f: {  	s4 =	ssub.s32 $0x0, s20;
	[sflag:s22] =	ssyncset.done $0x0  }
0xa0: {  	[sflag:s22] =	ssyncadd.s32 s4;
	_ =	sdelay $0x1  }
0xa1: {  	s23 =	simm.s32 $0x1B8B  }
0xa2: {  	_ =	swait.ge [sflag:s23], $0x1  }
0xa3: {  	[sflag:s23] =	ssyncset.done $0x0  }
0xa4: {  	s25 =	simm.s32 $0x1B8E;
	s24 =	sld [smem:$0x3FFE];
	[sflag:s23] =	ssyncadd.s32 $0xFFFFFFFF  }
0xa5: {  	s26 =	simm.s32 $execute0_lowered;
	[smem:$0x3FD2] =	sst s25  }
0xa6: {  	s5 =	sshll.u32 s26, $0x1;
	_ =	strace $0x8000004C;
	[dreg:$0x1] =	wrdreg $0xFFFFFFFF  }
0xa7: {  	s28 =	simm.s32 $_size_execute0_lowered;
	s3 =	sadd.s32 s3, s5;
	[dreg:$0x0] =	wrdreg $0x0  }
0xa8: {  	s5 =	sshll.u32 s28, $0x1;
	[dreg:$0x2] =	wrdreg s3  }
0xa9: {  	[dreg:$0x3] =	wrdreg s5  }
0xaa: {  	[dreg:$0x4] =	wrdreg $0xC0  }
0xab: {  	_ =	task [dreg:s7], $0x5FFFF  }
0xac: {  	[dreg:$0x1] =	wrdreg $0xFFFFFFFF  }
0xad: {  	[dreg:$0x0] =	wrdreg $0x60  }
0xae: {  	[dreg:$0x2] =	wrdreg s24  }
0xaf: {  	[dreg:$0x3] =	wrdreg s2  }
0xb0: {  	[dreg:$0x4] =	wrdreg $0xB0000  }
0xb1: {  	[dreg:$0x5] =	wrdreg $0x9  }
0xb2: {  	_ =	task.clear_ibuf [dreg:s7], $0x6FFFF;
	_ =	strace $0x9000004C  }
0xb3: {  	s29 =	simm.s32 $0x9;
	_ =	strace $0x8000004E  }
0xb4: {  	_ =	swait.ge [sflag:s29], $0x1  }
0xb5: {  	[sflag:s29] =	ssyncadd.s32 $0xFFFFFFFF  }
0xb6: {  	_ =	strace $0x9000004E  }
0xb7: {  	_ =	sfence  }
0xb8: {  	s30 =	sld [smem:$0x0];
	_ =	sdelay $0x2  }
0xb9: {  	s31 =	sshll.u32 s1, $0xD;
	s1 =	sshrl.u32 s1, $0x2  }
0xba: {  	s3 =	sand.u32 $0x4000, s31;
	s1 =	sadd.s32 s1, s30  }
0xbb: {  	s0 =	sor.u32 s3, s0;
	s1 =	sshll.u32 s1, $0x11  }
0xbc: {  	s0 =	sor.u32 s1, s0  }
0xbd: {  	s0 =	sadd.s32 $0x8F2B, s0  }
0xbe: {  	[sflag:s0] =	ssyncadd.remote.s32 $0x1  }
0xbf: {  	_ =	sfence.sel $0xFFFF  }
0xc0: {  	[dreg:$0x0] =	wrdreg $0xFFFFFFFF;
	(pc) =	sbr.abs _section_cstart, $3  }
0xc1: {  	[dreg:$0x1] =	wrdreg $0xFFFFFFFF  }
0xc2: {  	_ =	task.clear_ibuf [dreg:s7], $0x2FFFF;
	_ =	strace $0x9FFFFFFF  }
0xc3: {  	(tm) =	ssettm $0x7FFFFFFF  }
tec
execute0_lowered:
.L_overlay_start_1:
0x0: {  	(tag) =	ssettag $0x1  }
0x1: {  	s0 =	srdreg.scid  }
0x2: {  	s1 =	rddreg [dreg:$0x0];
	s8 =	stileid.u32  }
0x3: {  	s3 =	rddreg [dreg:$0x1];
	s24 =	simm.s32 $0x0;
	s19 =	simm.s32 $0x5000  }
0x4: {  	s20 =	simm.s32 $0x7;
	s21 =	simm.s32 $0x2800;
	s22 =	simm.s32 $0x40  }
0x5: {  	s23 =	simm.s32 $0x7000;
	s28 =	simm.s32 $0x4;
	s30 =	simm.s32 $0x2  }
0x6: {  	s31 =	simm.s32 $0x6;
	s0 =	sand.u32 $0x1, s0;
	s5 =	smul.u32 $0x14000, s8  }
0x7: {  	[smem:$0x7FF] =	sst s24;
	s24 =	simm.s32 $0x3;
	s2 =	sshll.u32 s0, $0x4  }
0x8: {  	s7 =	smul.u32 $0x140000, s0;
	s0 =	ssub.s32 $0x2, s0;
	s4 =	sor.u32 s8, s2  }
0x9: {  	s2 =	rddreg [dreg:$0x2];
	_ =	strace $0x8000004D;
	s8 =	smul.u32 $0x50000, s8  }
0xa: {  	s25 =	sshrl.u32 s0, $0x1;
	s6 =	smul.u32 $0x500, s4;
	s4 =	sadd.s32 $0xCE00, s1  }
0xb: {  	s7 =	sadd.s32 s5, s7;
	s0 =	ssub.s32 s0, s25;
	s5 =	sadd.s32 s5, s2  }
0xc: {  	s25 =	simm.s32 $0x9000;
	s7 =	sshrl.u32 s7, $0x3;
	s8 =	sshrl.u32 s8, $0x2  }
0xd: {  	s18 =	smax.u32 s0, $0x1;
	s0 =	simm.s32 $0x0;
	s15 =	sadd.s32 s6, s1  }
0xe: {  	s1 =	sadd.s32 s7, s1;
	s14 =	sadd.s32 s8, s2;
	s16 =	sadd.s32 s3, s6  }
0xf: {  	s26 =	sadd.s32 $0x2000, s14;
	s29 =	sadd.s32 $0x4000, s14;
	s8 =	sadd.s32 $0x6000, s14  }
0x10: {  	s9 =	sadd.s32 $0x8000, s14;
	s10 =	sadd.s32 $0xA000, s14;
	s11 =	sadd.s32 $0xC000, s14  }
0x11: {  	s12 =	sadd.s32 $0xE000, s14;
	s13 =	sadd.s32 $0x10000, s14;
	s14 =	sadd.s32 $0x12000, s14  }
0x12: {  	s15 =	sadd.s32 $0x2E00, s15;
	s17 =	sadd.s32 $0x34E00, s1;
	[dreg:$0x4] =	wrdreg s26  }
0x13: {  	v0 =	vimm.f32 $0.0e+00;
	s1 =	simm.s32 $0x5;
	[dreg:$0x5] =	wrdreg s29;
	s26 =	simm.s32 $0x1  }
.LBB2_1:
0x14: {  	s6 =	simm.s32 $0x0  }
0x15: {  	s3 =	sand.u32 $0x7E00, s6  }
0x16: {  	s6 =	sand.u32 $0x70, s6;
	s3 =	sshrl.u32 s3, $0x2  }
0x17: {  	s29 =	simm.s32 $0x40;
	s6 =	sor.u32 s6, s3;
	s3 =	simm.s32 $0x0  }
.LBB2_2:
0x18: {  	p0 =	sne.s32 s29, $0x7FC0  }
0x19: {  	[tilespmem:s6+$0x5000] =	vst v0;
	s3 =	sadd.s32 $0x10, s3;
	s6 =	smov.u32 s29;
	s29 =	sadd.s32 $0x40, s29  }
.Ltmp0:
0x1a: {  	(pc) =	sbr.rel @p0 .LBB2_2-.Ltmp0, $4  }
0x1b: {  	_ = 	snop  }
0x1c: {  	s6 =	sand.u32 $0x7E00, s6  }
0x1d: {  	s7 =	sand.u32 $0x70, s3;
	s6 =	sshrl.u32 s6, $0x2  }
0x1e: {  	s6 =	sor.u32 s7, s6  }
0x1f: {  	[tilespmem:s6+$0x5000] =	vst v0  }
0x20: {  	[spmem:s5] =	stream.linear.scatter [tilespmem:s19], [sflag:$0x7], $0x2000, $0x38;
	[tilespmem:$0x1F000] =	vst v63  }
0x21: {  	_ =	swait.ge [sflag:s20], $0x2000  }
0x22: {  	[sflag:s20] =	ssyncset.done $0x0  }
0x23: {  	s3 =	rddreg [dreg:$0x4];
	[sflag:s20] =	ssyncadd.s32 $0xFFFFE000  }
0x24: {  	[spmem:s3] =	stream.linear.scatter [tilespmem:s19], [sflag:$0x7], $0x2000, $0x38;
	[tilespmem:$0x1F000] =	vst v63  }
0x25: {  	_ =	swait.ge [sflag:s20], $0x2000  }
0x26: {  	[sflag:s20] =	ssyncset.done $0x0  }
0x27: {  	s6 =	rddreg [dreg:$0x5];
	[sflag:s20] =	ssyncadd.s32 $0xFFFFE000  }
0x28: {  	[spmem:s6] =	stream.linear.scatter [tilespmem:s19], [sflag:$0x7], $0x2000, $0x38;
	[tilespmem:$0x1F000] =	vst v63  }
0x29: {  	_ =	swait.ge [sflag:s20], $0x2000  }
0x2a: {  	[sflag:s20] =	ssyncset.done $0x0  }
0x2b: {  	[sflag:s20] =	ssyncadd.s32 $0xFFFFE000  }
0x2c: {  	[spmem:s8] =	stream.linear.scatter [tilespmem:s19], [sflag:$0x7], $0x2000, $0x38;
	[tilespmem:$0x1F000] =	vst v63  }
0x2d: {  	_ =	swait.ge [sflag:s20], $0x2000  }
0x2e: {  	[sflag:s20] =	ssyncset.done $0x0  }
0x2f: {  	[sflag:s20] =	ssyncadd.s32 $0xFFFFE000  }
0x30: {  	[spmem:s9] =	stream.linear.scatter [tilespmem:s19], [sflag:$0x7], $0x2000, $0x38;
	[tilespmem:$0x1F000] =	vst v63  }
0x31: {  	_ =	swait.ge [sflag:s20], $0x2000  }
0x32: {  	[sflag:s20] =	ssyncset.done $0x0  }
0x33: {  	[sflag:s20] =	ssyncadd.s32 $0xFFFFE000  }
0x34: {  	[spmem:s10] =	stream.linear.scatter [tilespmem:s19], [sflag:$0x7], $0x2000, $0x38;
	[tilespmem:$0x1F000] =	vst v63  }
0x35: {  	_ =	swait.ge [sflag:s20], $0x2000  }
0x36: {  	[sflag:s20] =	ssyncset.done $0x0  }
0x37: {  	[sflag:s20] =	ssyncadd.s32 $0xFFFFE000  }
0x38: {  	[spmem:s11] =	stream.linear.scatter [tilespmem:s19], [sflag:$0x7], $0x2000, $0x38;
	[tilespmem:$0x1F000] =	vst v63  }
0x39: {  	_ =	swait.ge [sflag:s20], $0x2000  }
0x3a: {  	[sflag:s20] =	ssyncset.done $0x0  }
0x3b: {  	[sflag:s20] =	ssyncadd.s32 $0xFFFFE000  }
0x3c: {  	[spmem:s12] =	stream.linear.scatter [tilespmem:s19], [sflag:$0x7], $0x2000, $0x38;
	[tilespmem:$0x1F000] =	vst v63  }
0x3d: {  	_ =	swait.ge [sflag:s20], $0x2000  }
0x3e: {  	[sflag:s20] =	ssyncset.done $0x0  }
0x3f: {  	[sflag:s20] =	ssyncadd.s32 $0xFFFFE000  }
0x40: {  	[spmem:s13] =	stream.linear.scatter [tilespmem:s19], [sflag:$0x7], $0x2000, $0x38;
	[tilespmem:$0x1F000] =	vst v63  }
0x41: {  	_ =	swait.ge [sflag:s20], $0x2000  }
0x42: {  	[sflag:s20] =	ssyncset.done $0x0  }
0x43: {  	[sflag:s20] =	ssyncadd.s32 $0xFFFFE000  }
0x44: {  	[spmem:s14] =	stream.linear.scatter [tilespmem:s19], [sflag:$0x7], $0x2000, $0x38;
	[tilespmem:$0x1F000] =	vst v63  }
0x45: {  	_ =	swait.ge [sflag:s20], $0x2000  }
0x46: {  	[sflag:s20] =	ssyncset.done $0x0  }
0x47: {  	[sflag:s20] =	ssyncadd.s32 $0xFFFFE000  }
0x48: {  	s7 =	simm.s32 $0x0;
	[bflag:$0x0] =	sbarrier.arrive $0xFFFF  }
0x49: {  	[tilespmem:s7], [sflag:$0x7] =	stream.linear.gather [hbm4b:s15+s7], $0x2800, $0x38;
	[tilespmem:$0x1F000] =	vst v63  }
0x4a: {  	_ =	swait.ge [sflag:s20], $0x2800  }
0x4b: {  	[sflag:s20] =	ssyncset.done $0x0  }
0x4c: {  	[sflag:s20] =	ssyncadd.s32 $0xFFFFD800  }
0x4d: {  	[tilespmem:s21], [sflag:$0x7] =	stream.linear.gather [hbm4b:s16+s7], $0x2800, $0x38;
	[tilespmem:$0x1F000] =	vst v63  }
0x4e: {  	_ =	swait.ge [sflag:s20], $0x2800  }
0x4f: {  	[sflag:s20] =	ssyncset.done $0x0  }
0x50: {  	[sflag:s20] =	ssyncadd.s32 $0xFFFFD800  }
0x51: {  	[tilespmem:s19], [sflag:$0x1] =	stream.indirect.gather [hbm4b:s4+s22], $0x80, s7, s22, $0xb8;
	[tilespmem:$0x1F000] =	vst v63  }
0x52: {  	_ = 	snop  }
0x53: {  	[tilespmem:s23], [sflag:$0x2] =	stream.indirect.gather [hbm4b:s4+s22], $0x80, s22, s22, $0xb8;
	[tilespmem:$0x1F000] =	vst v63  }
0x54: {  	s6 =	simm.s32 $0x80  }
0x55: {  	[tilespmem:s25], [sflag:$0x3] =	stream.indirect.gather [hbm4b:s4+s22], $0x80, s6, s22, $0xb8;
	[tilespmem:$0x1F000] =	vst v63  }
0x56: {  	_ =	swait.ge [sflag:s26], $0x2000  }
0x57: {  	[sflag:s26] =	ssyncset.done $0x0  }
0x58: {  	[sflag:s26] =	ssyncadd.s32 $0xFFFFE000  }
0x59: {  	[spmem:s2] =	stream.indirect.scatter.add.f32 [tilespmem:s19], [sflag:$0x4], $0x80, s21, s22, $0xb8;
	[tilespmem:$0x1F000] =	vst v63  }
0x5a: {  	_ =	swait.ge [sflag:s28], $0x2000  }
0x5b: {  	[sflag:s28] =	ssyncset.done $0x0  }
0x5c: {  	s7 =	simm.s32 $0xC0;
	[sflag:s28] =	ssyncadd.s32 $0xFFFFE000  }
0x5d: {  	[tilespmem:s19], [sflag:$0x1] =	stream.indirect.gather [hbm4b:s4+s22], $0x80, s7, s22, $0xb8;
	[tilespmem:$0x1F000] =	vst v63  }
0x5e: {  	_ =	swait.ge [sflag:s30], $0x2000  }
0x5f: {  	[sflag:s30] =	ssyncset.done $0x0  }
0x60: {  	s6 =	simm.s32 $0x2840;
	[sflag:s30] =	ssyncadd.s32 $0xFFFFE000  }
0x61: {  	[spmem:s2] =	stream.indirect.scatter.add.f32 [tilespmem:s23], [sflag:$0x5], $0x80, s6, s22, $0xb8;
	[tilespmem:$0x1F000] =	vst v63  }
0x62: {  	_ =	swait.ge [sflag:s1], $0x2000  }
0x63: {  	[sflag:s1] =	ssyncset.done $0x0  }
0x64: {  	s7 =	simm.s32 $0x100;
	[sflag:s1] =	ssyncadd.s32 $0xFFFFE000  }
0x65: {  	[tilespmem:s23], [sflag:$0x2] =	stream.indirect.gather [hbm4b:s4+s22], $0x80, s7, s22, $0xb8;
	[tilespmem:$0x1F000] =	vst v63  }
0x66: {  	_ =	swait.ge [sflag:s24], $0x2000  }
0x67: {  	[sflag:s24] =	ssyncset.done $0x0  }
0x68: {  	s6 =	simm.s32 $0x2880;
	[sflag:s24] =	ssyncadd.s32 $0xFFFFE000  }
0x69: {  	[spmem:s2] =	stream.indirect.scatter.add.f32 [tilespmem:s25], [sflag:$0x6], $0x80, s6, s22, $0xb8;
	[tilespmem:$0x1F000] =	vst v63  }
0x6a: {  	_ =	swait.ge [sflag:s31], $0x2000  }
0x6b: {  	[sflag:s31] =	ssyncset.done $0x0  }
0x6c: {  	s7 =	simm.s32 $0x140;
	[sflag:s31] =	ssyncadd.s32 $0xFFFFE000  }
0x6d: {  	[tilespmem:s25], [sflag:$0x3] =	stream.indirect.gather [hbm4b:s4+s22], $0x80, s7, s22, $0xb8;
	[tilespmem:$0x1F000] =	vst v63  }
0x6e: {  	_ =	swait.ge [sflag:s26], $0x2000  }
0x6f: {  	[sflag:s26] =	ssyncset.done $0x0  }
0x70: {  	s6 =	simm.s32 $0x28C0;
	[sflag:s26] =	ssyncadd.s32 $0xFFFFE000  }
0x71: {  	[spmem:s2] =	stream.indirect.scatter.add.f32 [tilespmem:s19], [sflag:$0x4], $0x80, s6, s22, $0xb8;
	[tilespmem:$0x1F000] =	vst v63  }
0x72: {  	_ =	swait.ge [sflag:s28], $0x2000  }
0x73: {  	[sflag:s28] =	ssyncset.done $0x0  }
0x74: {  	s7 =	simm.s32 $0x180;
	[sflag:s28] =	ssyncadd.s32 $0xFFFFE000  }
0x75: {  	[tilespmem:s19], [sflag:$0x1] =	stream.indirect.gather [hbm4b:s4+s22], $0x80, s7, s22, $0xb8;
	[tilespmem:$0x1F000] =	vst v63  }
0x76: {  	_ =	swait.ge [sflag:s30], $0x2000  }
0x77: {  	[sflag:s30] =	ssyncset.done $0x0  }
0x78: {  	s6 =	simm.s32 $0x2900;
	[sflag:s30] =	ssyncadd.s32 $0xFFFFE000  }
0x79: {  	[spmem:s2] =	stream.indirect.scatter.add.f32 [tilespmem:s23], [sflag:$0x5], $0x80, s6, s22, $0xb8;
	[tilespmem:$0x1F000] =	vst v63  }
0x7a: {  	_ =	swait.ge [sflag:s1], $0x2000  }
0x7b: {  	[sflag:s1] =	ssyncset.done $0x0  }
0x7c: {  	s7 =	simm.s32 $0x1C0;
	[sflag:s1] =	ssyncadd.s32 $0xFFFFE000  }
0x7d: {  	[tilespmem:s23], [sflag:$0x2] =	stream.indirect.gather [hbm4b:s4+s22], $0x80, s7, s22, $0xb8;
	[tilespmem:$0x1F000] =	vst v63  }
0x7e: {  	_ =	swait.ge [sflag:s24], $0x2000  }
0x7f: {  	[sflag:s24] =	ssyncset.done $0x0  }
0x80: {  	s29 =	simm.s32 $0x300;
	s3 =	simm.s32 $0x2940;
	[sflag:s24] =	ssyncadd.s32 $0xFFFFE000  }
.LBB2_4:
0x81: {  	[spmem:s2] =	stream.indirect.scatter.add.f32 [tilespmem:s25], [sflag:$0x6], $0x80, s3, s22, $0xb8;
	[tilespmem:$0x1F000] =	vst v63  }
0x82: {  	s3 =	smov.u32 s29  }
0x83: {  	p0 =	sne.s32 s29, $0x9600;
	s29 =	sadd.s32 $0x300, s29;
	_ =	swait.ge [sflag:s31], $0x2000  }
0x84: {  	s3 =	sshra.s32 s3, $0x2;
	[sflag:s31] =	ssyncset.done $0x0  }
0x85: {  	s6 =	sadd.s32 $0x140, s3;
	[sflag:s31] =	ssyncadd.s32 $0xFFFFE000  }
0x86: {  	[tilespmem:s25], [sflag:$0x3] =	stream.indirect.gather [hbm4b:s4+s22], $0x80, s6, s22, $0xb8;
	[tilespmem:$0x1F000] =	vst v63  }
0x87: {  	_ =	swait.ge [sflag:s26], $0x2000  }
0x88: {  	[sflag:s26] =	ssyncset.done $0x0  }
0x89: {  	s6 =	sadd.s32 $0x28C0, s3;
	[sflag:s26] =	ssyncadd.s32 $0xFFFFE000  }
0x8a: {  	[spmem:s2] =	stream.indirect.scatter.add.f32 [tilespmem:s19], [sflag:$0x4], $0x80, s6, s22, $0xb8;
	[tilespmem:$0x1F000] =	vst v63  }
0x8b: {  	_ =	swait.ge [sflag:s28], $0x2000  }
0x8c: {  	[sflag:s28] =	ssyncset.done $0x0  }
0x8d: {  	s6 =	sadd.s32 $0x180, s3;
	[sflag:s28] =	ssyncadd.s32 $0xFFFFE000  }
0x8e: {  	[tilespmem:s19], [sflag:$0x1] =	stream.indirect.gather [hbm4b:s4+s22], $0x80, s6, s22, $0xb8;
	[tilespmem:$0x1F000] =	vst v63  }
0x8f: {  	_ =	swait.ge [sflag:s30], $0x2000  }
0x90: {  	[sflag:s30] =	ssyncset.done $0x0  }
0x91: {  	s6 =	sadd.s32 $0x2900, s3;
	[sflag:s30] =	ssyncadd.s32 $0xFFFFE000  }
0x92: {  	[spmem:s2] =	stream.indirect.scatter.add.f32 [tilespmem:s23], [sflag:$0x5], $0x80, s6, s22, $0xb8;
	[tilespmem:$0x1F000] =	vst v63  }
0x93: {  	_ =	swait.ge [sflag:s1], $0x2000  }
0x94: {  	[sflag:s1] =	ssyncset.done $0x0  }
.Ltmp1:
0x95: {  	s6 =	sadd.s32 $0x1C0, s3;
	[sflag:s1] =	ssyncadd.s32 $0xFFFFE000;
	(pc) =	sbr.rel @p0 .LBB2_4-.Ltmp1, $4  }
0x96: {  	[tilespmem:s23], [sflag:$0x2] =	stream.indirect.gather [hbm4b:s4+s22], $0x80, s6, s22, $0xb8;
	[tilespmem:$0x1F000] =	vst v63  }
0x97: {  	_ =	swait.ge [sflag:s24], $0x2000  }
0x98: {  	[sflag:s24] =	ssyncset.done $0x0  }
0x99: {  	s3 =	sadd.s32 $0x2940, s3;
	[sflag:s24] =	ssyncadd.s32 $0xFFFFE000  }
0x9a: {  	[spmem:s2] =	stream.indirect.scatter.add.f32 [tilespmem:s25], [sflag:$0x6], $0x80, s3, s22, $0xb8;
	[tilespmem:$0x1F000] =	vst v63  }
0x9b: {  	_ =	swait.ge [sflag:s31], $0x2000  }
0x9c: {  	[sflag:s31] =	ssyncset.done $0x0  }
0x9d: {  	s29 =	simm.s32 $0x2780;
	[sflag:s31] =	ssyncadd.s32 $0xFFFFE000  }
0x9e: {  	[tilespmem:s25], [sflag:$0x3] =	stream.indirect.gather [hbm4b:s4+s22], $0x80, s29, s22, $0xb8;
	[tilespmem:$0x1F000] =	vst v63  }
0x9f: {  	_ =	swait.ge [sflag:s26], $0x2000  }
0xa0: {  	[sflag:s26] =	ssyncset.done $0x0  }
0xa1: {  	s6 =	simm.s32 $0x4F00;
	[sflag:s26] =	ssyncadd.s32 $0xFFFFE000  }
0xa2: {  	[spmem:s2] =	stream.indirect.scatter.add.f32 [tilespmem:s19], [sflag:$0x4], $0x80, s6, s22, $0xb8;
	[tilespmem:$0x1F000] =	vst v63  }
0xa3: {  	_ =	swait.ge [sflag:s28], $0x2000  }
0xa4: {  	[sflag:s28] =	ssyncset.done $0x0  }
0xa5: {  	s7 =	simm.s32 $0x27C0;
	[sflag:s28] =	ssyncadd.s32 $0xFFFFE000  }
0xa6: {  	[tilespmem:s19], [sflag:$0x1] =	stream.indirect.gather [hbm4b:s4+s22], $0x80, s7, s22, $0xb8;
	[tilespmem:$0x1F000] =	vst v63  }
0xa7: {  	_ =	swait.ge [sflag:s30], $0x2000  }
0xa8: {  	[sflag:s30] =	ssyncset.done $0x0  }
0xa9: {  	s29 =	simm.s32 $0x4F40;
	[sflag:s30] =	ssyncadd.s32 $0xFFFFE000  }
0xaa: {  	[spmem:s2] =	stream.indirect.scatter.add.f32 [tilespmem:s23], [sflag:$0x5], $0x80, s29, s22, $0xb8;
	[tilespmem:$0x1F000] =	vst v63  }
0xab: {  	_ =	swait.ge [sflag:s1], $0x2000  }
0xac: {  	[sflag:s1] =	ssyncset.done $0x0  }
0xad: {  	[sflag:s1] =	ssyncadd.s32 $0xFFFFE000  }
0xae: {  	_ =	swait.ge [sflag:s24], $0x2000  }
0xaf: {  	[sflag:s24] =	ssyncset.done $0x0  }
0xb0: {  	s6 =	simm.s32 $0x4F80;
	[sflag:s24] =	ssyncadd.s32 $0xFFFFE000  }
0xb1: {  	[spmem:s2] =	stream.indirect.scatter.add.f32 [tilespmem:s25], [sflag:$0x6], $0x80, s6, s22, $0xb8;
	[tilespmem:$0x1F000] =	vst v63  }
0xb2: {  	_ =	swait.ge [sflag:s31], $0x2000  }
0xb3: {  	[sflag:s31] =	ssyncset.done $0x0  }
0xb4: {  	[sflag:s31] =	ssyncadd.s32 $0xFFFFE000  }
0xb5: {  	_ =	swait.ge [sflag:s26], $0x2000  }
0xb6: {  	[sflag:s26] =	ssyncset.done $0x0  }
0xb7: {  	s7 =	simm.s32 $0x4FC0;
	[sflag:s26] =	ssyncadd.s32 $0xFFFFE000  }
0xb8: {  	[spmem:s2] =	stream.indirect.scatter.add.f32 [tilespmem:s19], [sflag:$0x4], $0x80, s7, s22, $0xb8;
	[tilespmem:$0x1F000] =	vst v63  }
0xb9: {  	s29 =	stileid.u32;
	_ =	swait.ge [sflag:s28], $0x2000  }
0xba: {  	s0 =	sadd.s32 $0x1, s0;
	s3 =	sshll.u32 s29, $0x6;
	[sflag:s28] =	ssyncset.done $0x0  }
0xbb: {  	p0 =	sne.s32 s0, s18;
	s3 =	sor.u32 $0x1C07, s3;
	[sflag:s28] =	ssyncadd.s32 $0xFFFFE000  }
.Ltmp2:
0xbc: {  	s6 =	sshrl.u32 s5, $0x3;
	[bflag:$0x0] =	sbarrier.arrive $0xFFFF;
	(pc) =	sbr.rel @p0 .LBB2_1-.Ltmp2, $4  }
0xbd: {  	[hbm:s17], [sflag:s3] =	dma.local [spmem:s6], $0x2800  }
0xbe: {  	_ =	swait.ge [sflag:s20], $0x2800  }
0xbf: {  	[sflag:s20] =	ssyncset.done $0x0  }
0xc0: {  	[sflag:s20] =	ssyncadd.s32 $0xFFFFD800  }
0xc1: {  	_ =	sfence.sel $0x180000  }
0xc2: {  	[bflag:$0x0] =	sbarrier.arrive $0xFFFF  }
0xc3: {  	_ =	strace $0x9000004D  }
0xc4: {  	s0 =	stileid.u32;
	[bflag:$0x2] =	sbarrier.arrive $0xFFFF  }
0xc5: {  	p0 =	sne.s32 s0, $0x0;
	s0 =	rddreg [dreg:$0x3]  }
0xc6: {  	s0 =	sadd.s32 @!p0 $0x100000, s0  }
0xc7: {  	[sflag:s0] =	ssyncadd.tile.s32 @!p0 $0x1;
	_ =	shalt  }
.Lfunc_end2:
_tile_overlayer_lowered:
.L_overlay_start_2:
0xc8: {  	(tag) =	ssettag $0x2  }
0xc9: {  	s0 =	rddreg [dreg:$0x0];
	s2 =	stileid.u32  }
0xca: {  	s1 =	rddreg [dreg:$0x1];
	p0 =	sne.s32 s2, $0x0  }
0xcb: {  	s3 =	rddreg [dreg:$0x2];
	[bflag:$0x3] =	sbarrier.arrive $0xFFFF;
	s2 =	simm.s32 @!p0 $0x1C07  }
0xcc: {  	[timem:s3], [sflag:s2] =	dma.local @!p0 [hbm:s0], s1  }
0xcd: {  	s0 =	simm.s32 @!p0 $0x7  }
0xce: {  	_ =	swait.ge @!p0 [sflag:s0], s1  }
0xcf: {  	s1 =	ssub.s32 @!p0 $0x0, s1;
	[sflag:s0] =	ssyncset.done @!p0 $0x0  }
0xd0: {  	[sflag:s0] =	ssyncadd.s32 @!p0 s1  }
0xd1: {  	[bflag:$0x3] =	sbarrier.arrive $0xFFFF  }
0xd2: {  	_ =	shalt  }

// kernel: kernel.9.cloned.1.call-start
scs
__scs_entry_jumppad:
0x0: {  	(pc) =	sbr.rel $0x88, $3  }
0x1: {  	(tag) =	ssettag $0x0;
	lr =	simm.s32 $0x1  }
0x2: {  	[smem:$0x3F9B] =	sst lr;
	_ =	strace $0xD0000000  }
0x3: {  	_ = 	snop  }
0x4: {  	_ = 	snop  }
0x5: {  	_ = 	snop  }
0x6: {  	_ = 	snop  }
0x7: {  	_ = 	snop  }
__scs_overlays_trampoline_lowered:
0x8: {  	[smem:$0x3FAA] =	sst s0  }
0x9: {  	[smem:$0x3FAB] =	sst s1  }
0xa: {  	[smem:$0x3FAC] =	sst s2  }
0xb: {  	[smem:$0x3FAD] =	sst s3  }
0xc: {  	[smem:$0x3FAE] =	sst s4  }
0xd: {  	[smem:$0x3FAF] =	sst s5  }
0xe: {  	[smem:$0x3FB0] =	sst s6  }
0xf: {  	[smem:$0x3FB1] =	sst s7  }
0x10: {  	[smem:$0x3FB2] =	sst s8  }
0x11: {  	[smem:$0x3FB3] =	sst s9;
	s0 =	simm.s32 @!p0 $0x0  }
0x12: {  	s1 =	sld [smem:$0x3F99];
	s0 =	simm.s32 @p0 $0x1  }
0x13: {  	[smem:$0x3FB4] =	sst s0;
	s0 =	simm.s32 @!p1 $0x0  }
0x14: {  	s2 =	sld [smem:$0x3F98];
	s0 =	simm.s32 @p1 $0x1  }
0x15: {  	[smem:$0x3FB5] =	sst s0;
	s0 =	simm.s32 @!p2 $0x0  }
0x16: {  	s3 =	sld [smem:$0x3FDB];
	s0 =	simm.s32 @p2 $0x1  }
0x17: {  	s4 =	simm.s32 $0x1BF5;
	[smem:$0x3FB7] =	sst s0  }
0x18: {  	s0 =	sld [smem:$0x3F9A];
	_ =	swait.ge [sflag:s4], $0x0  }
0x19: {  	s7 =	sld [smem:$0x3F9B]  }
0x1a: {  	s8 =	sadd.s32 $0xFFFFE003, lr  }
0x1b: {  	s9 =	sadd.s32 $0xFFFFFEF7, lr;
	s5 =	simm.s32 $0xFFFFFFFF;
	p2 =	slt.u32 s8, $0xFFFFF086  }
0x1c: {  	p1 =	slt.u32 s9, $0xF7A;
	s5 =	simm.s32 @!p2 $0x0  }
0x1d: {  	s5 =	simm.s32 @p1 $0x1;
	p0 =	seq.s32 s7, s2  }
0x1e: {  	s7 =	smul.u32 @!p0 $0xF7A, s2;
	p2 =	seq.s32 @!p0 s5, $0x0  }
0x1f: {  	s9 =	smul.u32 $0xF7A, s1;
	s8 =	simm.s32 @!p0 $0x1BF5;
	p2 =	por !p2, p0  }
0x20: {  	[sflag:s8] =	ssyncset.s32 @!p0 $0xFFFFF086;
	s6 =	sadd.s32 @!p0 s3, s7;
	s7 =	simm.s32 @!p0 $0x108  }
0x21: {  	s3 =	sadd.s32 s3, s9;
	s6 =	sadd.s32 @!p0 $0x88, s6;
	s7 =	simm.s32 @p2 $0x1082  }
0x22: {  	[simem:s7], [sflag:s8] =	dma.local @!p0 [hbm:s6], $0xF7A  }
0x23: {  	s9 =	sor.u32 $0xD0000000, s2;
	s6 =	simm.s32 $0x108;
	_ =	swait.ge @!p0 [sflag:s8], $0x0  }
0x24: {  	s3 =	sadd.s32 $0x88, s3;
	s6 =	simm.s32 @!p1 $0x1082;
	[sflag:s4] =	ssyncset.s32 $0xFFFFF086  }
0x25: {  	[simem:s6], [sflag:s4] =	dma.local [hbm:s3], $0xF7A  }
0x26: {  	[smem:$0x3F9B] =	sst s1;
	(tag) =	ssettag s2;
	_ =	strace s9  }
0x27: {  	s1 =	sld [smem:$0x3FAB]  }
0x28: {  	s2 =	sld [smem:$0x3FAC]  }
0x29: {  	s4 =	sld [smem:$0x3FAE]  }
0x2a: {  	p0 =	seq.s32 s5, $0x0;
	s5 =	sld [smem:$0x3FAF]  }
0x2b: {  	s6 =	sld [smem:$0x3FB0]  }
0x2c: {  	s7 =	sld [smem:$0x3FB1]  }
0x2d: {  	s3 =	simm.s32 $0x108;
	s8 =	sld [smem:$0x3FB2]  }
0x2e: {  	s3 =	simm.s32 @!p0 $0x1082;
	s9 =	sld [smem:$0x3FB3]  }
0x2f: {  	lr =	sadd.s32 s0, s3;
	s0 =	sld [smem:$0x3FAA]  }
0x30: {  	s3 =	sld [smem:$0x3FAD]  }
0x31: {  	[smem:$0x3FB6] =	sst s10  }
0x32: {  	s10 =	sld [smem:$0x3FB4];
	_ =	sdelay $0x3  }
0x33: {  	p0 =	seq.s32 s10, $0x1;
	s10 =	sld [smem:$0x3FB6];
	_ =	sdelay $0x3  }
0x34: {  	[smem:$0x3FB6] =	sst s10  }
0x35: {  	s10 =	sld [smem:$0x3FB5];
	_ =	sdelay $0x3  }
0x36: {  	p1 =	seq.s32 s10, $0x1;
	s10 =	sld [smem:$0x3FB6];
	_ =	sdelay $0x3  }
0x37: {  	[smem:$0x3FB6] =	sst s10  }
0x38: {  	s10 =	sld [smem:$0x3FB7]  }
0x39: {  	_ = 	snop;
	(pc) =	sbr.ind lr, $3  }
0x3a: {  	_ = 	snop  }
0x3b: {  	_ = 	snop  }
0x3c: {  	p2 =	seq.s32 s10, $0x1;
	s10 =	sld [smem:$0x3FB6]  }
0x3d: {  	_ =	shalt  }
0x3e: {  	_ =	shalt  }
0x3f: {  	_ =	shalt  }
0x40: {  	_ =	shalt  }
0x41: {  	_ =	shalt  }
0x42: {  	_ =	shalt  }
0x43: {  	_ =	shalt  }
0x44: {  	_ =	shalt  }
0x45: {  	_ =	shalt  }
0x46: {  	_ =	shalt  }
0x47: {  	_ =	shalt  }
0x48: {  	_ =	shalt  }
0x49: {  	_ =	shalt  }
0x4a: {  	_ =	shalt  }
0x4b: {  	_ =	shalt  }
0x4c: {  	_ =	shalt  }
0x4d: {  	_ =	shalt  }
0x4e: {  	_ =	shalt  }
0x4f: {  	_ =	shalt  }
0x50: {  	_ =	shalt  }
0x51: {  	_ =	shalt  }
0x52: {  	_ =	shalt  }
0x53: {  	_ =	shalt  }
0x54: {  	_ =	shalt  }
0x55: {  	_ =	shalt  }
0x56: {  	_ =	shalt  }
0x57: {  	_ =	shalt  }
0x58: {  	_ =	shalt  }
0x59: {  	_ =	shalt  }
0x5a: {  	_ =	shalt  }
0x5b: {  	_ =	shalt  }
0x5c: {  	_ =	shalt  }
0x5d: {  	_ =	shalt  }
0x5e: {  	_ =	shalt  }
0x5f: {  	_ =	shalt  }
0x60: {  	_ =	shalt  }
0x61: {  	_ =	shalt  }
0x62: {  	_ =	shalt  }
0x63: {  	_ =	shalt  }
0x64: {  	_ =	shalt  }
0x65: {  	_ =	shalt  }
0x66: {  	_ =	shalt  }
0x67: {  	_ =	shalt  }
0x68: {  	_ =	shalt  }
0x69: {  	_ =	shalt  }
0x6a: {  	_ =	shalt  }
0x6b: {  	_ =	shalt  }
0x6c: {  	_ =	shalt  }
0x6d: {  	_ =	shalt  }
0x6e: {  	_ =	shalt  }
0x6f: {  	_ =	shalt  }
0x70: {  	_ =	shalt  }
0x71: {  	_ =	shalt  }
0x72: {  	_ =	shalt  }
0x73: {  	_ =	shalt  }
0x74: {  	_ =	shalt  }
0x75: {  	_ =	shalt  }
0x76: {  	_ =	shalt  }
0x77: {  	_ =	shalt  }
0x78: {  	_ =	shalt  }
0x79: {  	_ =	shalt  }
0x7a: {  	_ =	shalt  }
0x7b: {  	_ =	shalt  }
0x7c: {  	_ =	shalt  }
0x7d: {  	_ =	shalt  }
0x7e: {  	_ =	shalt  }
0x7f: {  	_ =	shalt  }
0x80: {  	_ =	shalt  }
0x81: {  	_ =	shalt  }
0x82: {  	_ =	shalt  }
0x83: {  	_ =	shalt  }
0x84: {  	_ =	shalt  }
0x85: {  	_ =	shalt  }
0x86: {  	_ =	shalt  }
0x87: {  	_ =	shalt  }
.Lfunc_end0:
.L_simem_size_0:
called_computation_lowered:
.L_overlay_start_0:
0x88: {  	s2 =	sld [smem:$0x3FD9]  }
0x89: {  	s3 =	sld [smem:$0x3FFE];
	_ =	sdelay $0x1  }
0x8a: {  	s1 =	srdreg.scid  }
0x8b: {  	s0 =	sand.u32 $0x1, s1  }
0x8c: {  	s17 =	sshll.u32 s0, $0xA;
	s2 =	sadd.s32 s3, s2  }
0x8d: {  	s2 =	sadd.s32 s2, s17  }
0x8e: {  	[smem:$0x3FC2] =	sst s2  }
0x8f: {  	_ = 	snop  }
0x90: {  	s2 =	sld [smem:$0x3FD0];
	(tm) =	ssettm $0x1  }
0x91: {  	s18 =	sld [smem:$0x3FFB];
	_ =	sdelay $0x3  }
0x92: {  	_ =	strace s18  }
0x93: {  	s3 =	sld [smem:$0x3FFC];
	_ =	sdelay $0x3  }
0x94: {  	_ =	strace s3  }
0x95: {  	s3 =	sld [smem:$0x3FFD];
	_ =	sdelay $0x3  }
0x96: {  	_ =	strace s3  }
0x97: {  	_ =	strace $0x8FFFFFFF  }
0x98: {  	s19 =	sld [smem:$0x3FDB];
	_ =	sdelay $0x1  }
0x99: {  	s4 =	simm.s32 $_scs_section_size  }
0x9a: {  	s5 =	simm.s32 $_size__tile_overlayer_lowered;
	s6 =	simm.s32 $_tile_overlayer_lowered  }
0x9b: {  	s22 =	simm.s32 $0x1BFF;
	s21 =	sshll.u32 s6, $0x1;
	s3 =	sadd.s32 s4, s19  }
0x9c: {  	s7 =	simm.s32 $0x0;
	s20 =	sshll.u32 s5, $0x1;
	s5 =	sadd.s32 s21, s3  }
0x9d: {  	[timem:s7], [sflag:s22] =	dma.local [hbm:s5], s20  }
0x9e: {  	_ =	swait.ge [sflag:s22], s20  }
0x9f: {  	s4 =	ssub.s32 $0x0, s20;
	[sflag:s22] =	ssyncset.done $0x0  }
0xa0: {  	[sflag:s22] =	ssyncadd.s32 s4;
	_ =	sdelay $0x1  }
0xa1: {  	s23 =	simm.s32 $0x1B8B  }
0xa2: {  	_ =	swait.ge [sflag:s23], $0x1  }
0xa3: {  	[sflag:s23] =	ssyncset.done $0x0  }
0xa4: {  	s25 =	simm.s32 $0x1B8E;
	s24 =	sld [smem:$0x3FFE];
	[sflag:s23] =	ssyncadd.s32 $0xFFFFFFFF  }
0xa5: {  	s26 =	simm.s32 $execute0_lowered;
	[smem:$0x3FD2] =	sst s25  }
0xa6: {  	s5 =	sshll.u32 s26, $0x1;
	_ =	strace $0x80000046;
	[dreg:$0x1] =	wrdreg $0xFFFFFFFF  }
0xa7: {  	s28 =	simm.s32 $_size_execute0_lowered;
	s3 =	sadd.s32 s3, s5;
	[dreg:$0x0] =	wrdreg $0x0  }
0xa8: {  	s5 =	sshll.u32 s28, $0x1;
	[dreg:$0x2] =	wrdreg s3  }
0xa9: {  	[dreg:$0x3] =	wrdreg s5  }
0xaa: {  	[dreg:$0x4] =	wrdreg $0xC0  }
0xab: {  	_ =	task [dreg:s7], $0x5FFFF  }
0xac: {  	[dreg:$0x1] =	wrdreg $0xFFFFFFFF  }
0xad: {  	[dreg:$0x0] =	wrdreg $0x60  }
0xae: {  	[dreg:$0x2] =	wrdreg s2  }
0xaf: {  	[dreg:$0x3] =	wrdreg s24  }
0xb0: {  	[dreg:$0x4] =	wrdreg $0x29000  }
0xb1: {  	[dreg:$0x5] =	wrdreg $0x9  }
0xb2: {  	_ =	task.clear_ibuf [dreg:s7], $0x6FFFF;
	_ =	strace $0x90000046  }
0xb3: {  	s29 =	simm.s32 $0x9;
	_ =	strace $0x80000048  }
0xb4: {  	_ =	swait.ge [sflag:s29], $0x1  }
0xb5: {  	[sflag:s29] =	ssyncadd.s32 $0xFFFFFFFF  }
0xb6: {  	_ =	strace $0x90000048  }
0xb7: {  	_ =	sfence  }
0xb8: {  	s30 =	sld [smem:$0x0];
	_ =	sdelay $0x2  }
0xb9: {  	s31 =	sshll.u32 s1, $0xD;
	s1 =	sshrl.u32 s1, $0x2  }
0xba: {  	s3 =	sand.u32 $0x4000, s31;
	s1 =	sadd.s32 s1, s30  }
0xbb: {  	s0 =	sor.u32 s3, s0;
	s1 =	sshll.u32 s1, $0x11  }
0xbc: {  	s0 =	sor.u32 s1, s0  }
0xbd: {  	s0 =	sadd.s32 $0x8F2B, s0  }
0xbe: {  	[sflag:s0] =	ssyncadd.remote.s32 $0x1  }
0xbf: {  	_ =	sfence.sel $0xFFFF  }
0xc0: {  	[dreg:$0x0] =	wrdreg $0xFFFFFFFF;
	(pc) =	sbr.abs _section_cstart, $3  }
0xc1: {  	[dreg:$0x1] =	wrdreg $0xFFFFFFFF  }
0xc2: {  	_ =	task.clear_ibuf [dreg:s7], $0x2FFFF;
	_ =	strace $0x9FFFFFFF  }
0xc3: {  	(tm) =	ssettm $0x7FFFFFFF  }
tec
execute0_lowered:
.L_overlay_start_1:
0x0: {  	(tag) =	ssettag $0x1  }
0x1: {  	s9 =	rddreg [dreg:$0x0]  }
0x2: {  	s4 =	rddreg [dreg:$0x1]  }
0x3: {  	s1 =	srdreg.scid;
	s0 =	stileid.u32  }
0x4: {  	s2 =	rddreg [dreg:$0x2];
	s3 =	simm.s32 $0x0;
	s13 =	simm.s32 $0x1  }
0x5: {  	s14 =	simm.s32 $0x80;
	s15 =	simm.s32 $0x2800;
	s18 =	simm.s32 $0x0  }
0x6: {  	s5 =	sand.u32 $0x1, s1;
	s6 =	smul.u32 $0x280, s0;
	s1 =	rddreg [dreg:$0x3]  }
0x7: {  	[smem:$0x7FF] =	sst s3;
	s10 =	smul.u32 $0xA00, s0;
	s16 =	sshll.u32 s0, $0x6  }
0x8: {  	s7 =	smul.u32 $0x2800, s5;
	_ =	strace $0x80000047;
	s8 =	ssub.s32 $0x2, s5  }
0x9: {  	s5 =	sshll.u32 s5, $0x4;
	s16 =	sor.u32 $0x1C01, s16;
	s28 =	sshrl.u32 s8, $0x1  }
0xa: {  	s5 =	sor.u32 s0, s5;
	s29 =	sshrl.u32 s10, $0x2;
	s7 =	sadd.s32 s6, s7  }
0xb: {  	s12 =	ssub.s32 s8, s28;
	s30 =	sadd.s32 s29, s2;
	s31 =	smul.u32 $0x500, s5  }
0xc: {  	s7 =	sshrl.u32 s7, $0x3;
	s5 =	sadd.s32 $0x80, s30;
	s8 =	sadd.s32 $0x200, s30  }
0xd: {  	s11 =	sadd.s32 s7, s4;
	s4 =	sadd.s32 s6, s2;
	s6 =	sadd.s32 $0x100, s30  }
0xe: {  	s7 =	sadd.s32 $0x180, s30;
	s9 =	sadd.s32 s9, s31;
	s10 =	sadd.s32 $0xCE00, s11  }
0xf: {  	v0 =	vimm.f32 $1.000000000e+00;
	v1 =	vimm.f32 $0.0e+00;
	s11 =	smax.u32 s12, $0x1;
	s12 =	simm.s32 $0x2880;
	s17 =	sshrl.u32 s4, $0x3  }
.LBB2_1:
0x10: {  	[tilespmem:$0x2800] =	vst v0  }
0x11: {  	[tilespmem:$0x2880] =	vst v1  }
0x12: {  	[tilespmem:$0x2810] =	vst v0  }
0x13: {  	[tilespmem:$0x2890] =	vst v1  }
0x14: {  	[tilespmem:$0x2820] =	vst v0  }
0x15: {  	[tilespmem:$0x28A0] =	vst v1  }
0x16: {  	[tilespmem:$0x2830] =	vst v0  }
0x17: {  	[tilespmem:$0x28B0] =	vst v1  }
0x18: {  	[tilespmem:$0x2840] =	vst v0  }
0x19: {  	[tilespmem:$0x28C0] =	vst v1  }
0x1a: {  	[tilespmem:$0x2850] =	vst v0  }
0x1b: {  	[tilespmem:$0x28D0] =	vst v1  }
0x1c: {  	[tilespmem:$0x2860] =	vst v0  }
0x1d: {  	[tilespmem:$0x28E0] =	vst v1  }
0x1e: {  	[tilespmem:$0x2870] =	vst v0  }
0x1f: {  	[tilespmem:$0x28F0] =	vst v1  }
0x20: {  	[spmem:s4] =	stream.linear.scatter [tilespmem:s12], [sflag:$0x1], $0x80, $0x38;
	[tilespmem:$0x2B80] =	vst v63  }
0x21: {  	_ =	swait.ge [sflag:s13], $0x80  }
0x22: {  	[sflag:s13] =	ssyncset.done $0x0  }
0x23: {  	[sflag:s13] =	ssyncadd.s32 $0xFFFFFF80  }
0x24: {  	[spmem:s5] =	stream.linear.scatter [tilespmem:s12], [sflag:$0x1], $0x80, $0x38;
	[tilespmem:$0x2B80] =	vst v63  }
0x25: {  	_ =	swait.ge [sflag:s13], $0x80  }
0x26: {  	[sflag:s13] =	ssyncset.done $0x0  }
0x27: {  	[sflag:s13] =	ssyncadd.s32 $0xFFFFFF80  }
0x28: {  	[spmem:s6] =	stream.linear.scatter [tilespmem:s12], [sflag:$0x1], $0x80, $0x38;
	[tilespmem:$0x2B80] =	vst v63  }
0x29: {  	_ =	swait.ge [sflag:s13], $0x80  }
0x2a: {  	[sflag:s13] =	ssyncset.done $0x0  }
0x2b: {  	[sflag:s13] =	ssyncadd.s32 $0xFFFFFF80  }
0x2c: {  	[spmem:s7] =	stream.linear.scatter [tilespmem:s12], [sflag:$0x1], $0x80, $0x38;
	[tilespmem:$0x2B80] =	vst v63  }
0x2d: {  	_ =	swait.ge [sflag:s13], $0x80  }
0x2e: {  	[sflag:s13] =	ssyncset.done $0x0  }
0x2f: {  	[sflag:s13] =	ssyncadd.s32 $0xFFFFFF80  }
0x30: {  	[spmem:s8] =	stream.linear.scatter [tilespmem:s12], [sflag:$0x1], $0x80, $0x38;
	[tilespmem:$0x2B80] =	vst v63  }
0x31: {  	_ =	swait.ge [sflag:s13], $0x80  }
0x32: {  	[sflag:s13] =	ssyncset.done $0x0  }
0x33: {  	[sflag:s13] =	ssyncadd.s32 $0xFFFFFF80  }
0x34: {  	[bflag:$0x0] =	sbarrier.arrive $0xFFFF  }
0x35: {  	[tilespmem:s3], [sflag:$0x1] =	stream.linear.gather [hbm4b:s9+s3], $0x2800, $0x38;
	[tilespmem:$0x2B80] =	vst v63  }
0x36: {  	_ =	swait.ge [sflag:s13], $0x2800  }
0x37: {  	[sflag:s13] =	ssyncset.done $0x0  }
0x38: {  	s19 =	simm.s32 $0x0;
	[sflag:s13] =	ssyncadd.s32 $0xFFFFD800  }
0x39: {  	[spmem:s2] =	stream.indirect.scatter.add.f32 [tilespmem:s15], [sflag:$0x1], $0x1, s19, s14, $0xb8;
	[tilespmem:$0x2B80] =	vst v63  }
0x3a: {  	_ =	swait.ge [sflag:s13], $0x80  }
0x3b: {  	s19 =	simm.s32 $0x200;
	[sflag:s13] =	ssyncset.done $0x0  }
.LBB2_2:
0x3c: {  	s20 =	sshra.s32 s19, $0x2;
	[sflag:s13] =	ssyncadd.s32 $0xFFFFFF80;
	p0 =	sne.s32 s19, $0x9E00  }
0x3d: {  	[spmem:s2] =	stream.indirect.scatter.add.f32 [tilespmem:s15], [sflag:$0x1], $0x1, s20, s14, $0xb8;
	[tilespmem:$0x2B80] =	vst v63  }
.Ltmp0:
0x3e: {  	_ = 	snop;
	(pc) =	sbr.rel @p0 .LBB2_2-.Ltmp0, $4  }
0x3f: {  	_ = 	snop  }
0x40: {  	s19 =	sadd.s32 $0x200, s19  }
0x41: {  	_ =	swait.ge [sflag:s13], $0x80  }
0x42: {  	[sflag:s13] =	ssyncset.done $0x0  }
0x43: {  	s18 =	sadd.s32 $0x1, s18  }
0x44: {  	[sflag:s13] =	ssyncadd.s32 $0xFFFFFF80;
	p0 =	sne.s32 s18, s11  }
.Ltmp1:
0x45: {  	[bflag:$0x0] =	sbarrier.arrive $0xFFFF;
	(pc) =	sbr.rel @p0 .LBB2_1-.Ltmp1, $4  }
0x46: {  	[hbm:s10], [sflag:s16] =	dma.local [spmem:s17], $0x50  }
0x47: {  	_ =	swait.ge [sflag:s13], $0x50  }
0x48: {  	[sflag:s13] =	ssyncset.done $0x0  }
0x49: {  	[sflag:s13] =	ssyncadd.s32 $0xFFFFFFB0  }
0x4a: {  	_ =	sfence.sel $0x180000  }
0x4b: {  	[bflag:$0x0] =	sbarrier.arrive $0xFFFF  }
0x4c: {  	p0 =	sne.s32 s0, $0x0;
	_ =	strace $0x90000047  }
0x4d: {  	s0 =	sadd.s32 @!p0 $0x100000, s1;
	[bflag:$0x2] =	sbarrier.arrive $0xFFFF  }
0x4e: {  	[sflag:s0] =	ssyncadd.tile.s32 @!p0 $0x1;
	_ =	shalt  }
.Lfunc_end2:
_tile_overlayer_lowered:
.L_overlay_start_2:
0x4f: {  	(tag) =	ssettag $0x2  }
0x50: {  	s0 =	rddreg [dreg:$0x0];
	s2 =	stileid.u32  }
0x51: {  	s1 =	rddreg [dreg:$0x1];
	p0 =	sne.s32 s2, $0x0  }
0x52: {  	s3 =	rddreg [dreg:$0x2];
	[bflag:$0x3] =	sbarrier.arrive $0xFFFF;
	s2 =	simm.s32 @!p0 $0x1C01  }
0x53: {  	[timem:s3], [sflag:s2] =	dma.local @!p0 [hbm:s0], s1  }
0x54: {  	s0 =	simm.s32 @!p0 $0x1  }
0x55: {  	_ =	swait.ge @!p0 [sflag:s0], s1  }
0x56: {  	s1 =	ssub.s32 @!p0 $0x0, s1;
	[sflag:s0] =	ssyncset.done @!p0 $0x0  }
0x57: {  	[sflag:s0] =	ssyncadd.s32 @!p0 s1  }
0x58: {  	[bflag:$0x3] =	sbarrier.arrive $0xFFFF  }
0x59: {  	_ =	shalt  }

</sc_bundles>
